<compile_context>
chip_gen: v7x
topology: tpu7x:2x2x1
jax: 0.10.2.dev20260603
libtpu: 0.0.44.dev20260713+nightly
codegen_flags: <defaults>
</compile_context>

<pallas_src>
import functools

import jax
import jax.numpy as jnp
from jax import lax
from jax.experimental import pallas as pl
from jax.experimental.pallas import tpu as pltpu
from jax.experimental.pallas import tpu_sc as plsc

NUM_FIELDS = 26
VOCAB = 100000
EMBED_DIM = 16
BATCH = 16384

N_JOBS = NUM_FIELDS * EMBED_DIM
NW = 32
JOBS_PER_W = N_JOBS // NW
CHUNK = 4096
N_CHUNKS = BATCH // CHUNK
UNROLL = 32


def _build_sc_gather():
    mesh = plsc.VectorSubcoreMesh(core_axis_name="c", subcore_axis_name="s")

    @functools.partial(
        pl.kernel,
        out_type=jax.ShapeDtypeStruct((N_JOBS, BATCH), jnp.float32),
        mesh=mesh,
        scratch_types=[
            pltpu.VMEM((VOCAB,), jnp.float32),
            pltpu.VMEM((BATCH,), jnp.int32),
            pltpu.VMEM((2, CHUNK), jnp.float32),
            pltpu.SemaphoreType.DMA,
        ],
        compiler_params=pltpu.CompilerParams(use_tc_tiling_on_sc=True,
                                             needs_layout_passes=False),
    )
    def gather_kernel(xt_hbm, tab_hbm, out_hbm, slab_v, col_v, obuf_v,
                      w_sem):
        wid = lax.axis_index("s") * 2 + lax.axis_index("c")
        j0 = wid * JOBS_PER_W

        def do_job(t, carry):
            j = j0 + t
            f = j // EMBED_DIM
            pltpu.sync_copy(tab_hbm.at[f, j - f * EMBED_DIM], slab_v)

            @pl.when(jnp.logical_or(t == 0, f * EMBED_DIM == j))
            def _():
                pltpu.sync_copy(xt_hbm.at[f], col_v)

            for k in range(N_CHUNKS):
                half = k % 2
                if k >= 2:
                    pltpu.make_async_copy(
                        obuf_v.at[half],
                        out_hbm.at[j0, pl.ds(0, CHUNK)], w_sem).wait()
                elif k < 2:
                    @pl.when(t > 0)
                    def _():
                        pltpu.make_async_copy(
                            obuf_v.at[half],
                            out_hbm.at[j0, pl.ds(0, CHUNK)], w_sem).wait()

                def gath(p, c2):
                    base = k * CHUNK + p * (16 * UNROLL)
                    for u in range(UNROLL):
                        sl = pl.ds(base + u * 16, 16)
                        osl = pl.ds(base + u * 16 - k * CHUNK, 16)
                        idx = col_v[sl]
                        obuf_v[half, osl] = plsc.load_gather(slab_v, [idx])
                    return c2

                lax.fori_loop(0, CHUNK // (16 * UNROLL), gath, 0)
                pltpu.async_copy(obuf_v.at[half],
                                 out_hbm.at[j, pl.ds(k * CHUNK, CHUNK)],
                                 w_sem)
            return carry

        lax.fori_loop(0, JOBS_PER_W, do_job, 0)
        for _ in range(2):
            pltpu.make_async_copy(obuf_v.at[0],
                                  out_hbm.at[j0, pl.ds(0, CHUNK)],
                                  w_sem).wait()

    return gather_kernel


_sc_gather = _build_sc_gather()


@jax.jit
def kernel(x, tables):
    xt = x.astype(jnp.int32).T
    tabt = tables.transpose(0, 2, 1)
    out = _sc_gather(xt, tabt)
    return out.reshape(NUM_FIELDS, EMBED_DIM, BATCH).transpose(2, 0, 1)

# --- scband reference (transcript-rebuilt; emitter-appended) ---
"""Pipeline reference for scband-features-embedding-60241211293746 (READ-ONLY COPY).

The authoritative reference and input builder live on the scoring server;
editing this copy changes nothing except your own understanding.
"""

import jax, jax.numpy as jnp
import numpy as np

NUM_FIELDS = 26
VOCAB = 100000
EMBED_DIM = 16
BATCH = 16384

def setup_inputs(seed: int = 0) -> dict:
    key = jax.random.key(seed)
    k_idx, k_tab = jax.random.split(key)
    x = jax.random.randint(k_idx, (BATCH, NUM_FIELDS), 0, VOCAB, dtype=jnp.int64 if jax.config.jax_enable_x64 else jnp.int32)
    # glorot_uniform for each embedding table: limit = sqrt(6/(fan_in+fan_out))
    limit = np.sqrt(6.0 / (VOCAB + EMBED_DIM))
    tables = jax.random.uniform(k_tab, (NUM_FIELDS, VOCAB, EMBED_DIM), minval=-limit, maxval=limit, dtype=jnp.float32)
    return {"x": x, "tables": tables}

def reference(x, tables) -> jnp.ndarray:
    # FeaturesEmbedding.call: per-field embedding lookup, expand dims, concat on axis=1
    embs = []
    for i in range(NUM_FIELDS):
        idx = x[:, i].astype(jnp.int32)
        e = jnp.take(tables[i], idx, axis=0)        # [B, embed_dim]
        e = jnp.expand_dims(e, axis=1)              # [B, 1, embed_dim]
        embs.append(e)
    return jnp.concatenate(embs, axis=1)            # [B, num_fields, embed_dim]

if __name__ == "__main__":
    import jax
    _d = setup_inputs()
    print(jax.jit(kernel)(*tuple(_d.values())))

</pallas_src>

<mosaic_0001>
#map = affine_map<(d0, d1) -> (0, 0)>
#map1 = affine_map<(d0, d1) -> (0, 0, 0)>
module attributes {stable_mosaic.version = 14 : i64} {
  func.func @gather_kernel(%arg0: i32, %arg1: i32, %arg2: memref<26x16384xi32, #tpu.memory_space<hbm>>, %arg3: memref<26x16x100000xf32, #tpu.memory_space<hbm>>, %arg4: memref<416x16384xf32, #tpu.memory_space<hbm>>, %arg5: memref<100000xf32, #tpu.memory_space<vmem>>, %arg6: memref<16384xi32, #tpu.memory_space<vmem>>, %arg7: memref<2x4096xf32, #tpu.memory_space<vmem>>, %arg8: memref<!tpu.dma_semaphore, #tpu.memory_space<semaphore_mem>>) attributes {dimension_semantics = [#tpu.dimension_semantics<core_parallel>, #tpu.dimension_semantics<subcore_parallel>], iteration_bounds = array<i64: 2, 16>, scalar_prefetch = 0 : i64, scratch_operands = 4 : i64, tpu.core_type = #tpu.core_type<sc_vector_subcore>, window_params = [{transform_indices = #map}, {transform_indices = #map1}, {transform_indices = #map}]} {
    %mul3A = arith.constant 2 : i32
    %mul3A_0 = arith.muli %arg1, %mul3A : i32
    %add3A = arith.addi %mul3A_0, %arg0 : i32
    %mul3A_1 = arith.constant 13 : i32
    %mul3A_2 = arith.muli %add3A, %mul3A_1 : i32
    %scan3A = arith.constant 0 : i32
    %scan3A_3 = arith.constant 0 : i32
    %scan3A_4 = arith.constant 13 : i32
    %scan3A_5 = arith.addi %scan3A_3, %scan3A_4 : i32
    %scan3A_6 = arith.constant 1 : i32
    scf.for %scan3A_33 = %scan3A_3 to %scan3A_5 step %scan3A_6  : i32 {
      %add3A_34 = arith.addi %mul3A_2, %scan3A_33 : i32
      %jit3A = arith.constant 16 : i32
      %div3A = arith.divsi %add3A_34, %jit3A : i32
      %sign3A = arith.constant 0 : i32
      %sign3A_35 = arith.cmpi sgt, %add3A_34, %sign3A : i32
      %sign3A_36 = arith.extui %sign3A_35 : i1 to i32
      %sign3A_37 = arith.constant 0 : i32
      %sign3A_38 = arith.cmpi slt, %add3A_34, %sign3A_37 : i32
      %sign3A_39 = arith.extui %sign3A_38 : i1 to i32
      %sign3A_40 = arith.subi %sign3A_36, %sign3A_39 : i32
      %sign3A_41 = arith.constant 0 : i32
      %sign3A_42 = arith.cmpi sgt, %jit3A, %sign3A_41 : i32
      %sign3A_43 = arith.extui %sign3A_42 : i1 to i32
      %sign3A_44 = arith.constant 0 : i32
      %sign3A_45 = arith.cmpi slt, %jit3A, %sign3A_44 : i32
      %sign3A_46 = arith.extui %sign3A_45 : i1 to i32
      %sign3A_47 = arith.subi %sign3A_43, %sign3A_46 : i32
      %ne3A = arith.cmpi ne, %sign3A_40, %sign3A_47 : i32
      %rem3A = arith.remsi %add3A_34, %jit3A : i32
      %ne3A_48 = arith.constant 0 : i32
      %ne3A_49 = arith.cmpi ne, %rem3A, %ne3A_48 : i32
      %and3A = arith.andi %ne3A, %ne3A_49 : i1
      %sub3A = arith.constant 1 : i32
      %sub3A_50 = arith.subi %div3A, %sub3A : i32
      %select_n3A = arith.select %and3A, %sub3A_50, %div3A : i32
      %mul3A_51 = arith.constant 16 : i32
      %mul3A_52 = arith.muli %select_n3A, %mul3A_51 : i32
      %sub3A_53 = arith.subi %add3A_34, %mul3A_52 : i32
      "tpu.region"() ({
        %run_scoped3A = tpu.sem_alloc : memref<!tpu.dma_semaphore, #tpu.memory_space<semaphore_mem>>
        %dma_start3A_169 = arith.constant 0 : i32
        %dma_start3A_170 = tpu.memref_slice %arg3[%select_n3A, %sub3A_53, %dma_start3A_169] : memref<26x16x100000xf32, #tpu.memory_space<hbm>> -> memref<1x1x100000xf32, #tpu.memory_space<hbm>>
        %dma_start3A_171 = tpu.memref_squeeze %dma_start3A_170 : memref<1x1x100000xf32, #tpu.memory_space<hbm>> -> memref<100000xf32, #tpu.memory_space<hbm>>
        %dma_start3A_172 = arith.constant 0 : i32
        %dma_start3A_173 = tpu.memref_slice %arg3[%select_n3A, %sub3A_53, %dma_start3A_172] : memref<26x16x100000xf32, #tpu.memory_space<hbm>> -> memref<1x1x100000xf32, #tpu.memory_space<hbm>>
        %dma_start3A_174 = tpu.memref_squeeze %dma_start3A_173 : memref<1x1x100000xf32, #tpu.memory_space<hbm>> -> memref<100000xf32, #tpu.memory_space<hbm>>
        tpu.enqueue_dma source(%dma_start3A_174 : memref<100000xf32, #tpu.memory_space<hbm>>) target(%arg5 : memref<100000xf32, #tpu.memory_space<vmem>>) target_semaphore(%run_scoped3A : memref<!tpu.dma_semaphore, #tpu.memory_space<semaphore_mem>>)
        %dma_wait3A_175 = arith.constant 0 : i32
        %dma_wait3A_176 = tpu.memref_slice %arg3[%select_n3A, %sub3A_53, %dma_wait3A_175] : memref<26x16x100000xf32, #tpu.memory_space<hbm>> -> memref<1x1x100000xf32, #tpu.memory_space<hbm>>
        %dma_wait3A_177 = tpu.memref_squeeze %dma_wait3A_176 : memref<1x1x100000xf32, #tpu.memory_space<hbm>> -> memref<100000xf32, #tpu.memory_space<hbm>>
        %dma_wait3A_178 = arith.constant 0 : i32
        %dma_wait3A_179 = tpu.memref_slice %arg3[%select_n3A, %sub3A_53, %dma_wait3A_178] : memref<26x16x100000xf32, #tpu.memory_space<hbm>> -> memref<1x1x100000xf32, #tpu.memory_space<hbm>>
        %dma_wait3A_180 = tpu.memref_squeeze %dma_wait3A_179 : memref<1x1x100000xf32, #tpu.memory_space<hbm>> -> memref<100000xf32, #tpu.memory_space<hbm>>
        tpu.wait_dma2 semaphore(%run_scoped3A : memref<!tpu.dma_semaphore, #tpu.memory_space<semaphore_mem>>) src(%dma_wait3A_180 : memref<100000xf32, #tpu.memory_space<hbm>>) dst(%arg5 : memref<100000xf32, #tpu.memory_space<vmem>>)
        tpu.yield
      }) : () -> ()
      %eq3A = arith.constant 0 : i32
      %eq3A_54 = arith.cmpi eq, %scan3A_33, %eq3A : i32
      %mul3A_55 = arith.constant 16 : i32
      %mul3A_56 = arith.muli %select_n3A, %mul3A_55 : i32
      %eq3A_57 = arith.cmpi eq, %mul3A_56, %add3A_34 : i32
      %or3A = arith.ori %eq3A_54, %eq3A_57 : i1
      %convert_element_type3A = arith.extui %or3A : i1 to i32
      %cond3A = arith.constant 0 : i32
      %cond3A_58 = arith.cmpi ne, %convert_element_type3A, %cond3A : i32
      scf.if %cond3A_58 {
        "tpu.region"() ({
          %run_scoped3A = tpu.sem_alloc : memref<!tpu.dma_semaphore, #tpu.memory_space<semaphore_mem>>
          %dma_start3A_169 = arith.constant 0 : i32
          %dma_start3A_170 = tpu.memref_slice %arg2[%select_n3A, %dma_start3A_169] : memref<26x16384xi32, #tpu.memory_space<hbm>> -> memref<1x16384xi32, #tpu.memory_space<hbm>>
          %dma_start3A_171 = tpu.memref_squeeze %dma_start3A_170 : memref<1x16384xi32, #tpu.memory_space<hbm>> -> memref<16384xi32, #tpu.memory_space<hbm>>
          %dma_start3A_172 = arith.constant 0 : i32
          %dma_start3A_173 = tpu.memref_slice %arg2[%select_n3A, %dma_start3A_172] : memref<26x16384xi32, #tpu.memory_space<hbm>> -> memref<1x16384xi32, #tpu.memory_space<hbm>>
          %dma_start3A_174 = tpu.memref_squeeze %dma_start3A_173 : memref<1x16384xi32, #tpu.memory_space<hbm>> -> memref<16384xi32, #tpu.memory_space<hbm>>
          tpu.enqueue_dma source(%dma_start3A_174 : memref<16384xi32, #tpu.memory_space<hbm>>) target(%arg6 : memref<16384xi32, #tpu.memory_space<vmem>>) target_semaphore(%run_scoped3A : memref<!tpu.dma_semaphore, #tpu.memory_space<semaphore_mem>>)
          %dma_wait3A_175 = arith.constant 0 : i32
          %dma_wait3A_176 = tpu.memref_slice %arg2[%select_n3A, %dma_wait3A_175] : memref<26x16384xi32, #tpu.memory_space<hbm>> -> memref<1x16384xi32, #tpu.memory_space<hbm>>
          %dma_wait3A_177 = tpu.memref_squeeze %dma_wait3A_176 : memref<1x16384xi32, #tpu.memory_space<hbm>> -> memref<16384xi32, #tpu.memory_space<hbm>>
          %dma_wait3A_178 = arith.constant 0 : i32
          %dma_wait3A_179 = tpu.memref_slice %arg2[%select_n3A, %dma_wait3A_178] : memref<26x16384xi32, #tpu.memory_space<hbm>> -> memref<1x16384xi32, #tpu.memory_space<hbm>>
          %dma_wait3A_180 = tpu.memref_squeeze %dma_wait3A_179 : memref<1x16384xi32, #tpu.memory_space<hbm>> -> memref<16384xi32, #tpu.memory_space<hbm>>
          tpu.wait_dma2 semaphore(%run_scoped3A : memref<!tpu.dma_semaphore, #tpu.memory_space<semaphore_mem>>) src(%dma_wait3A_180 : memref<16384xi32, #tpu.memory_space<hbm>>) dst(%arg6 : memref<16384xi32, #tpu.memory_space<vmem>>)
          tpu.yield
        }) : () -> ()
      } else {
      }
      %gt3A = arith.constant 0 : i32
      %gt3A_59 = arith.cmpi sgt, %scan3A_33, %gt3A : i32
      %convert_element_type3A_60 = arith.extui %gt3A_59 : i1 to i32
      %cond3A_61 = arith.constant 0 : i32
      %cond3A_62 = arith.cmpi ne, %convert_element_type3A_60, %cond3A_61 : i32
      scf.if %cond3A_62 {
        %dma_wait3A_169 = arith.constant 0 : i32
        %dma_wait3A_170 = arith.constant 0 : i32
        %dma_wait3A_171 = tpu.memref_slice %arg7[%dma_wait3A_169, %dma_wait3A_170] : memref<2x4096xf32, #tpu.memory_space<vmem>> -> memref<1x4096xf32, #tpu.memory_space<vmem>>
        %dma_wait3A_172 = tpu.memref_squeeze %dma_wait3A_171 : memref<1x4096xf32, #tpu.memory_space<vmem>> -> memref<4096xf32, #tpu.memory_space<vmem>>
        %dma_wait3A_173 = arith.constant 0 : i32
        %dma_wait3A_174 = tpu.memref_slice %arg4[%mul3A_2, %dma_wait3A_173] : memref<416x16384xf32, #tpu.memory_space<hbm>> -> memref<1x4096xf32, #tpu.memory_space<hbm>>
        %dma_wait3A_175 = tpu.memref_squeeze %dma_wait3A_174 : memref<1x4096xf32, #tpu.memory_space<hbm>> -> memref<4096xf32, #tpu.memory_space<hbm>>
        %dma_wait3A_176 = arith.constant 0 : i32
        %dma_wait3A_177 = tpu.memref_slice %arg4[%mul3A_2, %dma_wait3A_176] : memref<416x16384xf32, #tpu.memory_space<hbm>> -> memref<1x4096xf32, #tpu.memory_space<hbm>>
        %dma_wait3A_178 = tpu.memref_squeeze %dma_wait3A_177 : memref<1x4096xf32, #tpu.memory_space<hbm>> -> memref<4096xf32, #tpu.memory_space<hbm>>
        %dma_wait3A_179 = arith.constant 0 : i32
        %dma_wait3A_180 = tpu.memref_slice %arg7[%dma_wait3A_169, %dma_wait3A_179] : memref<2x4096xf32, #tpu.memory_space<vmem>> -> memref<1x4096xf32, #tpu.memory_space<vmem>>
        %dma_wait3A_181 = tpu.memref_squeeze %dma_wait3A_180 : memref<1x4096xf32, #tpu.memory_space<vmem>> -> memref<4096xf32, #tpu.memory_space<vmem>>
        tpu.wait_dma2 semaphore(%arg8 : memref<!tpu.dma_semaphore, #tpu.memory_space<semaphore_mem>>) src(%dma_wait3A_181 : memref<4096xf32, #tpu.memory_space<vmem>>) dst(%dma_wait3A_178 : memref<4096xf32, #tpu.memory_space<hbm>>)
      } else {
      }
      %scan3A_63 = arith.constant 0 : i32
      %scan3A_64 = arith.constant 0 : i32
      %scan3A_65 = arith.constant 8 : i32
      %scan3A_66 = arith.addi %scan3A_64, %scan3A_65 : i32
      %scan3A_67 = arith.constant 1 : i32
      scf.for %scan3A_169 = %scan3A_64 to %scan3A_66 step %scan3A_67  : i32 {
        %mul3A_170 = arith.constant 512 : i32
        %mul3A_171 = arith.muli %scan3A_169, %mul3A_170 : i32
        %add3A_172 = arith.constant 0 : i32
        %add3A_173 = arith.addi %add3A_172, %mul3A_171 : i32
        %add3A_174 = arith.constant 0 : i32
        %add3A_175 = arith.addi %add3A_173, %add3A_174 : i32
        %add3A_176 = arith.constant 0 : i32
        %add3A_177 = arith.addi %add3A_173, %add3A_176 : i32
        %sub3A_178 = arith.constant 0 : i32
        %sub3A_179 = arith.subi %add3A_177, %sub3A_178 : i32
        %get3A = arith.index_cast %add3A_175 : i32 to index
        %get3A_180 = tpu.vector_load %arg6[%get3A] {strides = array<i32>} : memref<16384xi32, #tpu.memory_space<vmem>>, vector<16xi32>,
        %gather3A = tpu.vector_load_idx %arg5[%get3A_180] : memref<100000xf32, #tpu.memory_space<vmem>>[vector<16xi32>], vector<16xf32>,
        %swap3A = arith.constant 0 : i32
        %swap3A_181 = arith.index_cast %swap3A : i32 to index
        %swap3A_182 = arith.index_cast %sub3A_179 : i32 to index
        %swap3A_183 = tpu.vector_load %arg7[%swap3A_181, %swap3A_182] {strides = array<i32>} : memref<2x4096xf32, #tpu.memory_space<vmem>>, vector<16xf32>,
        tpu.vector_store %arg7[%swap3A_181, %swap3A_182], %gather3A {strides = array<i32>} : memref<2x4096xf32, #tpu.memory_space<vmem>>, vector<16xf32>,
        %add3A_184 = arith.constant 16 : i32
        %add3A_185 = arith.addi %add3A_173, %add3A_184 : i32
        %add3A_186 = arith.constant 16 : i32
        %add3A_187 = arith.addi %add3A_173, %add3A_186 : i32
        %sub3A_188 = arith.constant 0 : i32
        %sub3A_189 = arith.subi %add3A_187, %sub3A_188 : i32
        %get3A_190 = arith.index_cast %add3A_185 : i32 to index
        %get3A_191 = tpu.vector_load %arg6[%get3A_190] {strides = array<i32>} : memref<16384xi32, #tpu.memory_space<vmem>>, vector<16xi32>,
        %gather3A_192 = tpu.vector_load_idx %arg5[%get3A_191] : memref<100000xf32, #tpu.memory_space<vmem>>[vector<16xi32>], vector<16xf32>,
        %swap3A_193 = arith.constant 0 : i32
        %swap3A_194 = arith.index_cast %swap3A_193 : i32 to index
        %swap3A_195 = arith.index_cast %sub3A_189 : i32 to index
        %swap3A_196 = tpu.vector_load %arg7[%swap3A_194, %swap3A_195] {strides = array<i32>} : memref<2x4096xf32, #tpu.memory_space<vmem>>, vector<16xf32>,
        tpu.vector_store %arg7[%swap3A_194, %swap3A_195], %gather3A_192 {strides = array<i32>} : memref<2x4096xf32, #tpu.memory_space<vmem>>, vector<16xf32>,
        %add3A_197 = arith.constant 32 : i32
        %add3A_198 = arith.addi %add3A_173, %add3A_197 : i32
        %add3A_199 = arith.constant 32 : i32
        %add3A_200 = arith.addi %add3A_173, %add3A_199 : i32
        %sub3A_201 = arith.constant 0 : i32
        %sub3A_202 = arith.subi %add3A_200, %sub3A_201 : i32
        %get3A_203 = arith.index_cast %add3A_198 : i32 to index
        %get3A_204 = tpu.vector_load %arg6[%get3A_203] {strides = array<i32>} : memref<16384xi32, #tpu.memory_space<vmem>>, vector<16xi32>,
        %gather3A_205 = tpu.vector_load_idx %arg5[%get3A_204] : memref<100000xf32, #tpu.memory_space<vmem>>[vector<16xi32>], vector<16xf32>,
        %swap3A_206 = arith.constant 0 : i32
        %swap3A_207 = arith.index_cast %swap3A_206 : i32 to index
        %swap3A_208 = arith.index_cast %sub3A_202 : i32 to index
        %swap3A_209 = tpu.vector_load %arg7[%swap3A_207, %swap3A_208] {strides = array<i32>} : memref<2x4096xf32, #tpu.memory_space<vmem>>, vector<16xf32>,
        tpu.vector_store %arg7[%swap3A_207, %swap3A_208], %gather3A_205 {strides = array<i32>} : memref<2x4096xf32, #tpu.memory_space<vmem>>, vector<16xf32>,
        %add3A_210 = arith.constant 48 : i32
        %add3A_211 = arith.addi %add3A_173, %add3A_210 : i32
        %add3A_212 = arith.constant 48 : i32
        %add3A_213 = arith.addi %add3A_173, %add3A_212 : i32
        %sub3A_214 = arith.constant 0 : i32
        %sub3A_215 = arith.subi %add3A_213, %sub3A_214 : i32
        %get3A_216 = arith.index_cast %add3A_211 : i32 to index
        %get3A_217 = tpu.vector_load %arg6[%get3A_216] {strides = array<i32>} : memref<16384xi32, #tpu.memory_space<vmem>>, vector<16xi32>,
        %gather3A_218 = tpu.vector_load_idx %arg5[%get3A_217] : memref<100000xf32, #tpu.memory_space<vmem>>[vector<16xi32>], vector<16xf32>,
        %swap3A_219 = arith.constant 0 : i32
        %swap3A_220 = arith.index_cast %swap3A_219 : i32 to index
        %swap3A_221 = arith.index_cast %sub3A_215 : i32 to index
        %swap3A_222 = tpu.vector_load %arg7[%swap3A_220, %swap3A_221] {strides = array<i32>} : memref<2x4096xf32, #tpu.memory_space<vmem>>, vector<16xf32>,
        tpu.vector_store %arg7[%swap3A_220, %swap3A_221], %gather3A_218 {strides = array<i32>} : memref<2x4096xf32, #tpu.memory_space<vmem>>, vector<16xf32>,
        %add3A_223 = arith.constant 64 : i32
        %add3A_224 = arith.addi %add3A_173, %add3A_223 : i32
        %add3A_225 = arith.constant 64 : i32
        %add3A_226 = arith.addi %add3A_173, %add3A_225 : i32
        %sub3A_227 = arith.constant 0 : i32
        %sub3A_228 = arith.subi %add3A_226, %sub3A_227 : i32
        %get3A_229 = arith.index_cast %add3A_224 : i32 to index
        %get3A_230 = tpu.vector_load %arg6[%get3A_229] {strides = array<i32>} : memref<16384xi32, #tpu.memory_space<vmem>>, vector<16xi32>,
        %gather3A_231 = tpu.vector_load_idx %arg5[%get3A_230] : memref<100000xf32, #tpu.memory_space<vmem>>[vector<16xi32>], vector<16xf32>,
        %swap3A_232 = arith.constant 0 : i32
        %swap3A_233 = arith.index_cast %swap3A_232 : i32 to index
        %swap3A_234 = arith.index_cast %sub3A_228 : i32 to index
        %swap3A_235 = tpu.vector_load %arg7[%swap3A_233, %swap3A_234] {strides = array<i32>} : memref<2x4096xf32, #tpu.memory_space<vmem>>, vector<16xf32>,
        tpu.vector_store %arg7[%swap3A_233, %swap3A_234], %gather3A_231 {strides = array<i32>} : memref<2x4096xf32, #tpu.memory_space<vmem>>, vector<16xf32>,
        %add3A_236 = arith.constant 80 : i32
        %add3A_237 = arith.addi %add3A_173, %add3A_236 : i32
        %add3A_238 = arith.constant 80 : i32
        %add3A_239 = arith.addi %add3A_173, %add3A_238 : i32
        %sub3A_240 = arith.constant 0 : i32
        %sub3A_241 = arith.subi %add3A_239, %sub3A_240 : i32
        %get3A_242 = arith.index_cast %add3A_237 : i32 to index
        %get3A_243 = tpu.vector_load %arg6[%get3A_242] {strides = array<i32>} : memref<16384xi32, #tpu.memory_space<vmem>>, vector<16xi32>,
        %gather3A_244 = tpu.vector_load_idx %arg5[%get3A_243] : memref<100000xf32, #tpu.memory_space<vmem>>[vector<16xi32>], vector<16xf32>,
        %swap3A_245 = arith.constant 0 : i32
        %swap3A_246 = arith.index_cast %swap3A_245 : i32 to index
        %swap3A_247 = arith.index_cast %sub3A_241 : i32 to index
        %swap3A_248 = tpu.vector_load %arg7[%swap3A_246, %swap3A_247] {strides = array<i32>} : memref<2x4096xf32, #tpu.memory_space<vmem>>, vector<16xf32>,
        tpu.vector_store %arg7[%swap3A_246, %swap3A_247], %gather3A_244 {strides = array<i32>} : memref<2x4096xf32, #tpu.memory_space<vmem>>, vector<16xf32>,
        %add3A_249 = arith.constant 96 : i32
        %add3A_250 = arith.addi %add3A_173, %add3A_249 : i32
        %add3A_251 = arith.constant 96 : i32
        %add3A_252 = arith.addi %add3A_173, %add3A_251 : i32
        %sub3A_253 = arith.constant 0 : i32
        %sub3A_254 = arith.subi %add3A_252, %sub3A_253 : i32
        %get3A_255 = arith.index_cast %add3A_250 : i32 to index
        %get3A_256 = tpu.vector_load %arg6[%get3A_255] {strides = array<i32>} : memref<16384xi32, #tpu.memory_space<vmem>>, vector<16xi32>,
        %gather3A_257 = tpu.vector_load_idx %arg5[%get3A_256] : memref<100000xf32, #tpu.memory_space<vmem>>[vector<16xi32>], vector<16xf32>,
        %swap3A_258 = arith.constant 0 : i32
        %swap3A_259 = arith.index_cast %swap3A_258 : i32 to index
        %swap3A_260 = arith.index_cast %sub3A_254 : i32 to index
        %swap3A_261 = tpu.vector_load %arg7[%swap3A_259, %swap3A_260] {strides = array<i32>} : memref<2x4096xf32, #tpu.memory_space<vmem>>, vector<16xf32>,
        tpu.vector_store %arg7[%swap3A_259, %swap3A_260], %gather3A_257 {strides = array<i32>} : memref<2x4096xf32, #tpu.memory_space<vmem>>, vector<16xf32>,
        %add3A_262 = arith.constant 112 : i32
        %add3A_263 = arith.addi %add3A_173, %add3A_262 : i32
        %add3A_264 = arith.constant 112 : i32
        %add3A_265 = arith.addi %add3A_173, %add3A_264 : i32
        %sub3A_266 = arith.constant 0 : i32
        %sub3A_267 = arith.subi %add3A_265, %sub3A_266 : i32
        %get3A_268 = arith.index_cast %add3A_263 : i32 to index
        %get3A_269 = tpu.vector_load %arg6[%get3A_268] {strides = array<i32>} : memref<16384xi32, #tpu.memory_space<vmem>>, vector<16xi32>,
        %gather3A_270 = tpu.vector_load_idx %arg5[%get3A_269] : memref<100000xf32, #tpu.memory_space<vmem>>[vector<16xi32>], vector<16xf32>,
        %swap3A_271 = arith.constant 0 : i32
        %swap3A_272 = arith.index_cast %swap3A_271 : i32 to index
        %swap3A_273 = arith.index_cast %sub3A_267 : i32 to index
        %swap3A_274 = tpu.vector_load %arg7[%swap3A_272, %swap3A_273] {strides = array<i32>} : memref<2x4096xf32, #tpu.memory_space<vmem>>, vector<16xf32>,
        tpu.vector_store %arg7[%swap3A_272, %swap3A_273], %gather3A_270 {strides = array<i32>} : memref<2x4096xf32, #tpu.memory_space<vmem>>, vector<16xf32>,
        %add3A_275 = arith.constant 128 : i32
        %add3A_276 = arith.addi %add3A_173, %add3A_275 : i32
        %add3A_277 = arith.constant 128 : i32
        %add3A_278 = arith.addi %add3A_173, %add3A_277 : i32
        %sub3A_279 = arith.constant 0 : i32
        %sub3A_280 = arith.subi %add3A_278, %sub3A_279 : i32
        %get3A_281 = arith.index_cast %add3A_276 : i32 to index
        %get3A_282 = tpu.vector_load %arg6[%get3A_281] {strides = array<i32>} : memref<16384xi32, #tpu.memory_space<vmem>>, vector<16xi32>,
        %gather3A_283 = tpu.vector_load_idx %arg5[%get3A_282] : memref<100000xf32, #tpu.memory_space<vmem>>[vector<16xi32>], vector<16xf32>,
        %swap3A_284 = arith.constant 0 : i32
        %swap3A_285 = arith.index_cast %swap3A_284 : i32 to index
        %swap3A_286 = arith.index_cast %sub3A_280 : i32 to index
        %swap3A_287 = tpu.vector_load %arg7[%swap3A_285, %swap3A_286] {strides = array<i32>} : memref<2x4096xf32, #tpu.memory_space<vmem>>, vector<16xf32>,
        tpu.vector_store %arg7[%swap3A_285, %swap3A_286], %gather3A_283 {strides = array<i32>} : memref<2x4096xf32, #tpu.memory_space<vmem>>, vector<16xf32>,
        %add3A_288 = arith.constant 144 : i32
        %add3A_289 = arith.addi %add3A_173, %add3A_288 : i32
        %add3A_290 = arith.constant 144 : i32
        %add3A_291 = arith.addi %add3A_173, %add3A_290 : i32
        %sub3A_292 = arith.constant 0 : i32
        %sub3A_293 = arith.subi %add3A_291, %sub3A_292 : i32
        %get3A_294 = arith.index_cast %add3A_289 : i32 to index
        %get3A_295 = tpu.vector_load %arg6[%get3A_294] {strides = array<i32>} : memref<16384xi32, #tpu.memory_space<vmem>>, vector<16xi32>,
        %gather3A_296 = tpu.vector_load_idx %arg5[%get3A_295] : memref<100000xf32, #tpu.memory_space<vmem>>[vector<16xi32>], vector<16xf32>,
        %swap3A_297 = arith.constant 0 : i32
        %swap3A_298 = arith.index_cast %swap3A_297 : i32 to index
        %swap3A_299 = arith.index_cast %sub3A_293 : i32 to index
        %swap3A_300 = tpu.vector_load %arg7[%swap3A_298, %swap3A_299] {strides = array<i32>} : memref<2x4096xf32, #tpu.memory_space<vmem>>, vector<16xf32>,
        tpu.vector_store %arg7[%swap3A_298, %swap3A_299], %gather3A_296 {strides = array<i32>} : memref<2x4096xf32, #tpu.memory_space<vmem>>, vector<16xf32>,
        %add3A_301 = arith.constant 160 : i32
        %add3A_302 = arith.addi %add3A_173, %add3A_301 : i32
        %add3A_303 = arith.constant 160 : i32
        %add3A_304 = arith.addi %add3A_173, %add3A_303 : i32
        %sub3A_305 = arith.constant 0 : i32
        %sub3A_306 = arith.subi %add3A_304, %sub3A_305 : i32
        %get3A_307 = arith.index_cast %add3A_302 : i32 to index
        %get3A_308 = tpu.vector_load %arg6[%get3A_307] {strides = array<i32>} : memref<16384xi32, #tpu.memory_space<vmem>>, vector<16xi32>,
        %gather3A_309 = tpu.vector_load_idx %arg5[%get3A_308] : memref<100000xf32, #tpu.memory_space<vmem>>[vector<16xi32>], vector<16xf32>,
        %swap3A_310 = arith.constant 0 : i32
        %swap3A_311 = arith.index_cast %swap3A_310 : i32 to index
        %swap3A_312 = arith.index_cast %sub3A_306 : i32 to index
        %swap3A_313 = tpu.vector_load %arg7[%swap3A_311, %swap3A_312] {strides = array<i32>} : memref<2x4096xf32, #tpu.memory_space<vmem>>, vector<16xf32>,
        tpu.vector_store %arg7[%swap3A_311, %swap3A_312], %gather3A_309 {strides = array<i32>} : memref<2x4096xf32, #tpu.memory_space<vmem>>, vector<16xf32>,
        %add3A_314 = arith.constant 176 : i32
        %add3A_315 = arith.addi %add3A_173, %add3A_314 : i32
        %add3A_316 = arith.constant 176 : i32
        %add3A_317 = arith.addi %add3A_173, %add3A_316 : i32
        %sub3A_318 = arith.constant 0 : i32
        %sub3A_319 = arith.subi %add3A_317, %sub3A_318 : i32
        %get3A_320 = arith.index_cast %add3A_315 : i32 to index
        %get3A_321 = tpu.vector_load %arg6[%get3A_320] {strides = array<i32>} : memref<16384xi32, #tpu.memory_space<vmem>>, vector<16xi32>,
        %gather3A_322 = tpu.vector_load_idx %arg5[%get3A_321] : memref<100000xf32, #tpu.memory_space<vmem>>[vector<16xi32>], vector<16xf32>,
        %swap3A_323 = arith.constant 0 : i32
        %swap3A_324 = arith.index_cast %swap3A_323 : i32 to index
        %swap3A_325 = arith.index_cast %sub3A_319 : i32 to index
        %swap3A_326 = tpu.vector_load %arg7[%swap3A_324, %swap3A_325] {strides = array<i32>} : memref<2x4096xf32, #tpu.memory_space<vmem>>, vector<16xf32>,
        tpu.vector_store %arg7[%swap3A_324, %swap3A_325], %gather3A_322 {strides = array<i32>} : memref<2x4096xf32, #tpu.memory_space<vmem>>, vector<16xf32>,
        %add3A_327 = arith.constant 192 : i32
        %add3A_328 = arith.addi %add3A_173, %add3A_327 : i32
        %add3A_329 = arith.constant 192 : i32
        %add3A_330 = arith.addi %add3A_173, %add3A_329 : i32
        %sub3A_331 = arith.constant 0 : i32
        %sub3A_332 = arith.subi %add3A_330, %sub3A_331 : i32
        %get3A_333 = arith.index_cast %add3A_328 : i32 to index
        %get3A_334 = tpu.vector_load %arg6[%get3A_333] {strides = array<i32>} : memref<16384xi32, #tpu.memory_space<vmem>>, vector<16xi32>,
        %gather3A_335 = tpu.vector_load_idx %arg5[%get3A_334] : memref<100000xf32, #tpu.memory_space<vmem>>[vector<16xi32>], vector<16xf32>,
        %swap3A_336 = arith.constant 0 : i32
        %swap3A_337 = arith.index_cast %swap3A_336 : i32 to index
        %swap3A_338 = arith.index_cast %sub3A_332 : i32 to index
        %swap3A_339 = tpu.vector_load %arg7[%swap3A_337, %swap3A_338] {strides = array<i32>} : memref<2x4096xf32, #tpu.memory_space<vmem>>, vector<16xf32>,
        tpu.vector_store %arg7[%swap3A_337, %swap3A_338], %gather3A_335 {strides = array<i32>} : memref<2x4096xf32, #tpu.memory_space<vmem>>, vector<16xf32>,
        %add3A_340 = arith.constant 208 : i32
        %add3A_341 = arith.addi %add3A_173, %add3A_340 : i32
        %add3A_342 = arith.constant 208 : i32
        %add3A_343 = arith.addi %add3A_173, %add3A_342 : i32
        %sub3A_344 = arith.constant 0 : i32
        %sub3A_345 = arith.subi %add3A_343, %sub3A_344 : i32
        %get3A_346 = arith.index_cast %add3A_341 : i32 to index
        %get3A_347 = tpu.vector_load %arg6[%get3A_346] {strides = array<i32>} : memref<16384xi32, #tpu.memory_space<vmem>>, vector<16xi32>,
        %gather3A_348 = tpu.vector_load_idx %arg5[%get3A_347] : memref<100000xf32, #tpu.memory_space<vmem>>[vector<16xi32>], vector<16xf32>,
        %swap3A_349 = arith.constant 0 : i32
        %swap3A_350 = arith.index_cast %swap3A_349 : i32 to index
        %swap3A_351 = arith.index_cast %sub3A_345 : i32 to index
        %swap3A_352 = tpu.vector_load %arg7[%swap3A_350, %swap3A_351] {strides = array<i32>} : memref<2x4096xf32, #tpu.memory_space<vmem>>, vector<16xf32>,
        tpu.vector_store %arg7[%swap3A_350, %swap3A_351], %gather3A_348 {strides = array<i32>} : memref<2x4096xf32, #tpu.memory_space<vmem>>, vector<16xf32>,
        %add3A_353 = arith.constant 224 : i32
        %add3A_354 = arith.addi %add3A_173, %add3A_353 : i32
        %add3A_355 = arith.constant 224 : i32
        %add3A_356 = arith.addi %add3A_173, %add3A_355 : i32
        %sub3A_357 = arith.constant 0 : i32
        %sub3A_358 = arith.subi %add3A_356, %sub3A_357 : i32
        %get3A_359 = arith.index_cast %add3A_354 : i32 to index
        %get3A_360 = tpu.vector_load %arg6[%get3A_359] {strides = array<i32>} : memref<16384xi32, #tpu.memory_space<vmem>>, vector<16xi32>,
        %gather3A_361 = tpu.vector_load_idx %arg5[%get3A_360] : memref<100000xf32, #tpu.memory_space<vmem>>[vector<16xi32>], vector<16xf32>,
        %swap3A_362 = arith.constant 0 : i32
        %swap3A_363 = arith.index_cast %swap3A_362 : i32 to index
        %swap3A_364 = arith.index_cast %sub3A_358 : i32 to index
        %swap3A_365 = tpu.vector_load %arg7[%swap3A_363, %swap3A_364] {strides = array<i32>} : memref<2x4096xf32, #tpu.memory_space<vmem>>, vector<16xf32>,
        tpu.vector_store %arg7[%swap3A_363, %swap3A_364], %gather3A_361 {strides = array<i32>} : memref<2x4096xf32, #tpu.memory_space<vmem>>, vector<16xf32>,
        %add3A_366 = arith.constant 240 : i32
        %add3A_367 = arith.addi %add3A_173, %add3A_366 : i32
        %add3A_368 = arith.constant 240 : i32
        %add3A_369 = arith.addi %add3A_173, %add3A_368 : i32
        %sub3A_370 = arith.constant 0 : i32
        %sub3A_371 = arith.subi %add3A_369, %sub3A_370 : i32
        %get3A_372 = arith.index_cast %add3A_367 : i32 to index
        %get3A_373 = tpu.vector_load %arg6[%get3A_372] {strides = array<i32>} : memref<16384xi32, #tpu.memory_space<vmem>>, vector<16xi32>,
        %gather3A_374 = tpu.vector_load_idx %arg5[%get3A_373] : memref<100000xf32, #tpu.memory_space<vmem>>[vector<16xi32>], vector<16xf32>,
        %swap3A_375 = arith.constant 0 : i32
        %swap3A_376 = arith.index_cast %swap3A_375 : i32 to index
        %swap3A_377 = arith.index_cast %sub3A_371 : i32 to index
        %swap3A_378 = tpu.vector_load %arg7[%swap3A_376, %swap3A_377] {strides = array<i32>} : memref<2x4096xf32, #tpu.memory_space<vmem>>, vector<16xf32>,
        tpu.vector_store %arg7[%swap3A_376, %swap3A_377], %gather3A_374 {strides = array<i32>} : memref<2x4096xf32, #tpu.memory_space<vmem>>, vector<16xf32>,
        %add3A_379 = arith.constant 256 : i32
        %add3A_380 = arith.addi %add3A_173, %add3A_379 : i32
        %add3A_381 = arith.constant 256 : i32
        %add3A_382 = arith.addi %add3A_173, %add3A_381 : i32
        %sub3A_383 = arith.constant 0 : i32
        %sub3A_384 = arith.subi %add3A_382, %sub3A_383 : i32
        %get3A_385 = arith.index_cast %add3A_380 : i32 to index
        %get3A_386 = tpu.vector_load %arg6[%get3A_385] {strides = array<i32>} : memref<16384xi32, #tpu.memory_space<vmem>>, vector<16xi32>,
        %gather3A_387 = tpu.vector_load_idx %arg5[%get3A_386] : memref<100000xf32, #tpu.memory_space<vmem>>[vector<16xi32>], vector<16xf32>,
        %swap3A_388 = arith.constant 0 : i32
        %swap3A_389 = arith.index_cast %swap3A_388 : i32 to index
        %swap3A_390 = arith.index_cast %sub3A_384 : i32 to index
        %swap3A_391 = tpu.vector_load %arg7[%swap3A_389, %swap3A_390] {strides = array<i32>} : memref<2x4096xf32, #tpu.memory_space<vmem>>, vector<16xf32>,
        tpu.vector_store %arg7[%swap3A_389, %swap3A_390], %gather3A_387 {strides = array<i32>} : memref<2x4096xf32, #tpu.memory_space<vmem>>, vector<16xf32>,
        %add3A_392 = arith.constant 272 : i32
        %add3A_393 = arith.addi %add3A_173, %add3A_392 : i32
        %add3A_394 = arith.constant 272 : i32
        %add3A_395 = arith.addi %add3A_173, %add3A_394 : i32
        %sub3A_396 = arith.constant 0 : i32
        %sub3A_397 = arith.subi %add3A_395, %sub3A_396 : i32
        %get3A_398 = arith.index_cast %add3A_393 : i32 to index
        %get3A_399 = tpu.vector_load %arg6[%get3A_398] {strides = array<i32>} : memref<16384xi32, #tpu.memory_space<vmem>>, vector<16xi32>,
        %gather3A_400 = tpu.vector_load_idx %arg5[%get3A_399] : memref<100000xf32, #tpu.memory_space<vmem>>[vector<16xi32>], vector<16xf32>,
        %swap3A_401 = arith.constant 0 : i32
        %swap3A_402 = arith.index_cast %swap3A_401 : i32 to index
        %swap3A_403 = arith.index_cast %sub3A_397 : i32 to index
        %swap3A_404 = tpu.vector_load %arg7[%swap3A_402, %swap3A_403] {strides = array<i32>} : memref<2x4096xf32, #tpu.memory_space<vmem>>, vector<16xf32>,
        tpu.vector_store %arg7[%swap3A_402, %swap3A_403], %gather3A_400 {strides = array<i32>} : memref<2x4096xf32, #tpu.memory_space<vmem>>, vector<16xf32>,
        %add3A_405 = arith.constant 288 : i32
        %add3A_406 = arith.addi %add3A_173, %add3A_405 : i32
        %add3A_407 = arith.constant 288 : i32
        %add3A_408 = arith.addi %add3A_173, %add3A_407 : i32
        %sub3A_409 = arith.constant 0 : i32
        %sub3A_410 = arith.subi %add3A_408, %sub3A_409 : i32
        %get3A_411 = arith.index_cast %add3A_406 : i32 to index
        %get3A_412 = tpu.vector_load %arg6[%get3A_411] {strides = array<i32>} : memref<16384xi32, #tpu.memory_space<vmem>>, vector<16xi32>,
        %gather3A_413 = tpu.vector_load_idx %arg5[%get3A_412] : memref<100000xf32, #tpu.memory_space<vmem>>[vector<16xi32>], vector<16xf32>,
        %swap3A_414 = arith.constant 0 : i32
        %swap3A_415 = arith.index_cast %swap3A_414 : i32 to index
        %swap3A_416 = arith.index_cast %sub3A_410 : i32 to index
        %swap3A_417 = tpu.vector_load %arg7[%swap3A_415, %swap3A_416] {strides = array<i32>} : memref<2x4096xf32, #tpu.memory_space<vmem>>, vector<16xf32>,
        tpu.vector_store %arg7[%swap3A_415, %swap3A_416], %gather3A_413 {strides = array<i32>} : memref<2x4096xf32, #tpu.memory_space<vmem>>, vector<16xf32>,
        %add3A_418 = arith.constant 304 : i32
        %add3A_419 = arith.addi %add3A_173, %add3A_418 : i32
        %add3A_420 = arith.constant 304 : i32
        %add3A_421 = arith.addi %add3A_173, %add3A_420 : i32
        %sub3A_422 = arith.constant 0 : i32
        %sub3A_423 = arith.subi %add3A_421, %sub3A_422 : i32
        %get3A_424 = arith.index_cast %add3A_419 : i32 to index
        %get3A_425 = tpu.vector_load %arg6[%get3A_424] {strides = array<i32>} : memref<16384xi32, #tpu.memory_space<vmem>>, vector<16xi32>,
        %gather3A_426 = tpu.vector_load_idx %arg5[%get3A_425] : memref<100000xf32, #tpu.memory_space<vmem>>[vector<16xi32>], vector<16xf32>,
        %swap3A_427 = arith.constant 0 : i32
        %swap3A_428 = arith.index_cast %swap3A_427 : i32 to index
        %swap3A_429 = arith.index_cast %sub3A_423 : i32 to index
        %swap3A_430 = tpu.vector_load %arg7[%swap3A_428, %swap3A_429] {strides = array<i32>} : memref<2x4096xf32, #tpu.memory_space<vmem>>, vector<16xf32>,
        tpu.vector_store %arg7[%swap3A_428, %swap3A_429], %gather3A_426 {strides = array<i32>} : memref<2x4096xf32, #tpu.memory_space<vmem>>, vector<16xf32>,
        %add3A_431 = arith.constant 320 : i32
        %add3A_432 = arith.addi %add3A_173, %add3A_431 : i32
        %add3A_433 = arith.constant 320 : i32
        %add3A_434 = arith.addi %add3A_173, %add3A_433 : i32
        %sub3A_435 = arith.constant 0 : i32
        %sub3A_436 = arith.subi %add3A_434, %sub3A_435 : i32
        %get3A_437 = arith.index_cast %add3A_432 : i32 to index
        %get3A_438 = tpu.vector_load %arg6[%get3A_437] {strides = array<i32>} : memref<16384xi32, #tpu.memory_space<vmem>>, vector<16xi32>,
        %gather3A_439 = tpu.vector_load_idx %arg5[%get3A_438] : memref<100000xf32, #tpu.memory_space<vmem>>[vector<16xi32>], vector<16xf32>,
        %swap3A_440 = arith.constant 0 : i32
        %swap3A_441 = arith.index_cast %swap3A_440 : i32 to index
        %swap3A_442 = arith.index_cast %sub3A_436 : i32 to index
        %swap3A_443 = tpu.vector_load %arg7[%swap3A_441, %swap3A_442] {strides = array<i32>} : memref<2x4096xf32, #tpu.memory_space<vmem>>, vector<16xf32>,
        tpu.vector_store %arg7[%swap3A_441, %swap3A_442], %gather3A_439 {strides = array<i32>} : memref<2x4096xf32, #tpu.memory_space<vmem>>, vector<16xf32>,
        %add3A_444 = arith.constant 336 : i32
        %add3A_445 = arith.addi %add3A_173, %add3A_444 : i32
        %add3A_446 = arith.constant 336 : i32
        %add3A_447 = arith.addi %add3A_173, %add3A_446 : i32
        %sub3A_448 = arith.constant 0 : i32
        %sub3A_449 = arith.subi %add3A_447, %sub3A_448 : i32
        %get3A_450 = arith.index_cast %add3A_445 : i32 to index
        %get3A_451 = tpu.vector_load %arg6[%get3A_450] {strides = array<i32>} : memref<16384xi32, #tpu.memory_space<vmem>>, vector<16xi32>,
        %gather3A_452 = tpu.vector_load_idx %arg5[%get3A_451] : memref<100000xf32, #tpu.memory_space<vmem>>[vector<16xi32>], vector<16xf32>,
        %swap3A_453 = arith.constant 0 : i32
        %swap3A_454 = arith.index_cast %swap3A_453 : i32 to index
        %swap3A_455 = arith.index_cast %sub3A_449 : i32 to index
        %swap3A_456 = tpu.vector_load %arg7[%swap3A_454, %swap3A_455] {strides = array<i32>} : memref<2x4096xf32, #tpu.memory_space<vmem>>, vector<16xf32>,
        tpu.vector_store %arg7[%swap3A_454, %swap3A_455], %gather3A_452 {strides = array<i32>} : memref<2x4096xf32, #tpu.memory_space<vmem>>, vector<16xf32>,
        %add3A_457 = arith.constant 352 : i32
        %add3A_458 = arith.addi %add3A_173, %add3A_457 : i32
        %add3A_459 = arith.constant 352 : i32
        %add3A_460 = arith.addi %add3A_173, %add3A_459 : i32
        %sub3A_461 = arith.constant 0 : i32
        %sub3A_462 = arith.subi %add3A_460, %sub3A_461 : i32
        %get3A_463 = arith.index_cast %add3A_458 : i32 to index
        %get3A_464 = tpu.vector_load %arg6[%get3A_463] {strides = array<i32>} : memref<16384xi32, #tpu.memory_space<vmem>>, vector<16xi32>,
        %gather3A_465 = tpu.vector_load_idx %arg5[%get3A_464] : memref<100000xf32, #tpu.memory_space<vmem>>[vector<16xi32>], vector<16xf32>,
        %swap3A_466 = arith.constant 0 : i32
        %swap3A_467 = arith.index_cast %swap3A_466 : i32 to index
        %swap3A_468 = arith.index_cast %sub3A_462 : i32 to index
        %swap3A_469 = tpu.vector_load %arg7[%swap3A_467, %swap3A_468] {strides = array<i32>} : memref<2x4096xf32, #tpu.memory_space<vmem>>, vector<16xf32>,
        tpu.vector_store %arg7[%swap3A_467, %swap3A_468], %gather3A_465 {strides = array<i32>} : memref<2x4096xf32, #tpu.memory_space<vmem>>, vector<16xf32>,
        %add3A_470 = arith.constant 368 : i32
        %add3A_471 = arith.addi %add3A_173, %add3A_470 : i32
        %add3A_472 = arith.constant 368 : i32
        %add3A_473 = arith.addi %add3A_173, %add3A_472 : i32
        %sub3A_474 = arith.constant 0 : i32
        %sub3A_475 = arith.subi %add3A_473, %sub3A_474 : i32
        %get3A_476 = arith.index_cast %add3A_471 : i32 to index
        %get3A_477 = tpu.vector_load %arg6[%get3A_476] {strides = array<i32>} : memref<16384xi32, #tpu.memory_space<vmem>>, vector<16xi32>,
        %gather3A_478 = tpu.vector_load_idx %arg5[%get3A_477] : memref<100000xf32, #tpu.memory_space<vmem>>[vector<16xi32>], vector<16xf32>,
        %swap3A_479 = arith.constant 0 : i32
        %swap3A_480 = arith.index_cast %swap3A_479 : i32 to index
        %swap3A_481 = arith.index_cast %sub3A_475 : i32 to index
        %swap3A_482 = tpu.vector_load %arg7[%swap3A_480, %swap3A_481] {strides = array<i32>} : memref<2x4096xf32, #tpu.memory_space<vmem>>, vector<16xf32>,
        tpu.vector_store %arg7[%swap3A_480, %swap3A_481], %gather3A_478 {strides = array<i32>} : memref<2x4096xf32, #tpu.memory_space<vmem>>, vector<16xf32>,
        %add3A_483 = arith.constant 384 : i32
        %add3A_484 = arith.addi %add3A_173, %add3A_483 : i32
        %add3A_485 = arith.constant 384 : i32
        %add3A_486 = arith.addi %add3A_173, %add3A_485 : i32
        %sub3A_487 = arith.constant 0 : i32
        %sub3A_488 = arith.subi %add3A_486, %sub3A_487 : i32
        %get3A_489 = arith.index_cast %add3A_484 : i32 to index
        %get3A_490 = tpu.vector_load %arg6[%get3A_489] {strides = array<i32>} : memref<16384xi32, #tpu.memory_space<vmem>>, vector<16xi32>,
        %gather3A_491 = tpu.vector_load_idx %arg5[%get3A_490] : memref<100000xf32, #tpu.memory_space<vmem>>[vector<16xi32>], vector<16xf32>,
        %swap3A_492 = arith.constant 0 : i32
        %swap3A_493 = arith.index_cast %swap3A_492 : i32 to index
        %swap3A_494 = arith.index_cast %sub3A_488 : i32 to index
        %swap3A_495 = tpu.vector_load %arg7[%swap3A_493, %swap3A_494] {strides = array<i32>} : memref<2x4096xf32, #tpu.memory_space<vmem>>, vector<16xf32>,
        tpu.vector_store %arg7[%swap3A_493, %swap3A_494], %gather3A_491 {strides = array<i32>} : memref<2x4096xf32, #tpu.memory_space<vmem>>, vector<16xf32>,
        %add3A_496 = arith.constant 400 : i32
        %add3A_497 = arith.addi %add3A_173, %add3A_496 : i32
        %add3A_498 = arith.constant 400 : i32
        %add3A_499 = arith.addi %add3A_173, %add3A_498 : i32
        %sub3A_500 = arith.constant 0 : i32
        %sub3A_501 = arith.subi %add3A_499, %sub3A_500 : i32
        %get3A_502 = arith.index_cast %add3A_497 : i32 to index
        %get3A_503 = tpu.vector_load %arg6[%get3A_502] {strides = array<i32>} : memref<16384xi32, #tpu.memory_space<vmem>>, vector<16xi32>,
        %gather3A_504 = tpu.vector_load_idx %arg5[%get3A_503] : memref<100000xf32, #tpu.memory_space<vmem>>[vector<16xi32>], vector<16xf32>,
        %swap3A_505 = arith.constant 0 : i32
        %swap3A_506 = arith.index_cast %swap3A_505 : i32 to index
        %swap3A_507 = arith.index_cast %sub3A_501 : i32 to index
        %swap3A_508 = tpu.vector_load %arg7[%swap3A_506, %swap3A_507] {strides = array<i32>} : memref<2x4096xf32, #tpu.memory_space<vmem>>, vector<16xf32>,
        tpu.vector_store %arg7[%swap3A_506, %swap3A_507], %gather3A_504 {strides = array<i32>} : memref<2x4096xf32, #tpu.memory_space<vmem>>, vector<16xf32>,
        %add3A_509 = arith.constant 416 : i32
        %add3A_510 = arith.addi %add3A_173, %add3A_509 : i32
        %add3A_511 = arith.constant 416 : i32
        %add3A_512 = arith.addi %add3A_173, %add3A_511 : i32
        %sub3A_513 = arith.constant 0 : i32
        %sub3A_514 = arith.subi %add3A_512, %sub3A_513 : i32
        %get3A_515 = arith.index_cast %add3A_510 : i32 to index
        %get3A_516 = tpu.vector_load %arg6[%get3A_515] {strides = array<i32>} : memref<16384xi32, #tpu.memory_space<vmem>>, vector<16xi32>,
        %gather3A_517 = tpu.vector_load_idx %arg5[%get3A_516] : memref<100000xf32, #tpu.memory_space<vmem>>[vector<16xi32>], vector<16xf32>,
        %swap3A_518 = arith.constant 0 : i32
        %swap3A_519 = arith.index_cast %swap3A_518 : i32 to index
        %swap3A_520 = arith.index_cast %sub3A_514 : i32 to index
        %swap3A_521 = tpu.vector_load %arg7[%swap3A_519, %swap3A_520] {strides = array<i32>} : memref<2x4096xf32, #tpu.memory_space<vmem>>, vector<16xf32>,
        tpu.vector_store %arg7[%swap3A_519, %swap3A_520], %gather3A_517 {strides = array<i32>} : memref<2x4096xf32, #tpu.memory_space<vmem>>, vector<16xf32>,
        %add3A_522 = arith.constant 432 : i32
        %add3A_523 = arith.addi %add3A_173, %add3A_522 : i32
        %add3A_524 = arith.constant 432 : i32
        %add3A_525 = arith.addi %add3A_173, %add3A_524 : i32
        %sub3A_526 = arith.constant 0 : i32
        %sub3A_527 = arith.subi %add3A_525, %sub3A_526 : i32
        %get3A_528 = arith.index_cast %add3A_523 : i32 to index
        %get3A_529 = tpu.vector_load %arg6[%get3A_528] {strides = array<i32>} : memref<16384xi32, #tpu.memory_space<vmem>>, vector<16xi32>,
        %gather3A_530 = tpu.vector_load_idx %arg5[%get3A_529] : memref<100000xf32, #tpu.memory_space<vmem>>[vector<16xi32>], vector<16xf32>,
        %swap3A_531 = arith.constant 0 : i32
        %swap3A_532 = arith.index_cast %swap3A_531 : i32 to index
        %swap3A_533 = arith.index_cast %sub3A_527 : i32 to index
        %swap3A_534 = tpu.vector_load %arg7[%swap3A_532, %swap3A_533] {strides = array<i32>} : memref<2x4096xf32, #tpu.memory_space<vmem>>, vector<16xf32>,
        tpu.vector_store %arg7[%swap3A_532, %swap3A_533], %gather3A_530 {strides = array<i32>} : memref<2x4096xf32, #tpu.memory_space<vmem>>, vector<16xf32>,
        %add3A_535 = arith.constant 448 : i32
        %add3A_536 = arith.addi %add3A_173, %add3A_535 : i32
        %add3A_537 = arith.constant 448 : i32
        %add3A_538 = arith.addi %add3A_173, %add3A_537 : i32
        %sub3A_539 = arith.constant 0 : i32
        %sub3A_540 = arith.subi %add3A_538, %sub3A_539 : i32
        %get3A_541 = arith.index_cast %add3A_536 : i32 to index
        %get3A_542 = tpu.vector_load %arg6[%get3A_541] {strides = array<i32>} : memref<16384xi32, #tpu.memory_space<vmem>>, vector<16xi32>,
        %gather3A_543 = tpu.vector_load_idx %arg5[%get3A_542] : memref<100000xf32, #tpu.memory_space<vmem>>[vector<16xi32>], vector<16xf32>,
        %swap3A_544 = arith.constant 0 : i32
        %swap3A_545 = arith.index_cast %swap3A_544 : i32 to index
        %swap3A_546 = arith.index_cast %sub3A_540 : i32 to index
        %swap3A_547 = tpu.vector_load %arg7[%swap3A_545, %swap3A_546] {strides = array<i32>} : memref<2x4096xf32, #tpu.memory_space<vmem>>, vector<16xf32>,
        tpu.vector_store %arg7[%swap3A_545, %swap3A_546], %gather3A_543 {strides = array<i32>} : memref<2x4096xf32, #tpu.memory_space<vmem>>, vector<16xf32>,
        %add3A_548 = arith.constant 464 : i32
        %add3A_549 = arith.addi %add3A_173, %add3A_548 : i32
        %add3A_550 = arith.constant 464 : i32
        %add3A_551 = arith.addi %add3A_173, %add3A_550 : i32
        %sub3A_552 = arith.constant 0 : i32
        %sub3A_553 = arith.subi %add3A_551, %sub3A_552 : i32
        %get3A_554 = arith.index_cast %add3A_549 : i32 to index
        %get3A_555 = tpu.vector_load %arg6[%get3A_554] {strides = array<i32>} : memref<16384xi32, #tpu.memory_space<vmem>>, vector<16xi32>,
        %gather3A_556 = tpu.vector_load_idx %arg5[%get3A_555] : memref<100000xf32, #tpu.memory_space<vmem>>[vector<16xi32>], vector<16xf32>,
        %swap3A_557 = arith.constant 0 : i32
        %swap3A_558 = arith.index_cast %swap3A_557 : i32 to index
        %swap3A_559 = arith.index_cast %sub3A_553 : i32 to index
        %swap3A_560 = tpu.vector_load %arg7[%swap3A_558, %swap3A_559] {strides = array<i32>} : memref<2x4096xf32, #tpu.memory_space<vmem>>, vector<16xf32>,
        tpu.vector_store %arg7[%swap3A_558, %swap3A_559], %gather3A_556 {strides = array<i32>} : memref<2x4096xf32, #tpu.memory_space<vmem>>, vector<16xf32>,
        %add3A_561 = arith.constant 480 : i32
        %add3A_562 = arith.addi %add3A_173, %add3A_561 : i32
        %add3A_563 = arith.constant 480 : i32
        %add3A_564 = arith.addi %add3A_173, %add3A_563 : i32
        %sub3A_565 = arith.constant 0 : i32
        %sub3A_566 = arith.subi %add3A_564, %sub3A_565 : i32
        %get3A_567 = arith.index_cast %add3A_562 : i32 to index
        %get3A_568 = tpu.vector_load %arg6[%get3A_567] {strides = array<i32>} : memref<16384xi32, #tpu.memory_space<vmem>>, vector<16xi32>,
        %gather3A_569 = tpu.vector_load_idx %arg5[%get3A_568] : memref<100000xf32, #tpu.memory_space<vmem>>[vector<16xi32>], vector<16xf32>,
        %swap3A_570 = arith.constant 0 : i32
        %swap3A_571 = arith.index_cast %swap3A_570 : i32 to index
        %swap3A_572 = arith.index_cast %sub3A_566 : i32 to index
        %swap3A_573 = tpu.vector_load %arg7[%swap3A_571, %swap3A_572] {strides = array<i32>} : memref<2x4096xf32, #tpu.memory_space<vmem>>, vector<16xf32>,
        tpu.vector_store %arg7[%swap3A_571, %swap3A_572], %gather3A_569 {strides = array<i32>} : memref<2x4096xf32, #tpu.memory_space<vmem>>, vector<16xf32>,
        %add3A_574 = arith.constant 496 : i32
        %add3A_575 = arith.addi %add3A_173, %add3A_574 : i32
        %add3A_576 = arith.constant 496 : i32
        %add3A_577 = arith.addi %add3A_173, %add3A_576 : i32
        %sub3A_578 = arith.constant 0 : i32
        %sub3A_579 = arith.subi %add3A_577, %sub3A_578 : i32
        %get3A_580 = arith.index_cast %add3A_575 : i32 to index
        %get3A_581 = tpu.vector_load %arg6[%get3A_580] {strides = array<i32>} : memref<16384xi32, #tpu.memory_space<vmem>>, vector<16xi32>,
        %gather3A_582 = tpu.vector_load_idx %arg5[%get3A_581] : memref<100000xf32, #tpu.memory_space<vmem>>[vector<16xi32>], vector<16xf32>,
        %swap3A_583 = arith.constant 0 : i32
        %swap3A_584 = arith.index_cast %swap3A_583 : i32 to index
        %swap3A_585 = arith.index_cast %sub3A_579 : i32 to index
        %swap3A_586 = tpu.vector_load %arg7[%swap3A_584, %swap3A_585] {strides = array<i32>} : memref<2x4096xf32, #tpu.memory_space<vmem>>, vector<16xf32>,
        tpu.vector_store %arg7[%swap3A_584, %swap3A_585], %gather3A_582 {strides = array<i32>} : memref<2x4096xf32, #tpu.memory_space<vmem>>, vector<16xf32>,
      }
      %scan3A_68 = arith.constant 8 : i32
      %dma_start3A = arith.constant 0 : i32
      %dma_start3A_69 = arith.constant 0 : i32
      %dma_start3A_70 = tpu.memref_slice %arg7[%dma_start3A, %dma_start3A_69] : memref<2x4096xf32, #tpu.memory_space<vmem>> -> memref<1x4096xf32, #tpu.memory_space<vmem>>
      %dma_start3A_71 = tpu.memref_squeeze %dma_start3A_70 : memref<1x4096xf32, #tpu.memory_space<vmem>> -> memref<4096xf32, #tpu.memory_space<vmem>>
      %dma_start3A_72 = arith.constant 0 : i32
      %dma_start3A_73 = tpu.memref_slice %arg4[%add3A_34, %dma_start3A_72] : memref<416x16384xf32, #tpu.memory_space<hbm>> -> memref<1x4096xf32, #tpu.memory_space<hbm>>
      %dma_start3A_74 = tpu.memref_squeeze %dma_start3A_73 : memref<1x4096xf32, #tpu.memory_space<hbm>> -> memref<4096xf32, #tpu.memory_space<hbm>>
      %dma_start3A_75 = arith.constant 0 : i32
      %dma_start3A_76 = tpu.memref_slice %arg4[%add3A_34, %dma_start3A_75] : memref<416x16384xf32, #tpu.memory_space<hbm>> -> memref<1x4096xf32, #tpu.memory_space<hbm>>
      %dma_start3A_77 = tpu.memref_squeeze %dma_start3A_76 : memref<1x4096xf32, #tpu.memory_space<hbm>> -> memref<4096xf32, #tpu.memory_space<hbm>>
      %dma_start3A_78 = arith.constant 0 : i32
      %dma_start3A_79 = tpu.memref_slice %arg7[%dma_start3A, %dma_start3A_78] : memref<2x4096xf32, #tpu.memory_space<vmem>> -> memref<1x4096xf32, #tpu.memory_space<vmem>>
      %dma_start3A_80 = tpu.memref_squeeze %dma_start3A_79 : memref<1x4096xf32, #tpu.memory_space<vmem>> -> memref<4096xf32, #tpu.memory_space<vmem>>
      tpu.enqueue_dma source(%dma_start3A_80 : memref<4096xf32, #tpu.memory_space<vmem>>) target(%dma_start3A_77 : memref<4096xf32, #tpu.memory_space<hbm>>) target_semaphore(%arg8 : memref<!tpu.dma_semaphore, #tpu.memory_space<semaphore_mem>>)
      %gt3A_81 = arith.constant 0 : i32
      %gt3A_82 = arith.cmpi sgt, %scan3A_33, %gt3A_81 : i32
      %convert_element_type3A_83 = arith.extui %gt3A_82 : i1 to i32
      %cond3A_84 = arith.constant 0 : i32
      %cond3A_85 = arith.cmpi ne, %convert_element_type3A_83, %cond3A_84 : i32
      scf.if %cond3A_85 {
        %dma_wait3A_169 = arith.constant 1 : i32
        %dma_wait3A_170 = arith.constant 0 : i32
        %dma_wait3A_171 = tpu.memref_slice %arg7[%dma_wait3A_169, %dma_wait3A_170] : memref<2x4096xf32, #tpu.memory_space<vmem>> -> memref<1x4096xf32, #tpu.memory_space<vmem>>
        %dma_wait3A_172 = tpu.memref_squeeze %dma_wait3A_171 : memref<1x4096xf32, #tpu.memory_space<vmem>> -> memref<4096xf32, #tpu.memory_space<vmem>>
        %dma_wait3A_173 = arith.constant 0 : i32
        %dma_wait3A_174 = tpu.memref_slice %arg4[%mul3A_2, %dma_wait3A_173] : memref<416x16384xf32, #tpu.memory_space<hbm>> -> memref<1x4096xf32, #tpu.memory_space<hbm>>
        %dma_wait3A_175 = tpu.memref_squeeze %dma_wait3A_174 : memref<1x4096xf32, #tpu.memory_space<hbm>> -> memref<4096xf32, #tpu.memory_space<hbm>>
        %dma_wait3A_176 = arith.constant 0 : i32
        %dma_wait3A_177 = tpu.memref_slice %arg4[%mul3A_2, %dma_wait3A_176] : memref<416x16384xf32, #tpu.memory_space<hbm>> -> memref<1x4096xf32, #tpu.memory_space<hbm>>
        %dma_wait3A_178 = tpu.memref_squeeze %dma_wait3A_177 : memref<1x4096xf32, #tpu.memory_space<hbm>> -> memref<4096xf32, #tpu.memory_space<hbm>>
        %dma_wait3A_179 = arith.constant 0 : i32
        %dma_wait3A_180 = tpu.memref_slice %arg7[%dma_wait3A_169, %dma_wait3A_179] : memref<2x4096xf32, #tpu.memory_space<vmem>> -> memref<1x4096xf32, #tpu.memory_space<vmem>>
        %dma_wait3A_181 = tpu.memref_squeeze %dma_wait3A_180 : memref<1x4096xf32, #tpu.memory_space<vmem>> -> memref<4096xf32, #tpu.memory_space<vmem>>
        tpu.wait_dma2 semaphore(%arg8 : memref<!tpu.dma_semaphore, #tpu.memory_space<semaphore_mem>>) src(%dma_wait3A_181 : memref<4096xf32, #tpu.memory_space<vmem>>) dst(%dma_wait3A_178 : memref<4096xf32, #tpu.memory_space<hbm>>)
      } else {
      }
      %scan3A_86 = arith.constant 0 : i32
      %scan3A_87 = arith.constant 0 : i32
      %scan3A_88 = arith.constant 8 : i32
      %scan3A_89 = arith.addi %scan3A_87, %scan3A_88 : i32
      %scan3A_90 = arith.constant 1 : i32
      scf.for %scan3A_169 = %scan3A_87 to %scan3A_89 step %scan3A_90  : i32 {
        %mul3A_170 = arith.constant 512 : i32
        %mul3A_171 = arith.muli %scan3A_169, %mul3A_170 : i32
        %add3A_172 = arith.constant 4096 : i32
        %add3A_173 = arith.addi %add3A_172, %mul3A_171 : i32
        %add3A_174 = arith.constant 0 : i32
        %add3A_175 = arith.addi %add3A_173, %add3A_174 : i32
        %add3A_176 = arith.constant 0 : i32
        %add3A_177 = arith.addi %add3A_173, %add3A_176 : i32
        %sub3A_178 = arith.constant 4096 : i32
        %sub3A_179 = arith.subi %add3A_177, %sub3A_178 : i32
        %get3A = arith.index_cast %add3A_175 : i32 to index
        %get3A_180 = tpu.vector_load %arg6[%get3A] {strides = array<i32>} : memref<16384xi32, #tpu.memory_space<vmem>>, vector<16xi32>,
        %gather3A = tpu.vector_load_idx %arg5[%get3A_180] : memref<100000xf32, #tpu.memory_space<vmem>>[vector<16xi32>], vector<16xf32>,
        %swap3A = arith.constant 1 : i32
        %swap3A_181 = arith.index_cast %swap3A : i32 to index
        %swap3A_182 = arith.index_cast %sub3A_179 : i32 to index
        %swap3A_183 = tpu.vector_load %arg7[%swap3A_181, %swap3A_182] {strides = array<i32>} : memref<2x4096xf32, #tpu.memory_space<vmem>>, vector<16xf32>,
        tpu.vector_store %arg7[%swap3A_181, %swap3A_182], %gather3A {strides = array<i32>} : memref<2x4096xf32, #tpu.memory_space<vmem>>, vector<16xf32>,
        %add3A_184 = arith.constant 16 : i32
        %add3A_185 = arith.addi %add3A_173, %add3A_184 : i32
        %add3A_186 = arith.constant 16 : i32
        %add3A_187 = arith.addi %add3A_173, %add3A_186 : i32
        %sub3A_188 = arith.constant 4096 : i32
        %sub3A_189 = arith.subi %add3A_187, %sub3A_188 : i32
        %get3A_190 = arith.index_cast %add3A_185 : i32 to index
        %get3A_191 = tpu.vector_load %arg6[%get3A_190] {strides = array<i32>} : memref<16384xi32, #tpu.memory_space<vmem>>, vector<16xi32>,
        %gather3A_192 = tpu.vector_load_idx %arg5[%get3A_191] : memref<100000xf32, #tpu.memory_space<vmem>>[vector<16xi32>], vector<16xf32>,
        %swap3A_193 = arith.constant 1 : i32
        %swap3A_194 = arith.index_cast %swap3A_193 : i32 to index
        %swap3A_195 = arith.index_cast %sub3A_189 : i32 to index
        %swap3A_196 = tpu.vector_load %arg7[%swap3A_194, %swap3A_195] {strides = array<i32>} : memref<2x4096xf32, #tpu.memory_space<vmem>>, vector<16xf32>,
        tpu.vector_store %arg7[%swap3A_194, %swap3A_195], %gather3A_192 {strides = array<i32>} : memref<2x4096xf32, #tpu.memory_space<vmem>>, vector<16xf32>,
        %add3A_197 = arith.constant 32 : i32
        %add3A_198 = arith.addi %add3A_173, %add3A_197 : i32
        %add3A_199 = arith.constant 32 : i32
        %add3A_200 = arith.addi %add3A_173, %add3A_199 : i32
        %sub3A_201 = arith.constant 4096 : i32
        %sub3A_202 = arith.subi %add3A_200, %sub3A_201 : i32
        %get3A_203 = arith.index_cast %add3A_198 : i32 to index
        %get3A_204 = tpu.vector_load %arg6[%get3A_203] {strides = array<i32>} : memref<16384xi32, #tpu.memory_space<vmem>>, vector<16xi32>,
        %gather3A_205 = tpu.vector_load_idx %arg5[%get3A_204] : memref<100000xf32, #tpu.memory_space<vmem>>[vector<16xi32>], vector<16xf32>,
        %swap3A_206 = arith.constant 1 : i32
        %swap3A_207 = arith.index_cast %swap3A_206 : i32 to index
        %swap3A_208 = arith.index_cast %sub3A_202 : i32 to index
        %swap3A_209 = tpu.vector_load %arg7[%swap3A_207, %swap3A_208] {strides = array<i32>} : memref<2x4096xf32, #tpu.memory_space<vmem>>, vector<16xf32>,
        tpu.vector_store %arg7[%swap3A_207, %swap3A_208], %gather3A_205 {strides = array<i32>} : memref<2x4096xf32, #tpu.memory_space<vmem>>, vector<16xf32>,
        %add3A_210 = arith.constant 48 : i32
        %add3A_211 = arith.addi %add3A_173, %add3A_210 : i32
        %add3A_212 = arith.constant 48 : i32
        %add3A_213 = arith.addi %add3A_173, %add3A_212 : i32
        %sub3A_214 = arith.constant 4096 : i32
        %sub3A_215 = arith.subi %add3A_213, %sub3A_214 : i32
        %get3A_216 = arith.index_cast %add3A_211 : i32 to index
        %get3A_217 = tpu.vector_load %arg6[%get3A_216] {strides = array<i32>} : memref<16384xi32, #tpu.memory_space<vmem>>, vector<16xi32>,
        %gather3A_218 = tpu.vector_load_idx %arg5[%get3A_217] : memref<100000xf32, #tpu.memory_space<vmem>>[vector<16xi32>], vector<16xf32>,
        %swap3A_219 = arith.constant 1 : i32
        %swap3A_220 = arith.index_cast %swap3A_219 : i32 to index
        %swap3A_221 = arith.index_cast %sub3A_215 : i32 to index
        %swap3A_222 = tpu.vector_load %arg7[%swap3A_220, %swap3A_221] {strides = array<i32>} : memref<2x4096xf32, #tpu.memory_space<vmem>>, vector<16xf32>,
        tpu.vector_store %arg7[%swap3A_220, %swap3A_221], %gather3A_218 {strides = array<i32>} : memref<2x4096xf32, #tpu.memory_space<vmem>>, vector<16xf32>,
        %add3A_223 = arith.constant 64 : i32
        %add3A_224 = arith.addi %add3A_173, %add3A_223 : i32
        %add3A_225 = arith.constant 64 : i32
        %add3A_226 = arith.addi %add3A_173, %add3A_225 : i32
        %sub3A_227 = arith.constant 4096 : i32
        %sub3A_228 = arith.subi %add3A_226, %sub3A_227 : i32
        %get3A_229 = arith.index_cast %add3A_224 : i32 to index
        %get3A_230 = tpu.vector_load %arg6[%get3A_229] {strides = array<i32>} : memref<16384xi32, #tpu.memory_space<vmem>>, vector<16xi32>,
        %gather3A_231 = tpu.vector_load_idx %arg5[%get3A_230] : memref<100000xf32, #tpu.memory_space<vmem>>[vector<16xi32>], vector<16xf32>,
        %swap3A_232 = arith.constant 1 : i32
        %swap3A_233 = arith.index_cast %swap3A_232 : i32 to index
        %swap3A_234 = arith.index_cast %sub3A_228 : i32 to index
        %swap3A_235 = tpu.vector_load %arg7[%swap3A_233, %swap3A_234] {strides = array<i32>} : memref<2x4096xf32, #tpu.memory_space<vmem>>, vector<16xf32>,
        tpu.vector_store %arg7[%swap3A_233, %swap3A_234], %gather3A_231 {strides = array<i32>} : memref<2x4096xf32, #tpu.memory_space<vmem>>, vector<16xf32>,
        %add3A_236 = arith.constant 80 : i32
        %add3A_237 = arith.addi %add3A_173, %add3A_236 : i32
        %add3A_238 = arith.constant 80 : i32
        %add3A_239 = arith.addi %add3A_173, %add3A_238 : i32
        %sub3A_240 = arith.constant 4096 : i32
        %sub3A_241 = arith.subi %add3A_239, %sub3A_240 : i32
        %get3A_242 = arith.index_cast %add3A_237 : i32 to index
        %get3A_243 = tpu.vector_load %arg6[%get3A_242] {strides = array<i32>} : memref<16384xi32, #tpu.memory_space<vmem>>, vector<16xi32>,
        %gather3A_244 = tpu.vector_load_idx %arg5[%get3A_243] : memref<100000xf32, #tpu.memory_space<vmem>>[vector<16xi32>], vector<16xf32>,
        %swap3A_245 = arith.constant 1 : i32
        %swap3A_246 = arith.index_cast %swap3A_245 : i32 to index
        %swap3A_247 = arith.index_cast %sub3A_241 : i32 to index
        %swap3A_248 = tpu.vector_load %arg7[%swap3A_246, %swap3A_247] {strides = array<i32>} : memref<2x4096xf32, #tpu.memory_space<vmem>>, vector<16xf32>,
        tpu.vector_store %arg7[%swap3A_246, %swap3A_247], %gather3A_244 {strides = array<i32>} : memref<2x4096xf32, #tpu.memory_space<vmem>>, vector<16xf32>,
        %add3A_249 = arith.constant 96 : i32
        %add3A_250 = arith.addi %add3A_173, %add3A_249 : i32
        %add3A_251 = arith.constant 96 : i32
        %add3A_252 = arith.addi %add3A_173, %add3A_251 : i32
        %sub3A_253 = arith.constant 4096 : i32
        %sub3A_254 = arith.subi %add3A_252, %sub3A_253 : i32
        %get3A_255 = arith.index_cast %add3A_250 : i32 to index
        %get3A_256 = tpu.vector_load %arg6[%get3A_255] {strides = array<i32>} : memref<16384xi32, #tpu.memory_space<vmem>>, vector<16xi32>,
        %gather3A_257 = tpu.vector_load_idx %arg5[%get3A_256] : memref<100000xf32, #tpu.memory_space<vmem>>[vector<16xi32>], vector<16xf32>,
        %swap3A_258 = arith.constant 1 : i32
        %swap3A_259 = arith.index_cast %swap3A_258 : i32 to index
        %swap3A_260 = arith.index_cast %sub3A_254 : i32 to index
        %swap3A_261 = tpu.vector_load %arg7[%swap3A_259, %swap3A_260] {strides = array<i32>} : memref<2x4096xf32, #tpu.memory_space<vmem>>, vector<16xf32>,
        tpu.vector_store %arg7[%swap3A_259, %swap3A_260], %gather3A_257 {strides = array<i32>} : memref<2x4096xf32, #tpu.memory_space<vmem>>, vector<16xf32>,
        %add3A_262 = arith.constant 112 : i32
        %add3A_263 = arith.addi %add3A_173, %add3A_262 : i32
        %add3A_264 = arith.constant 112 : i32
        %add3A_265 = arith.addi %add3A_173, %add3A_264 : i32
        %sub3A_266 = arith.constant 4096 : i32
        %sub3A_267 = arith.subi %add3A_265, %sub3A_266 : i32
        %get3A_268 = arith.index_cast %add3A_263 : i32 to index
        %get3A_269 = tpu.vector_load %arg6[%get3A_268] {strides = array<i32>} : memref<16384xi32, #tpu.memory_space<vmem>>, vector<16xi32>,
        %gather3A_270 = tpu.vector_load_idx %arg5[%get3A_269] : memref<100000xf32, #tpu.memory_space<vmem>>[vector<16xi32>], vector<16xf32>,
        %swap3A_271 = arith.constant 1 : i32
        %swap3A_272 = arith.index_cast %swap3A_271 : i32 to index
        %swap3A_273 = arith.index_cast %sub3A_267 : i32 to index
        %swap3A_274 = tpu.vector_load %arg7[%swap3A_272, %swap3A_273] {strides = array<i32>} : memref<2x4096xf32, #tpu.memory_space<vmem>>, vector<16xf32>,
        tpu.vector_store %arg7[%swap3A_272, %swap3A_273], %gather3A_270 {strides = array<i32>} : memref<2x4096xf32, #tpu.memory_space<vmem>>, vector<16xf32>,
        %add3A_275 = arith.constant 128 : i32
        %add3A_276 = arith.addi %add3A_173, %add3A_275 : i32
        %add3A_277 = arith.constant 128 : i32
        %add3A_278 = arith.addi %add3A_173, %add3A_277 : i32
        %sub3A_279 = arith.constant 4096 : i32
        %sub3A_280 = arith.subi %add3A_278, %sub3A_279 : i32
        %get3A_281 = arith.index_cast %add3A_276 : i32 to index
        %get3A_282 = tpu.vector_load %arg6[%get3A_281] {strides = array<i32>} : memref<16384xi32, #tpu.memory_space<vmem>>, vector<16xi32>,
        %gather3A_283 = tpu.vector_load_idx %arg5[%get3A_282] : memref<100000xf32, #tpu.memory_space<vmem>>[vector<16xi32>], vector<16xf32>,
        %swap3A_284 = arith.constant 1 : i32
        %swap3A_285 = arith.index_cast %swap3A_284 : i32 to index
        %swap3A_286 = arith.index_cast %sub3A_280 : i32 to index
        %swap3A_287 = tpu.vector_load %arg7[%swap3A_285, %swap3A_286] {strides = array<i32>} : memref<2x4096xf32, #tpu.memory_space<vmem>>, vector<16xf32>,
        tpu.vector_store %arg7[%swap3A_285, %swap3A_286], %gather3A_283 {strides = array<i32>} : memref<2x4096xf32, #tpu.memory_space<vmem>>, vector<16xf32>,
        %add3A_288 = arith.constant 144 : i32
        %add3A_289 = arith.addi %add3A_173, %add3A_288 : i32
        %add3A_290 = arith.constant 144 : i32
        %add3A_291 = arith.addi %add3A_173, %add3A_290 : i32
        %sub3A_292 = arith.constant 4096 : i32
        %sub3A_293 = arith.subi %add3A_291, %sub3A_292 : i32
        %get3A_294 = arith.index_cast %add3A_289 : i32 to index
        %get3A_295 = tpu.vector_load %arg6[%get3A_294] {strides = array<i32>} : memref<16384xi32, #tpu.memory_space<vmem>>, vector<16xi32>,
        %gather3A_296 = tpu.vector_load_idx %arg5[%get3A_295] : memref<100000xf32, #tpu.memory_space<vmem>>[vector<16xi32>], vector<16xf32>,
        %swap3A_297 = arith.constant 1 : i32
        %swap3A_298 = arith.index_cast %swap3A_297 : i32 to index
        %swap3A_299 = arith.index_cast %sub3A_293 : i32 to index
        %swap3A_300 = tpu.vector_load %arg7[%swap3A_298, %swap3A_299] {strides = array<i32>} : memref<2x4096xf32, #tpu.memory_space<vmem>>, vector<16xf32>,
        tpu.vector_store %arg7[%swap3A_298, %swap3A_299], %gather3A_296 {strides = array<i32>} : memref<2x4096xf32, #tpu.memory_space<vmem>>, vector<16xf32>,
        %add3A_301 = arith.constant 160 : i32
        %add3A_302 = arith.addi %add3A_173, %add3A_301 : i32
        %add3A_303 = arith.constant 160 : i32
        %add3A_304 = arith.addi %add3A_173, %add3A_303 : i32
        %sub3A_305 = arith.constant 4096 : i32
        %sub3A_306 = arith.subi %add3A_304, %sub3A_305 : i32
        %get3A_307 = arith.index_cast %add3A_302 : i32 to index
        %get3A_308 = tpu.vector_load %arg6[%get3A_307] {strides = array<i32>} : memref<16384xi32, #tpu.memory_space<vmem>>, vector<16xi32>,
        %gather3A_309 = tpu.vector_load_idx %arg5[%get3A_308] : memref<100000xf32, #tpu.memory_space<vmem>>[vector<16xi32>], vector<16xf32>,
        %swap3A_310 = arith.constant 1 : i32
        %swap3A_311 = arith.index_cast %swap3A_310 : i32 to index
        %swap3A_312 = arith.index_cast %sub3A_306 : i32 to index
        %swap3A_313 = tpu.vector_load %arg7[%swap3A_311, %swap3A_312] {strides = array<i32>} : memref<2x4096xf32, #tpu.memory_space<vmem>>, vector<16xf32>,
        tpu.vector_store %arg7[%swap3A_311, %swap3A_312], %gather3A_309 {strides = array<i32>} : memref<2x4096xf32, #tpu.memory_space<vmem>>, vector<16xf32>,
        %add3A_314 = arith.constant 176 : i32
        %add3A_315 = arith.addi %add3A_173, %add3A_314 : i32
        %add3A_316 = arith.constant 176 : i32
        %add3A_317 = arith.addi %add3A_173, %add3A_316 : i32
        %sub3A_318 = arith.constant 4096 : i32
        %sub3A_319 = arith.subi %add3A_317, %sub3A_318 : i32
        %get3A_320 = arith.index_cast %add3A_315 : i32 to index
        %get3A_321 = tpu.vector_load %arg6[%get3A_320] {strides = array<i32>} : memref<16384xi32, #tpu.memory_space<vmem>>, vector<16xi32>,
        %gather3A_322 = tpu.vector_load_idx %arg5[%get3A_321] : memref<100000xf32, #tpu.memory_space<vmem>>[vector<16xi32>], vector<16xf32>,
        %swap3A_323 = arith.constant 1 : i32
        %swap3A_324 = arith.index_cast %swap3A_323 : i32 to index
        %swap3A_325 = arith.index_cast %sub3A_319 : i32 to index
        %swap3A_326 = tpu.vector_load %arg7[%swap3A_324, %swap3A_325] {strides = array<i32>} : memref<2x4096xf32, #tpu.memory_space<vmem>>, vector<16xf32>,
        tpu.vector_store %arg7[%swap3A_324, %swap3A_325], %gather3A_322 {strides = array<i32>} : memref<2x4096xf32, #tpu.memory_space<vmem>>, vector<16xf32>,
        %add3A_327 = arith.constant 192 : i32
        %add3A_328 = arith.addi %add3A_173, %add3A_327 : i32
        %add3A_329 = arith.constant 192 : i32
        %add3A_330 = arith.addi %add3A_173, %add3A_329 : i32
        %sub3A_331 = arith.constant 4096 : i32
        %sub3A_332 = arith.subi %add3A_330, %sub3A_331 : i32
        %get3A_333 = arith.index_cast %add3A_328 : i32 to index
        %get3A_334 = tpu.vector_load %arg6[%get3A_333] {strides = array<i32>} : memref<16384xi32, #tpu.memory_space<vmem>>, vector<16xi32>,
        %gather3A_335 = tpu.vector_load_idx %arg5[%get3A_334] : memref<100000xf32, #tpu.memory_space<vmem>>[vector<16xi32>], vector<16xf32>,
        %swap3A_336 = arith.constant 1 : i32
        %swap3A_337 = arith.index_cast %swap3A_336 : i32 to index
        %swap3A_338 = arith.index_cast %sub3A_332 : i32 to index
        %swap3A_339 = tpu.vector_load %arg7[%swap3A_337, %swap3A_338] {strides = array<i32>} : memref<2x4096xf32, #tpu.memory_space<vmem>>, vector<16xf32>,
        tpu.vector_store %arg7[%swap3A_337, %swap3A_338], %gather3A_335 {strides = array<i32>} : memref<2x4096xf32, #tpu.memory_space<vmem>>, vector<16xf32>,
        %add3A_340 = arith.constant 208 : i32
        %add3A_341 = arith.addi %add3A_173, %add3A_340 : i32
        %add3A_342 = arith.constant 208 : i32
        %add3A_343 = arith.addi %add3A_173, %add3A_342 : i32
        %sub3A_344 = arith.constant 4096 : i32
        %sub3A_345 = arith.subi %add3A_343, %sub3A_344 : i32
        %get3A_346 = arith.index_cast %add3A_341 : i32 to index
        %get3A_347 = tpu.vector_load %arg6[%get3A_346] {strides = array<i32>} : memref<16384xi32, #tpu.memory_space<vmem>>, vector<16xi32>,
        %gather3A_348 = tpu.vector_load_idx %arg5[%get3A_347] : memref<100000xf32, #tpu.memory_space<vmem>>[vector<16xi32>], vector<16xf32>,
        %swap3A_349 = arith.constant 1 : i32
        %swap3A_350 = arith.index_cast %swap3A_349 : i32 to index
        %swap3A_351 = arith.index_cast %sub3A_345 : i32 to index
        %swap3A_352 = tpu.vector_load %arg7[%swap3A_350, %swap3A_351] {strides = array<i32>} : memref<2x4096xf32, #tpu.memory_space<vmem>>, vector<16xf32>,
        tpu.vector_store %arg7[%swap3A_350, %swap3A_351], %gather3A_348 {strides = array<i32>} : memref<2x4096xf32, #tpu.memory_space<vmem>>, vector<16xf32>,
        %add3A_353 = arith.constant 224 : i32
        %add3A_354 = arith.addi %add3A_173, %add3A_353 : i32
        %add3A_355 = arith.constant 224 : i32
        %add3A_356 = arith.addi %add3A_173, %add3A_355 : i32
        %sub3A_357 = arith.constant 4096 : i32
        %sub3A_358 = arith.subi %add3A_356, %sub3A_357 : i32
        %get3A_359 = arith.index_cast %add3A_354 : i32 to index
        %get3A_360 = tpu.vector_load %arg6[%get3A_359] {strides = array<i32>} : memref<16384xi32, #tpu.memory_space<vmem>>, vector<16xi32>,
        %gather3A_361 = tpu.vector_load_idx %arg5[%get3A_360] : memref<100000xf32, #tpu.memory_space<vmem>>[vector<16xi32>], vector<16xf32>,
        %swap3A_362 = arith.constant 1 : i32
        %swap3A_363 = arith.index_cast %swap3A_362 : i32 to index
        %swap3A_364 = arith.index_cast %sub3A_358 : i32 to index
        %swap3A_365 = tpu.vector_load %arg7[%swap3A_363, %swap3A_364] {strides = array<i32>} : memref<2x4096xf32, #tpu.memory_space<vmem>>, vector<16xf32>,
        tpu.vector_store %arg7[%swap3A_363, %swap3A_364], %gather3A_361 {strides = array<i32>} : memref<2x4096xf32, #tpu.memory_space<vmem>>, vector<16xf32>,
        %add3A_366 = arith.constant 240 : i32
        %add3A_367 = arith.addi %add3A_173, %add3A_366 : i32
        %add3A_368 = arith.constant 240 : i32
        %add3A_369 = arith.addi %add3A_173, %add3A_368 : i32
        %sub3A_370 = arith.constant 4096 : i32
        %sub3A_371 = arith.subi %add3A_369, %sub3A_370 : i32
        %get3A_372 = arith.index_cast %add3A_367 : i32 to index
        %get3A_373 = tpu.vector_load %arg6[%get3A_372] {strides = array<i32>} : memref<16384xi32, #tpu.memory_space<vmem>>, vector<16xi32>,
        %gather3A_374 = tpu.vector_load_idx %arg5[%get3A_373] : memref<100000xf32, #tpu.memory_space<vmem>>[vector<16xi32>], vector<16xf32>,
        %swap3A_375 = arith.constant 1 : i32
        %swap3A_376 = arith.index_cast %swap3A_375 : i32 to index
        %swap3A_377 = arith.index_cast %sub3A_371 : i32 to index
        %swap3A_378 = tpu.vector_load %arg7[%swap3A_376, %swap3A_377] {strides = array<i32>} : memref<2x4096xf32, #tpu.memory_space<vmem>>, vector<16xf32>,
        tpu.vector_store %arg7[%swap3A_376, %swap3A_377], %gather3A_374 {strides = array<i32>} : memref<2x4096xf32, #tpu.memory_space<vmem>>, vector<16xf32>,
        %add3A_379 = arith.constant 256 : i32
        %add3A_380 = arith.addi %add3A_173, %add3A_379 : i32
        %add3A_381 = arith.constant 256 : i32
        %add3A_382 = arith.addi %add3A_173, %add3A_381 : i32
        %sub3A_383 = arith.constant 4096 : i32
        %sub3A_384 = arith.subi %add3A_382, %sub3A_383 : i32
        %get3A_385 = arith.index_cast %add3A_380 : i32 to index
        %get3A_386 = tpu.vector_load %arg6[%get3A_385] {strides = array<i32>} : memref<16384xi32, #tpu.memory_space<vmem>>, vector<16xi32>,
        %gather3A_387 = tpu.vector_load_idx %arg5[%get3A_386] : memref<100000xf32, #tpu.memory_space<vmem>>[vector<16xi32>], vector<16xf32>,
        %swap3A_388 = arith.constant 1 : i32
        %swap3A_389 = arith.index_cast %swap3A_388 : i32 to index
        %swap3A_390 = arith.index_cast %sub3A_384 : i32 to index
        %swap3A_391 = tpu.vector_load %arg7[%swap3A_389, %swap3A_390] {strides = array<i32>} : memref<2x4096xf32, #tpu.memory_space<vmem>>, vector<16xf32>,
        tpu.vector_store %arg7[%swap3A_389, %swap3A_390], %gather3A_387 {strides = array<i32>} : memref<2x4096xf32, #tpu.memory_space<vmem>>, vector<16xf32>,
        %add3A_392 = arith.constant 272 : i32
        %add3A_393 = arith.addi %add3A_173, %add3A_392 : i32
        %add3A_394 = arith.constant 272 : i32
        %add3A_395 = arith.addi %add3A_173, %add3A_394 : i32
        %sub3A_396 = arith.constant 4096 : i32
        %sub3A_397 = arith.subi %add3A_395, %sub3A_396 : i32
        %get3A_398 = arith.index_cast %add3A_393 : i32 to index
        %get3A_399 = tpu.vector_load %arg6[%get3A_398] {strides = array<i32>} : memref<16384xi32, #tpu.memory_space<vmem>>, vector<16xi32>,
        %gather3A_400 = tpu.vector_load_idx %arg5[%get3A_399] : memref<100000xf32, #tpu.memory_space<vmem>>[vector<16xi32>], vector<16xf32>,
        %swap3A_401 = arith.constant 1 : i32
        %swap3A_402 = arith.index_cast %swap3A_401 : i32 to index
        %swap3A_403 = arith.index_cast %sub3A_397 : i32 to index
        %swap3A_404 = tpu.vector_load %arg7[%swap3A_402, %swap3A_403] {strides = array<i32>} : memref<2x4096xf32, #tpu.memory_space<vmem>>, vector<16xf32>,
        tpu.vector_store %arg7[%swap3A_402, %swap3A_403], %gather3A_400 {strides = array<i32>} : memref<2x4096xf32, #tpu.memory_space<vmem>>, vector<16xf32>,
        %add3A_405 = arith.constant 288 : i32
        %add3A_406 = arith.addi %add3A_173, %add3A_405 : i32
        %add3A_407 = arith.constant 288 : i32
        %add3A_408 = arith.addi %add3A_173, %add3A_407 : i32
        %sub3A_409 = arith.constant 4096 : i32
        %sub3A_410 = arith.subi %add3A_408, %sub3A_409 : i32
        %get3A_411 = arith.index_cast %add3A_406 : i32 to index
        %get3A_412 = tpu.vector_load %arg6[%get3A_411] {strides = array<i32>} : memref<16384xi32, #tpu.memory_space<vmem>>, vector<16xi32>,
        %gather3A_413 = tpu.vector_load_idx %arg5[%get3A_412] : memref<100000xf32, #tpu.memory_space<vmem>>[vector<16xi32>], vector<16xf32>,
        %swap3A_414 = arith.constant 1 : i32
        %swap3A_415 = arith.index_cast %swap3A_414 : i32 to index
        %swap3A_416 = arith.index_cast %sub3A_410 : i32 to index
        %swap3A_417 = tpu.vector_load %arg7[%swap3A_415, %swap3A_416] {strides = array<i32>} : memref<2x4096xf32, #tpu.memory_space<vmem>>, vector<16xf32>,
        tpu.vector_store %arg7[%swap3A_415, %swap3A_416], %gather3A_413 {strides = array<i32>} : memref<2x4096xf32, #tpu.memory_space<vmem>>, vector<16xf32>,
        %add3A_418 = arith.constant 304 : i32
        %add3A_419 = arith.addi %add3A_173, %add3A_418 : i32
        %add3A_420 = arith.constant 304 : i32
        %add3A_421 = arith.addi %add3A_173, %add3A_420 : i32
        %sub3A_422 = arith.constant 4096 : i32
        %sub3A_423 = arith.subi %add3A_421, %sub3A_422 : i32
        %get3A_424 = arith.index_cast %add3A_419 : i32 to index
        %get3A_425 = tpu.vector_load %arg6[%get3A_424] {strides = array<i32>} : memref<16384xi32, #tpu.memory_space<vmem>>, vector<16xi32>,
        %gather3A_426 = tpu.vector_load_idx %arg5[%get3A_425] : memref<100000xf32, #tpu.memory_space<vmem>>[vector<16xi32>], vector<16xf32>,
        %swap3A_427 = arith.constant 1 : i32
        %swap3A_428 = arith.index_cast %swap3A_427 : i32 to index
        %swap3A_429 = arith.index_cast %sub3A_423 : i32 to index
        %swap3A_430 = tpu.vector_load %arg7[%swap3A_428, %swap3A_429] {strides = array<i32>} : memref<2x4096xf32, #tpu.memory_space<vmem>>, vector<16xf32>,
        tpu.vector_store %arg7[%swap3A_428, %swap3A_429], %gather3A_426 {strides = array<i32>} : memref<2x4096xf32, #tpu.memory_space<vmem>>, vector<16xf32>,
        %add3A_431 = arith.constant 320 : i32
        %add3A_432 = arith.addi %add3A_173, %add3A_431 : i32
        %add3A_433 = arith.constant 320 : i32
        %add3A_434 = arith.addi %add3A_173, %add3A_433 : i32
        %sub3A_435 = arith.constant 4096 : i32
        %sub3A_436 = arith.subi %add3A_434, %sub3A_435 : i32
        %get3A_437 = arith.index_cast %add3A_432 : i32 to index
        %get3A_438 = tpu.vector_load %arg6[%get3A_437] {strides = array<i32>} : memref<16384xi32, #tpu.memory_space<vmem>>, vector<16xi32>,
        %gather3A_439 = tpu.vector_load_idx %arg5[%get3A_438] : memref<100000xf32, #tpu.memory_space<vmem>>[vector<16xi32>], vector<16xf32>,
        %swap3A_440 = arith.constant 1 : i32
        %swap3A_441 = arith.index_cast %swap3A_440 : i32 to index
        %swap3A_442 = arith.index_cast %sub3A_436 : i32 to index
        %swap3A_443 = tpu.vector_load %arg7[%swap3A_441, %swap3A_442] {strides = array<i32>} : memref<2x4096xf32, #tpu.memory_space<vmem>>, vector<16xf32>,
        tpu.vector_store %arg7[%swap3A_441, %swap3A_442], %gather3A_439 {strides = array<i32>} : memref<2x4096xf32, #tpu.memory_space<vmem>>, vector<16xf32>,
        %add3A_444 = arith.constant 336 : i32
        %add3A_445 = arith.addi %add3A_173, %add3A_444 : i32
        %add3A_446 = arith.constant 336 : i32
        %add3A_447 = arith.addi %add3A_173, %add3A_446 : i32
        %sub3A_448 = arith.constant 4096 : i32
        %sub3A_449 = arith.subi %add3A_447, %sub3A_448 : i32
        %get3A_450 = arith.index_cast %add3A_445 : i32 to index
        %get3A_451 = tpu.vector_load %arg6[%get3A_450] {strides = array<i32>} : memref<16384xi32, #tpu.memory_space<vmem>>, vector<16xi32>,
        %gather3A_452 = tpu.vector_load_idx %arg5[%get3A_451] : memref<100000xf32, #tpu.memory_space<vmem>>[vector<16xi32>], vector<16xf32>,
        %swap3A_453 = arith.constant 1 : i32
        %swap3A_454 = arith.index_cast %swap3A_453 : i32 to index
        %swap3A_455 = arith.index_cast %sub3A_449 : i32 to index
        %swap3A_456 = tpu.vector_load %arg7[%swap3A_454, %swap3A_455] {strides = array<i32>} : memref<2x4096xf32, #tpu.memory_space<vmem>>, vector<16xf32>,
        tpu.vector_store %arg7[%swap3A_454, %swap3A_455], %gather3A_452 {strides = array<i32>} : memref<2x4096xf32, #tpu.memory_space<vmem>>, vector<16xf32>,
        %add3A_457 = arith.constant 352 : i32
        %add3A_458 = arith.addi %add3A_173, %add3A_457 : i32
        %add3A_459 = arith.constant 352 : i32
        %add3A_460 = arith.addi %add3A_173, %add3A_459 : i32
        %sub3A_461 = arith.constant 4096 : i32
        %sub3A_462 = arith.subi %add3A_460, %sub3A_461 : i32
        %get3A_463 = arith.index_cast %add3A_458 : i32 to index
        %get3A_464 = tpu.vector_load %arg6[%get3A_463] {strides = array<i32>} : memref<16384xi32, #tpu.memory_space<vmem>>, vector<16xi32>,
        %gather3A_465 = tpu.vector_load_idx %arg5[%get3A_464] : memref<100000xf32, #tpu.memory_space<vmem>>[vector<16xi32>], vector<16xf32>,
        %swap3A_466 = arith.constant 1 : i32
        %swap3A_467 = arith.index_cast %swap3A_466 : i32 to index
        %swap3A_468 = arith.index_cast %sub3A_462 : i32 to index
        %swap3A_469 = tpu.vector_load %arg7[%swap3A_467, %swap3A_468] {strides = array<i32>} : memref<2x4096xf32, #tpu.memory_space<vmem>>, vector<16xf32>,
        tpu.vector_store %arg7[%swap3A_467, %swap3A_468], %gather3A_465 {strides = array<i32>} : memref<2x4096xf32, #tpu.memory_space<vmem>>, vector<16xf32>,
        %add3A_470 = arith.constant 368 : i32
        %add3A_471 = arith.addi %add3A_173, %add3A_470 : i32
        %add3A_472 = arith.constant 368 : i32
        %add3A_473 = arith.addi %add3A_173, %add3A_472 : i32
        %sub3A_474 = arith.constant 4096 : i32
        %sub3A_475 = arith.subi %add3A_473, %sub3A_474 : i32
        %get3A_476 = arith.index_cast %add3A_471 : i32 to index
        %get3A_477 = tpu.vector_load %arg6[%get3A_476] {strides = array<i32>} : memref<16384xi32, #tpu.memory_space<vmem>>, vector<16xi32>,
        %gather3A_478 = tpu.vector_load_idx %arg5[%get3A_477] : memref<100000xf32, #tpu.memory_space<vmem>>[vector<16xi32>], vector<16xf32>,
        %swap3A_479 = arith.constant 1 : i32
        %swap3A_480 = arith.index_cast %swap3A_479 : i32 to index
        %swap3A_481 = arith.index_cast %sub3A_475 : i32 to index
        %swap3A_482 = tpu.vector_load %arg7[%swap3A_480, %swap3A_481] {strides = array<i32>} : memref<2x4096xf32, #tpu.memory_space<vmem>>, vector<16xf32>,
        tpu.vector_store %arg7[%swap3A_480, %swap3A_481], %gather3A_478 {strides = array<i32>} : memref<2x4096xf32, #tpu.memory_space<vmem>>, vector<16xf32>,
        %add3A_483 = arith.constant 384 : i32
        %add3A_484 = arith.addi %add3A_173, %add3A_483 : i32
        %add3A_485 = arith.constant 384 : i32
        %add3A_486 = arith.addi %add3A_173, %add3A_485 : i32
        %sub3A_487 = arith.constant 4096 : i32
        %sub3A_488 = arith.subi %add3A_486, %sub3A_487 : i32
        %get3A_489 = arith.index_cast %add3A_484 : i32 to index
        %get3A_490 = tpu.vector_load %arg6[%get3A_489] {strides = array<i32>} : memref<16384xi32, #tpu.memory_space<vmem>>, vector<16xi32>,
        %gather3A_491 = tpu.vector_load_idx %arg5[%get3A_490] : memref<100000xf32, #tpu.memory_space<vmem>>[vector<16xi32>], vector<16xf32>,
        %swap3A_492 = arith.constant 1 : i32
        %swap3A_493 = arith.index_cast %swap3A_492 : i32 to index
        %swap3A_494 = arith.index_cast %sub3A_488 : i32 to index
        %swap3A_495 = tpu.vector_load %arg7[%swap3A_493, %swap3A_494] {strides = array<i32>} : memref<2x4096xf32, #tpu.memory_space<vmem>>, vector<16xf32>,
        tpu.vector_store %arg7[%swap3A_493, %swap3A_494], %gather3A_491 {strides = array<i32>} : memref<2x4096xf32, #tpu.memory_space<vmem>>, vector<16xf32>,
        %add3A_496 = arith.constant 400 : i32
        %add3A_497 = arith.addi %add3A_173, %add3A_496 : i32
        %add3A_498 = arith.constant 400 : i32
        %add3A_499 = arith.addi %add3A_173, %add3A_498 : i32
        %sub3A_500 = arith.constant 4096 : i32
        %sub3A_501 = arith.subi %add3A_499, %sub3A_500 : i32
        %get3A_502 = arith.index_cast %add3A_497 : i32 to index
        %get3A_503 = tpu.vector_load %arg6[%get3A_502] {strides = array<i32>} : memref<16384xi32, #tpu.memory_space<vmem>>, vector<16xi32>,
        %gather3A_504 = tpu.vector_load_idx %arg5[%get3A_503] : memref<100000xf32, #tpu.memory_space<vmem>>[vector<16xi32>], vector<16xf32>,
        %swap3A_505 = arith.constant 1 : i32
        %swap3A_506 = arith.index_cast %swap3A_505 : i32 to index
        %swap3A_507 = arith.index_cast %sub3A_501 : i32 to index
        %swap3A_508 = tpu.vector_load %arg7[%swap3A_506, %swap3A_507] {strides = array<i32>} : memref<2x4096xf32, #tpu.memory_space<vmem>>, vector<16xf32>,
        tpu.vector_store %arg7[%swap3A_506, %swap3A_507], %gather3A_504 {strides = array<i32>} : memref<2x4096xf32, #tpu.memory_space<vmem>>, vector<16xf32>,
        %add3A_509 = arith.constant 416 : i32
        %add3A_510 = arith.addi %add3A_173, %add3A_509 : i32
        %add3A_511 = arith.constant 416 : i32
        %add3A_512 = arith.addi %add3A_173, %add3A_511 : i32
        %sub3A_513 = arith.constant 4096 : i32
        %sub3A_514 = arith.subi %add3A_512, %sub3A_513 : i32
        %get3A_515 = arith.index_cast %add3A_510 : i32 to index
        %get3A_516 = tpu.vector_load %arg6[%get3A_515] {strides = array<i32>} : memref<16384xi32, #tpu.memory_space<vmem>>, vector<16xi32>,
        %gather3A_517 = tpu.vector_load_idx %arg5[%get3A_516] : memref<100000xf32, #tpu.memory_space<vmem>>[vector<16xi32>], vector<16xf32>,
        %swap3A_518 = arith.constant 1 : i32
        %swap3A_519 = arith.index_cast %swap3A_518 : i32 to index
        %swap3A_520 = arith.index_cast %sub3A_514 : i32 to index
        %swap3A_521 = tpu.vector_load %arg7[%swap3A_519, %swap3A_520] {strides = array<i32>} : memref<2x4096xf32, #tpu.memory_space<vmem>>, vector<16xf32>,
        tpu.vector_store %arg7[%swap3A_519, %swap3A_520], %gather3A_517 {strides = array<i32>} : memref<2x4096xf32, #tpu.memory_space<vmem>>, vector<16xf32>,
        %add3A_522 = arith.constant 432 : i32
        %add3A_523 = arith.addi %add3A_173, %add3A_522 : i32
        %add3A_524 = arith.constant 432 : i32
        %add3A_525 = arith.addi %add3A_173, %add3A_524 : i32
        %sub3A_526 = arith.constant 4096 : i32
        %sub3A_527 = arith.subi %add3A_525, %sub3A_526 : i32
        %get3A_528 = arith.index_cast %add3A_523 : i32 to index
        %get3A_529 = tpu.vector_load %arg6[%get3A_528] {strides = array<i32>} : memref<16384xi32, #tpu.memory_space<vmem>>, vector<16xi32>,
        %gather3A_530 = tpu.vector_load_idx %arg5[%get3A_529] : memref<100000xf32, #tpu.memory_space<vmem>>[vector<16xi32>], vector<16xf32>,
        %swap3A_531 = arith.constant 1 : i32
        %swap3A_532 = arith.index_cast %swap3A_531 : i32 to index
        %swap3A_533 = arith.index_cast %sub3A_527 : i32 to index
        %swap3A_534 = tpu.vector_load %arg7[%swap3A_532, %swap3A_533] {strides = array<i32>} : memref<2x4096xf32, #tpu.memory_space<vmem>>, vector<16xf32>,
        tpu.vector_store %arg7[%swap3A_532, %swap3A_533], %gather3A_530 {strides = array<i32>} : memref<2x4096xf32, #tpu.memory_space<vmem>>, vector<16xf32>,
        %add3A_535 = arith.constant 448 : i32
        %add3A_536 = arith.addi %add3A_173, %add3A_535 : i32
        %add3A_537 = arith.constant 448 : i32
        %add3A_538 = arith.addi %add3A_173, %add3A_537 : i32
        %sub3A_539 = arith.constant 4096 : i32
        %sub3A_540 = arith.subi %add3A_538, %sub3A_539 : i32
        %get3A_541 = arith.index_cast %add3A_536 : i32 to index
        %get3A_542 = tpu.vector_load %arg6[%get3A_541] {strides = array<i32>} : memref<16384xi32, #tpu.memory_space<vmem>>, vector<16xi32>,
        %gather3A_543 = tpu.vector_load_idx %arg5[%get3A_542] : memref<100000xf32, #tpu.memory_space<vmem>>[vector<16xi32>], vector<16xf32>,
        %swap3A_544 = arith.constant 1 : i32
        %swap3A_545 = arith.index_cast %swap3A_544 : i32 to index
        %swap3A_546 = arith.index_cast %sub3A_540 : i32 to index
        %swap3A_547 = tpu.vector_load %arg7[%swap3A_545, %swap3A_546] {strides = array<i32>} : memref<2x4096xf32, #tpu.memory_space<vmem>>, vector<16xf32>,
        tpu.vector_store %arg7[%swap3A_545, %swap3A_546], %gather3A_543 {strides = array<i32>} : memref<2x4096xf32, #tpu.memory_space<vmem>>, vector<16xf32>,
        %add3A_548 = arith.constant 464 : i32
        %add3A_549 = arith.addi %add3A_173, %add3A_548 : i32
        %add3A_550 = arith.constant 464 : i32
        %add3A_551 = arith.addi %add3A_173, %add3A_550 : i32
        %sub3A_552 = arith.constant 4096 : i32
        %sub3A_553 = arith.subi %add3A_551, %sub3A_552 : i32
        %get3A_554 = arith.index_cast %add3A_549 : i32 to index
        %get3A_555 = tpu.vector_load %arg6[%get3A_554] {strides = array<i32>} : memref<16384xi32, #tpu.memory_space<vmem>>, vector<16xi32>,
        %gather3A_556 = tpu.vector_load_idx %arg5[%get3A_555] : memref<100000xf32, #tpu.memory_space<vmem>>[vector<16xi32>], vector<16xf32>,
        %swap3A_557 = arith.constant 1 : i32
        %swap3A_558 = arith.index_cast %swap3A_557 : i32 to index
        %swap3A_559 = arith.index_cast %sub3A_553 : i32 to index
        %swap3A_560 = tpu.vector_load %arg7[%swap3A_558, %swap3A_559] {strides = array<i32>} : memref<2x4096xf32, #tpu.memory_space<vmem>>, vector<16xf32>,
        tpu.vector_store %arg7[%swap3A_558, %swap3A_559], %gather3A_556 {strides = array<i32>} : memref<2x4096xf32, #tpu.memory_space<vmem>>, vector<16xf32>,
        %add3A_561 = arith.constant 480 : i32
        %add3A_562 = arith.addi %add3A_173, %add3A_561 : i32
        %add3A_563 = arith.constant 480 : i32
        %add3A_564 = arith.addi %add3A_173, %add3A_563 : i32
        %sub3A_565 = arith.constant 4096 : i32
        %sub3A_566 = arith.subi %add3A_564, %sub3A_565 : i32
        %get3A_567 = arith.index_cast %add3A_562 : i32 to index
        %get3A_568 = tpu.vector_load %arg6[%get3A_567] {strides = array<i32>} : memref<16384xi32, #tpu.memory_space<vmem>>, vector<16xi32>,
        %gather3A_569 = tpu.vector_load_idx %arg5[%get3A_568] : memref<100000xf32, #tpu.memory_space<vmem>>[vector<16xi32>], vector<16xf32>,
        %swap3A_570 = arith.constant 1 : i32
        %swap3A_571 = arith.index_cast %swap3A_570 : i32 to index
        %swap3A_572 = arith.index_cast %sub3A_566 : i32 to index
        %swap3A_573 = tpu.vector_load %arg7[%swap3A_571, %swap3A_572] {strides = array<i32>} : memref<2x4096xf32, #tpu.memory_space<vmem>>, vector<16xf32>,
        tpu.vector_store %arg7[%swap3A_571, %swap3A_572], %gather3A_569 {strides = array<i32>} : memref<2x4096xf32, #tpu.memory_space<vmem>>, vector<16xf32>,
        %add3A_574 = arith.constant 496 : i32
        %add3A_575 = arith.addi %add3A_173, %add3A_574 : i32
        %add3A_576 = arith.constant 496 : i32
        %add3A_577 = arith.addi %add3A_173, %add3A_576 : i32
        %sub3A_578 = arith.constant 4096 : i32
        %sub3A_579 = arith.subi %add3A_577, %sub3A_578 : i32
        %get3A_580 = arith.index_cast %add3A_575 : i32 to index
        %get3A_581 = tpu.vector_load %arg6[%get3A_580] {strides = array<i32>} : memref<16384xi32, #tpu.memory_space<vmem>>, vector<16xi32>,
        %gather3A_582 = tpu.vector_load_idx %arg5[%get3A_581] : memref<100000xf32, #tpu.memory_space<vmem>>[vector<16xi32>], vector<16xf32>,
        %swap3A_583 = arith.constant 1 : i32
        %swap3A_584 = arith.index_cast %swap3A_583 : i32 to index
        %swap3A_585 = arith.index_cast %sub3A_579 : i32 to index
        %swap3A_586 = tpu.vector_load %arg7[%swap3A_584, %swap3A_585] {strides = array<i32>} : memref<2x4096xf32, #tpu.memory_space<vmem>>, vector<16xf32>,
        tpu.vector_store %arg7[%swap3A_584, %swap3A_585], %gather3A_582 {strides = array<i32>} : memref<2x4096xf32, #tpu.memory_space<vmem>>, vector<16xf32>,
      }
      %scan3A_91 = arith.constant 8 : i32
      %dma_start3A_92 = arith.constant 1 : i32
      %dma_start3A_93 = arith.constant 0 : i32
      %dma_start3A_94 = tpu.memref_slice %arg7[%dma_start3A_92, %dma_start3A_93] : memref<2x4096xf32, #tpu.memory_space<vmem>> -> memref<1x4096xf32, #tpu.memory_space<vmem>>
      %dma_start3A_95 = tpu.memref_squeeze %dma_start3A_94 : memref<1x4096xf32, #tpu.memory_space<vmem>> -> memref<4096xf32, #tpu.memory_space<vmem>>
      %dma_start3A_96 = arith.constant 4096 : i32
      %dma_start3A_97 = tpu.memref_slice %arg4[%add3A_34, %dma_start3A_96] : memref<416x16384xf32, #tpu.memory_space<hbm>> -> memref<1x4096xf32, #tpu.memory_space<hbm>>
      %dma_start3A_98 = tpu.memref_squeeze %dma_start3A_97 : memref<1x4096xf32, #tpu.memory_space<hbm>> -> memref<4096xf32, #tpu.memory_space<hbm>>
      %dma_start3A_99 = arith.constant 4096 : i32
      %dma_start3A_100 = tpu.memref_slice %arg4[%add3A_34, %dma_start3A_99] : memref<416x16384xf32, #tpu.memory_space<hbm>> -> memref<1x4096xf32, #tpu.memory_space<hbm>>
      %dma_start3A_101 = tpu.memref_squeeze %dma_start3A_100 : memref<1x4096xf32, #tpu.memory_space<hbm>> -> memref<4096xf32, #tpu.memory_space<hbm>>
      %dma_start3A_102 = arith.constant 0 : i32
      %dma_start3A_103 = tpu.memref_slice %arg7[%dma_start3A_92, %dma_start3A_102] : memref<2x4096xf32, #tpu.memory_space<vmem>> -> memref<1x4096xf32, #tpu.memory_space<vmem>>
      %dma_start3A_104 = tpu.memref_squeeze %dma_start3A_103 : memref<1x4096xf32, #tpu.memory_space<vmem>> -> memref<4096xf32, #tpu.memory_space<vmem>>
      tpu.enqueue_dma source(%dma_start3A_104 : memref<4096xf32, #tpu.memory_space<vmem>>) target(%dma_start3A_101 : memref<4096xf32, #tpu.memory_space<hbm>>) target_semaphore(%arg8 : memref<!tpu.dma_semaphore, #tpu.memory_space<semaphore_mem>>)
      %dma_wait3A_105 = arith.constant 0 : i32
      %dma_wait3A_106 = arith.constant 0 : i32
      %dma_wait3A_107 = tpu.memref_slice %arg7[%dma_wait3A_105, %dma_wait3A_106] : memref<2x4096xf32, #tpu.memory_space<vmem>> -> memref<1x4096xf32, #tpu.memory_space<vmem>>
      %dma_wait3A_108 = tpu.memref_squeeze %dma_wait3A_107 : memref<1x4096xf32, #tpu.memory_space<vmem>> -> memref<4096xf32, #tpu.memory_space<vmem>>
      %dma_wait3A_109 = arith.constant 0 : i32
      %dma_wait3A_110 = tpu.memref_slice %arg4[%mul3A_2, %dma_wait3A_109] : memref<416x16384xf32, #tpu.memory_space<hbm>> -> memref<1x4096xf32, #tpu.memory_space<hbm>>
      %dma_wait3A_111 = tpu.memref_squeeze %dma_wait3A_110 : memref<1x4096xf32, #tpu.memory_space<hbm>> -> memref<4096xf32, #tpu.memory_space<hbm>>
      %dma_wait3A_112 = arith.constant 0 : i32
      %dma_wait3A_113 = tpu.memref_slice %arg4[%mul3A_2, %dma_wait3A_112] : memref<416x16384xf32, #tpu.memory_space<hbm>> -> memref<1x4096xf32, #tpu.memory_space<hbm>>
      %dma_wait3A_114 = tpu.memref_squeeze %dma_wait3A_113 : memref<1x4096xf32, #tpu.memory_space<hbm>> -> memref<4096xf32, #tpu.memory_space<hbm>>
      %dma_wait3A_115 = arith.constant 0 : i32
      %dma_wait3A_116 = tpu.memref_slice %arg7[%dma_wait3A_105, %dma_wait3A_115] : memref<2x4096xf32, #tpu.memory_space<vmem>> -> memref<1x4096xf32, #tpu.memory_space<vmem>>
      %dma_wait3A_117 = tpu.memref_squeeze %dma_wait3A_116 : memref<1x4096xf32, #tpu.memory_space<vmem>> -> memref<4096xf32, #tpu.memory_space<vmem>>
      tpu.wait_dma2 semaphore(%arg8 : memref<!tpu.dma_semaphore, #tpu.memory_space<semaphore_mem>>) src(%dma_wait3A_117 : memref<4096xf32, #tpu.memory_space<vmem>>) dst(%dma_wait3A_114 : memref<4096xf32, #tpu.memory_space<hbm>>)
      %scan3A_118 = arith.constant 0 : i32
      %scan3A_119 = arith.constant 0 : i32
      %scan3A_120 = arith.constant 8 : i32
      %scan3A_121 = arith.addi %scan3A_119, %scan3A_120 : i32
      %scan3A_122 = arith.constant 1 : i32
      scf.for %scan3A_169 = %scan3A_119 to %scan3A_121 step %scan3A_122  : i32 {
        %mul3A_170 = arith.constant 512 : i32
        %mul3A_171 = arith.muli %scan3A_169, %mul3A_170 : i32
        %add3A_172 = arith.constant 8192 : i32
        %add3A_173 = arith.addi %add3A_172, %mul3A_171 : i32
        %add3A_174 = arith.constant 0 : i32
        %add3A_175 = arith.addi %add3A_173, %add3A_174 : i32
        %add3A_176 = arith.constant 0 : i32
        %add3A_177 = arith.addi %add3A_173, %add3A_176 : i32
        %sub3A_178 = arith.constant 8192 : i32
        %sub3A_179 = arith.subi %add3A_177, %sub3A_178 : i32
        %get3A = arith.index_cast %add3A_175 : i32 to index
        %get3A_180 = tpu.vector_load %arg6[%get3A] {strides = array<i32>} : memref<16384xi32, #tpu.memory_space<vmem>>, vector<16xi32>,
        %gather3A = tpu.vector_load_idx %arg5[%get3A_180] : memref<100000xf32, #tpu.memory_space<vmem>>[vector<16xi32>], vector<16xf32>,
        %swap3A = arith.constant 0 : i32
        %swap3A_181 = arith.index_cast %swap3A : i32 to index
        %swap3A_182 = arith.index_cast %sub3A_179 : i32 to index
        %swap3A_183 = tpu.vector_load %arg7[%swap3A_181, %swap3A_182] {strides = array<i32>} : memref<2x4096xf32, #tpu.memory_space<vmem>>, vector<16xf32>,
        tpu.vector_store %arg7[%swap3A_181, %swap3A_182], %gather3A {strides = array<i32>} : memref<2x4096xf32, #tpu.memory_space<vmem>>, vector<16xf32>,
        %add3A_184 = arith.constant 16 : i32
        %add3A_185 = arith.addi %add3A_173, %add3A_184 : i32
        %add3A_186 = arith.constant 16 : i32
        %add3A_187 = arith.addi %add3A_173, %add3A_186 : i32
        %sub3A_188 = arith.constant 8192 : i32
        %sub3A_189 = arith.subi %add3A_187, %sub3A_188 : i32
        %get3A_190 = arith.index_cast %add3A_185 : i32 to index
        %get3A_191 = tpu.vector_load %arg6[%get3A_190] {strides = array<i32>} : memref<16384xi32, #tpu.memory_space<vmem>>, vector<16xi32>,
        %gather3A_192 = tpu.vector_load_idx %arg5[%get3A_191] : memref<100000xf32, #tpu.memory_space<vmem>>[vector<16xi32>], vector<16xf32>,
        %swap3A_193 = arith.constant 0 : i32
        %swap3A_194 = arith.index_cast %swap3A_193 : i32 to index
        %swap3A_195 = arith.index_cast %sub3A_189 : i32 to index
        %swap3A_196 = tpu.vector_load %arg7[%swap3A_194, %swap3A_195] {strides = array<i32>} : memref<2x4096xf32, #tpu.memory_space<vmem>>, vector<16xf32>,
        tpu.vector_store %arg7[%swap3A_194, %swap3A_195], %gather3A_192 {strides = array<i32>} : memref<2x4096xf32, #tpu.memory_space<vmem>>, vector<16xf32>,
        %add3A_197 = arith.constant 32 : i32
        %add3A_198 = arith.addi %add3A_173, %add3A_197 : i32
        %add3A_199 = arith.constant 32 : i32
        %add3A_200 = arith.addi %add3A_173, %add3A_199 : i32
        %sub3A_201 = arith.constant 8192 : i32
        %sub3A_202 = arith.subi %add3A_200, %sub3A_201 : i32
        %get3A_203 = arith.index_cast %add3A_198 : i32 to index
        %get3A_204 = tpu.vector_load %arg6[%get3A_203] {strides = array<i32>} : memref<16384xi32, #tpu.memory_space<vmem>>, vector<16xi32>,
        %gather3A_205 = tpu.vector_load_idx %arg5[%get3A_204] : memref<100000xf32, #tpu.memory_space<vmem>>[vector<16xi32>], vector<16xf32>,
        %swap3A_206 = arith.constant 0 : i32
        %swap3A_207 = arith.index_cast %swap3A_206 : i32 to index
        %swap3A_208 = arith.index_cast %sub3A_202 : i32 to index
        %swap3A_209 = tpu.vector_load %arg7[%swap3A_207, %swap3A_208] {strides = array<i32>} : memref<2x4096xf32, #tpu.memory_space<vmem>>, vector<16xf32>,
        tpu.vector_store %arg7[%swap3A_207, %swap3A_208], %gather3A_205 {strides = array<i32>} : memref<2x4096xf32, #tpu.memory_space<vmem>>, vector<16xf32>,
        %add3A_210 = arith.constant 48 : i32
        %add3A_211 = arith.addi %add3A_173, %add3A_210 : i32
        %add3A_212 = arith.constant 48 : i32
        %add3A_213 = arith.addi %add3A_173, %add3A_212 : i32
        %sub3A_214 = arith.constant 8192 : i32
        %sub3A_215 = arith.subi %add3A_213, %sub3A_214 : i32
        %get3A_216 = arith.index_cast %add3A_211 : i32 to index
        %get3A_217 = tpu.vector_load %arg6[%get3A_216] {strides = array<i32>} : memref<16384xi32, #tpu.memory_space<vmem>>, vector<16xi32>,
        %gather3A_218 = tpu.vector_load_idx %arg5[%get3A_217] : memref<100000xf32, #tpu.memory_space<vmem>>[vector<16xi32>], vector<16xf32>,
        %swap3A_219 = arith.constant 0 : i32
        %swap3A_220 = arith.index_cast %swap3A_219 : i32 to index
        %swap3A_221 = arith.index_cast %sub3A_215 : i32 to index
        %swap3A_222 = tpu.vector_load %arg7[%swap3A_220, %swap3A_221] {strides = array<i32>} : memref<2x4096xf32, #tpu.memory_space<vmem>>, vector<16xf32>,
        tpu.vector_store %arg7[%swap3A_220, %swap3A_221], %gather3A_218 {strides = array<i32>} : memref<2x4096xf32, #tpu.memory_space<vmem>>, vector<16xf32>,
        %add3A_223 = arith.constant 64 : i32
        %add3A_224 = arith.addi %add3A_173, %add3A_223 : i32
        %add3A_225 = arith.constant 64 : i32
        %add3A_226 = arith.addi %add3A_173, %add3A_225 : i32
        %sub3A_227 = arith.constant 8192 : i32
        %sub3A_228 = arith.subi %add3A_226, %sub3A_227 : i32
        %get3A_229 = arith.index_cast %add3A_224 : i32 to index
        %get3A_230 = tpu.vector_load %arg6[%get3A_229] {strides = array<i32>} : memref<16384xi32, #tpu.memory_space<vmem>>, vector<16xi32>,
        %gather3A_231 = tpu.vector_load_idx %arg5[%get3A_230] : memref<100000xf32, #tpu.memory_space<vmem>>[vector<16xi32>], vector<16xf32>,
        %swap3A_232 = arith.constant 0 : i32
        %swap3A_233 = arith.index_cast %swap3A_232 : i32 to index
        %swap3A_234 = arith.index_cast %sub3A_228 : i32 to index
        %swap3A_235 = tpu.vector_load %arg7[%swap3A_233, %swap3A_234] {strides = array<i32>} : memref<2x4096xf32, #tpu.memory_space<vmem>>, vector<16xf32>,
        tpu.vector_store %arg7[%swap3A_233, %swap3A_234], %gather3A_231 {strides = array<i32>} : memref<2x4096xf32, #tpu.memory_space<vmem>>, vector<16xf32>,
        %add3A_236 = arith.constant 80 : i32
        %add3A_237 = arith.addi %add3A_173, %add3A_236 : i32
        %add3A_238 = arith.constant 80 : i32
        %add3A_239 = arith.addi %add3A_173, %add3A_238 : i32
        %sub3A_240 = arith.constant 8192 : i32
        %sub3A_241 = arith.subi %add3A_239, %sub3A_240 : i32
        %get3A_242 = arith.index_cast %add3A_237 : i32 to index
        %get3A_243 = tpu.vector_load %arg6[%get3A_242] {strides = array<i32>} : memref<16384xi32, #tpu.memory_space<vmem>>, vector<16xi32>,
        %gather3A_244 = tpu.vector_load_idx %arg5[%get3A_243] : memref<100000xf32, #tpu.memory_space<vmem>>[vector<16xi32>], vector<16xf32>,
        %swap3A_245 = arith.constant 0 : i32
        %swap3A_246 = arith.index_cast %swap3A_245 : i32 to index
        %swap3A_247 = arith.index_cast %sub3A_241 : i32 to index
        %swap3A_248 = tpu.vector_load %arg7[%swap3A_246, %swap3A_247] {strides = array<i32>} : memref<2x4096xf32, #tpu.memory_space<vmem>>, vector<16xf32>,
        tpu.vector_store %arg7[%swap3A_246, %swap3A_247], %gather3A_244 {strides = array<i32>} : memref<2x4096xf32, #tpu.memory_space<vmem>>, vector<16xf32>,
        %add3A_249 = arith.constant 96 : i32
        %add3A_250 = arith.addi %add3A_173, %add3A_249 : i32
        %add3A_251 = arith.constant 96 : i32
        %add3A_252 = arith.addi %add3A_173, %add3A_251 : i32
        %sub3A_253 = arith.constant 8192 : i32
        %sub3A_254 = arith.subi %add3A_252, %sub3A_253 : i32
        %get3A_255 = arith.index_cast %add3A_250 : i32 to index
        %get3A_256 = tpu.vector_load %arg6[%get3A_255] {strides = array<i32>} : memref<16384xi32, #tpu.memory_space<vmem>>, vector<16xi32>,
        %gather3A_257 = tpu.vector_load_idx %arg5[%get3A_256] : memref<100000xf32, #tpu.memory_space<vmem>>[vector<16xi32>], vector<16xf32>,
        %swap3A_258 = arith.constant 0 : i32
        %swap3A_259 = arith.index_cast %swap3A_258 : i32 to index
        %swap3A_260 = arith.index_cast %sub3A_254 : i32 to index
        %swap3A_261 = tpu.vector_load %arg7[%swap3A_259, %swap3A_260] {strides = array<i32>} : memref<2x4096xf32, #tpu.memory_space<vmem>>, vector<16xf32>,
        tpu.vector_store %arg7[%swap3A_259, %swap3A_260], %gather3A_257 {strides = array<i32>} : memref<2x4096xf32, #tpu.memory_space<vmem>>, vector<16xf32>,
        %add3A_262 = arith.constant 112 : i32
        %add3A_263 = arith.addi %add3A_173, %add3A_262 : i32
        %add3A_264 = arith.constant 112 : i32
        %add3A_265 = arith.addi %add3A_173, %add3A_264 : i32
        %sub3A_266 = arith.constant 8192 : i32
        %sub3A_267 = arith.subi %add3A_265, %sub3A_266 : i32
        %get3A_268 = arith.index_cast %add3A_263 : i32 to index
        %get3A_269 = tpu.vector_load %arg6[%get3A_268] {strides = array<i32>} : memref<16384xi32, #tpu.memory_space<vmem>>, vector<16xi32>,
        %gather3A_270 = tpu.vector_load_idx %arg5[%get3A_269] : memref<100000xf32, #tpu.memory_space<vmem>>[vector<16xi32>], vector<16xf32>,
        %swap3A_271 = arith.constant 0 : i32
        %swap3A_272 = arith.index_cast %swap3A_271 : i32 to index
        %swap3A_273 = arith.index_cast %sub3A_267 : i32 to index
        %swap3A_274 = tpu.vector_load %arg7[%swap3A_272, %swap3A_273] {strides = array<i32>} : memref<2x4096xf32, #tpu.memory_space<vmem>>, vector<16xf32>,
        tpu.vector_store %arg7[%swap3A_272, %swap3A_273], %gather3A_270 {strides = array<i32>} : memref<2x4096xf32, #tpu.memory_space<vmem>>, vector<16xf32>,
        %add3A_275 = arith.constant 128 : i32
        %add3A_276 = arith.addi %add3A_173, %add3A_275 : i32
        %add3A_277 = arith.constant 128 : i32
        %add3A_278 = arith.addi %add3A_173, %add3A_277 : i32
        %sub3A_279 = arith.constant 8192 : i32
        %sub3A_280 = arith.subi %add3A_278, %sub3A_279 : i32
        %get3A_281 = arith.index_cast %add3A_276 : i32 to index
        %get3A_282 = tpu.vector_load %arg6[%get3A_281] {strides = array<i32>} : memref<16384xi32, #tpu.memory_space<vmem>>, vector<16xi32>,
        %gather3A_283 = tpu.vector_load_idx %arg5[%get3A_282] : memref<100000xf32, #tpu.memory_space<vmem>>[vector<16xi32>], vector<16xf32>,
        %swap3A_284 = arith.constant 0 : i32
        %swap3A_285 = arith.index_cast %swap3A_284 : i32 to index
        %swap3A_286 = arith.index_cast %sub3A_280 : i32 to index
        %swap3A_287 = tpu.vector_load %arg7[%swap3A_285, %swap3A_286] {strides = array<i32>} : memref<2x4096xf32, #tpu.memory_space<vmem>>, vector<16xf32>,
        tpu.vector_store %arg7[%swap3A_285, %swap3A_286], %gather3A_283 {strides = array<i32>} : memref<2x4096xf32, #tpu.memory_space<vmem>>, vector<16xf32>,
        %add3A_288 = arith.constant 144 : i32
        %add3A_289 = arith.addi %add3A_173, %add3A_288 : i32
        %add3A_290 = arith.constant 144 : i32
        %add3A_291 = arith.addi %add3A_173, %add3A_290 : i32
        %sub3A_292 = arith.constant 8192 : i32
        %sub3A_293 = arith.subi %add3A_291, %sub3A_292 : i32
        %get3A_294 = arith.index_cast %add3A_289 : i32 to index
        %get3A_295 = tpu.vector_load %arg6[%get3A_294] {strides = array<i32>} : memref<16384xi32, #tpu.memory_space<vmem>>, vector<16xi32>,
        %gather3A_296 = tpu.vector_load_idx %arg5[%get3A_295] : memref<100000xf32, #tpu.memory_space<vmem>>[vector<16xi32>], vector<16xf32>,
        %swap3A_297 = arith.constant 0 : i32
        %swap3A_298 = arith.index_cast %swap3A_297 : i32 to index
        %swap3A_299 = arith.index_cast %sub3A_293 : i32 to index
        %swap3A_300 = tpu.vector_load %arg7[%swap3A_298, %swap3A_299] {strides = array<i32>} : memref<2x4096xf32, #tpu.memory_space<vmem>>, vector<16xf32>,
        tpu.vector_store %arg7[%swap3A_298, %swap3A_299], %gather3A_296 {strides = array<i32>} : memref<2x4096xf32, #tpu.memory_space<vmem>>, vector<16xf32>,
        %add3A_301 = arith.constant 160 : i32
        %add3A_302 = arith.addi %add3A_173, %add3A_301 : i32
        %add3A_303 = arith.constant 160 : i32
        %add3A_304 = arith.addi %add3A_173, %add3A_303 : i32
        %sub3A_305 = arith.constant 8192 : i32
        %sub3A_306 = arith.subi %add3A_304, %sub3A_305 : i32
        %get3A_307 = arith.index_cast %add3A_302 : i32 to index
        %get3A_308 = tpu.vector_load %arg6[%get3A_307] {strides = array<i32>} : memref<16384xi32, #tpu.memory_space<vmem>>, vector<16xi32>,
        %gather3A_309 = tpu.vector_load_idx %arg5[%get3A_308] : memref<100000xf32, #tpu.memory_space<vmem>>[vector<16xi32>], vector<16xf32>,
        %swap3A_310 = arith.constant 0 : i32
        %swap3A_311 = arith.index_cast %swap3A_310 : i32 to index
        %swap3A_312 = arith.index_cast %sub3A_306 : i32 to index
        %swap3A_313 = tpu.vector_load %arg7[%swap3A_311, %swap3A_312] {strides = array<i32>} : memref<2x4096xf32, #tpu.memory_space<vmem>>, vector<16xf32>,
        tpu.vector_store %arg7[%swap3A_311, %swap3A_312], %gather3A_309 {strides = array<i32>} : memref<2x4096xf32, #tpu.memory_space<vmem>>, vector<16xf32>,
        %add3A_314 = arith.constant 176 : i32
        %add3A_315 = arith.addi %add3A_173, %add3A_314 : i32
        %add3A_316 = arith.constant 176 : i32
        %add3A_317 = arith.addi %add3A_173, %add3A_316 : i32
        %sub3A_318 = arith.constant 8192 : i32
        %sub3A_319 = arith.subi %add3A_317, %sub3A_318 : i32
        %get3A_320 = arith.index_cast %add3A_315 : i32 to index
        %get3A_321 = tpu.vector_load %arg6[%get3A_320] {strides = array<i32>} : memref<16384xi32, #tpu.memory_space<vmem>>, vector<16xi32>,
        %gather3A_322 = tpu.vector_load_idx %arg5[%get3A_321] : memref<100000xf32, #tpu.memory_space<vmem>>[vector<16xi32>], vector<16xf32>,
        %swap3A_323 = arith.constant 0 : i32
        %swap3A_324 = arith.index_cast %swap3A_323 : i32 to index
        %swap3A_325 = arith.index_cast %sub3A_319 : i32 to index
        %swap3A_326 = tpu.vector_load %arg7[%swap3A_324, %swap3A_325] {strides = array<i32>} : memref<2x4096xf32, #tpu.memory_space<vmem>>, vector<16xf32>,
        tpu.vector_store %arg7[%swap3A_324, %swap3A_325], %gather3A_322 {strides = array<i32>} : memref<2x4096xf32, #tpu.memory_space<vmem>>, vector<16xf32>,
        %add3A_327 = arith.constant 192 : i32
        %add3A_328 = arith.addi %add3A_173, %add3A_327 : i32
        %add3A_329 = arith.constant 192 : i32
        %add3A_330 = arith.addi %add3A_173, %add3A_329 : i32
        %sub3A_331 = arith.constant 8192 : i32
        %sub3A_332 = arith.subi %add3A_330, %sub3A_331 : i32
        %get3A_333 = arith.index_cast %add3A_328 : i32 to index
        %get3A_334 = tpu.vector_load %arg6[%get3A_333] {strides = array<i32>} : memref<16384xi32, #tpu.memory_space<vmem>>, vector<16xi32>,
        %gather3A_335 = tpu.vector_load_idx %arg5[%get3A_334] : memref<100000xf32, #tpu.memory_space<vmem>>[vector<16xi32>], vector<16xf32>,
        %swap3A_336 = arith.constant 0 : i32
        %swap3A_337 = arith.index_cast %swap3A_336 : i32 to index
        %swap3A_338 = arith.index_cast %sub3A_332 : i32 to index
        %swap3A_339 = tpu.vector_load %arg7[%swap3A_337, %swap3A_338] {strides = array<i32>} : memref<2x4096xf32, #tpu.memory_space<vmem>>, vector<16xf32>,
        tpu.vector_store %arg7[%swap3A_337, %swap3A_338], %gather3A_335 {strides = array<i32>} : memref<2x4096xf32, #tpu.memory_space<vmem>>, vector<16xf32>,
        %add3A_340 = arith.constant 208 : i32
        %add3A_341 = arith.addi %add3A_173, %add3A_340 : i32
        %add3A_342 = arith.constant 208 : i32
        %add3A_343 = arith.addi %add3A_173, %add3A_342 : i32
        %sub3A_344 = arith.constant 8192 : i32
        %sub3A_345 = arith.subi %add3A_343, %sub3A_344 : i32
        %get3A_346 = arith.index_cast %add3A_341 : i32 to index
        %get3A_347 = tpu.vector_load %arg6[%get3A_346] {strides = array<i32>} : memref<16384xi32, #tpu.memory_space<vmem>>, vector<16xi32>,
        %gather3A_348 = tpu.vector_load_idx %arg5[%get3A_347] : memref<100000xf32, #tpu.memory_space<vmem>>[vector<16xi32>], vector<16xf32>,
        %swap3A_349 = arith.constant 0 : i32
        %swap3A_350 = arith.index_cast %swap3A_349 : i32 to index
        %swap3A_351 = arith.index_cast %sub3A_345 : i32 to index
        %swap3A_352 = tpu.vector_load %arg7[%swap3A_350, %swap3A_351] {strides = array<i32>} : memref<2x4096xf32, #tpu.memory_space<vmem>>, vector<16xf32>,
        tpu.vector_store %arg7[%swap3A_350, %swap3A_351], %gather3A_348 {strides = array<i32>} : memref<2x4096xf32, #tpu.memory_space<vmem>>, vector<16xf32>,
        %add3A_353 = arith.constant 224 : i32
        %add3A_354 = arith.addi %add3A_173, %add3A_353 : i32
        %add3A_355 = arith.constant 224 : i32
        %add3A_356 = arith.addi %add3A_173, %add3A_355 : i32
        %sub3A_357 = arith.constant 8192 : i32
        %sub3A_358 = arith.subi %add3A_356, %sub3A_357 : i32
        %get3A_359 = arith.index_cast %add3A_354 : i32 to index
        %get3A_360 = tpu.vector_load %arg6[%get3A_359] {strides = array<i32>} : memref<16384xi32, #tpu.memory_space<vmem>>, vector<16xi32>,
        %gather3A_361 = tpu.vector_load_idx %arg5[%get3A_360] : memref<100000xf32, #tpu.memory_space<vmem>>[vector<16xi32>], vector<16xf32>,
        %swap3A_362 = arith.constant 0 : i32
        %swap3A_363 = arith.index_cast %swap3A_362 : i32 to index
        %swap3A_364 = arith.index_cast %sub3A_358 : i32 to index
        %swap3A_365 = tpu.vector_load %arg7[%swap3A_363, %swap3A_364] {strides = array<i32>} : memref<2x4096xf32, #tpu.memory_space<vmem>>, vector<16xf32>,
        tpu.vector_store %arg7[%swap3A_363, %swap3A_364], %gather3A_361 {strides = array<i32>} : memref<2x4096xf32, #tpu.memory_space<vmem>>, vector<16xf32>,
        %add3A_366 = arith.constant 240 : i32
        %add3A_367 = arith.addi %add3A_173, %add3A_366 : i32
        %add3A_368 = arith.constant 240 : i32
        %add3A_369 = arith.addi %add3A_173, %add3A_368 : i32
        %sub3A_370 = arith.constant 8192 : i32
        %sub3A_371 = arith.subi %add3A_369, %sub3A_370 : i32
        %get3A_372 = arith.index_cast %add3A_367 : i32 to index
        %get3A_373 = tpu.vector_load %arg6[%get3A_372] {strides = array<i32>} : memref<16384xi32, #tpu.memory_space<vmem>>, vector<16xi32>,
        %gather3A_374 = tpu.vector_load_idx %arg5[%get3A_373] : memref<100000xf32, #tpu.memory_space<vmem>>[vector<16xi32>], vector<16xf32>,
        %swap3A_375 = arith.constant 0 : i32
        %swap3A_376 = arith.index_cast %swap3A_375 : i32 to index
        %swap3A_377 = arith.index_cast %sub3A_371 : i32 to index
        %swap3A_378 = tpu.vector_load %arg7[%swap3A_376, %swap3A_377] {strides = array<i32>} : memref<2x4096xf32, #tpu.memory_space<vmem>>, vector<16xf32>,
        tpu.vector_store %arg7[%swap3A_376, %swap3A_377], %gather3A_374 {strides = array<i32>} : memref<2x4096xf32, #tpu.memory_space<vmem>>, vector<16xf32>,
        %add3A_379 = arith.constant 256 : i32
        %add3A_380 = arith.addi %add3A_173, %add3A_379 : i32
        %add3A_381 = arith.constant 256 : i32
        %add3A_382 = arith.addi %add3A_173, %add3A_381 : i32
        %sub3A_383 = arith.constant 8192 : i32
        %sub3A_384 = arith.subi %add3A_382, %sub3A_383 : i32
        %get3A_385 = arith.index_cast %add3A_380 : i32 to index
        %get3A_386 = tpu.vector_load %arg6[%get3A_385] {strides = array<i32>} : memref<16384xi32, #tpu.memory_space<vmem>>, vector<16xi32>,
        %gather3A_387 = tpu.vector_load_idx %arg5[%get3A_386] : memref<100000xf32, #tpu.memory_space<vmem>>[vector<16xi32>], vector<16xf32>,
        %swap3A_388 = arith.constant 0 : i32
        %swap3A_389 = arith.index_cast %swap3A_388 : i32 to index
        %swap3A_390 = arith.index_cast %sub3A_384 : i32 to index
        %swap3A_391 = tpu.vector_load %arg7[%swap3A_389, %swap3A_390] {strides = array<i32>} : memref<2x4096xf32, #tpu.memory_space<vmem>>, vector<16xf32>,
        tpu.vector_store %arg7[%swap3A_389, %swap3A_390], %gather3A_387 {strides = array<i32>} : memref<2x4096xf32, #tpu.memory_space<vmem>>, vector<16xf32>,
        %add3A_392 = arith.constant 272 : i32
        %add3A_393 = arith.addi %add3A_173, %add3A_392 : i32
        %add3A_394 = arith.constant 272 : i32
        %add3A_395 = arith.addi %add3A_173, %add3A_394 : i32
        %sub3A_396 = arith.constant 8192 : i32
        %sub3A_397 = arith.subi %add3A_395, %sub3A_396 : i32
        %get3A_398 = arith.index_cast %add3A_393 : i32 to index
        %get3A_399 = tpu.vector_load %arg6[%get3A_398] {strides = array<i32>} : memref<16384xi32, #tpu.memory_space<vmem>>, vector<16xi32>,
        %gather3A_400 = tpu.vector_load_idx %arg5[%get3A_399] : memref<100000xf32, #tpu.memory_space<vmem>>[vector<16xi32>], vector<16xf32>,
        %swap3A_401 = arith.constant 0 : i32
        %swap3A_402 = arith.index_cast %swap3A_401 : i32 to index
        %swap3A_403 = arith.index_cast %sub3A_397 : i32 to index
        %swap3A_404 = tpu.vector_load %arg7[%swap3A_402, %swap3A_403] {strides = array<i32>} : memref<2x4096xf32, #tpu.memory_space<vmem>>, vector<16xf32>,
        tpu.vector_store %arg7[%swap3A_402, %swap3A_403], %gather3A_400 {strides = array<i32>} : memref<2x4096xf32, #tpu.memory_space<vmem>>, vector<16xf32>,
        %add3A_405 = arith.constant 288 : i32
        %add3A_406 = arith.addi %add3A_173, %add3A_405 : i32
        %add3A_407 = arith.constant 288 : i32
        %add3A_408 = arith.addi %add3A_173, %add3A_407 : i32
        %sub3A_409 = arith.constant 8192 : i32
        %sub3A_410 = arith.subi %add3A_408, %sub3A_409 : i32
        %get3A_411 = arith.index_cast %add3A_406 : i32 to index
        %get3A_412 = tpu.vector_load %arg6[%get3A_411] {strides = array<i32>} : memref<16384xi32, #tpu.memory_space<vmem>>, vector<16xi32>,
        %gather3A_413 = tpu.vector_load_idx %arg5[%get3A_412] : memref<100000xf32, #tpu.memory_space<vmem>>[vector<16xi32>], vector<16xf32>,
        %swap3A_414 = arith.constant 0 : i32
        %swap3A_415 = arith.index_cast %swap3A_414 : i32 to index
        %swap3A_416 = arith.index_cast %sub3A_410 : i32 to index
        %swap3A_417 = tpu.vector_load %arg7[%swap3A_415, %swap3A_416] {strides = array<i32>} : memref<2x4096xf32, #tpu.memory_space<vmem>>, vector<16xf32>,
        tpu.vector_store %arg7[%swap3A_415, %swap3A_416], %gather3A_413 {strides = array<i32>} : memref<2x4096xf32, #tpu.memory_space<vmem>>, vector<16xf32>,
        %add3A_418 = arith.constant 304 : i32
        %add3A_419 = arith.addi %add3A_173, %add3A_418 : i32
        %add3A_420 = arith.constant 304 : i32
        %add3A_421 = arith.addi %add3A_173, %add3A_420 : i32
        %sub3A_422 = arith.constant 8192 : i32
        %sub3A_423 = arith.subi %add3A_421, %sub3A_422 : i32
        %get3A_424 = arith.index_cast %add3A_419 : i32 to index
        %get3A_425 = tpu.vector_load %arg6[%get3A_424] {strides = array<i32>} : memref<16384xi32, #tpu.memory_space<vmem>>, vector<16xi32>,
        %gather3A_426 = tpu.vector_load_idx %arg5[%get3A_425] : memref<100000xf32, #tpu.memory_space<vmem>>[vector<16xi32>], vector<16xf32>,
        %swap3A_427 = arith.constant 0 : i32
        %swap3A_428 = arith.index_cast %swap3A_427 : i32 to index
        %swap3A_429 = arith.index_cast %sub3A_423 : i32 to index
        %swap3A_430 = tpu.vector_load %arg7[%swap3A_428, %swap3A_429] {strides = array<i32>} : memref<2x4096xf32, #tpu.memory_space<vmem>>, vector<16xf32>,
        tpu.vector_store %arg7[%swap3A_428, %swap3A_429], %gather3A_426 {strides = array<i32>} : memref<2x4096xf32, #tpu.memory_space<vmem>>, vector<16xf32>,
        %add3A_431 = arith.constant 320 : i32
        %add3A_432 = arith.addi %add3A_173, %add3A_431 : i32
        %add3A_433 = arith.constant 320 : i32
        %add3A_434 = arith.addi %add3A_173, %add3A_433 : i32
        %sub3A_435 = arith.constant 8192 : i32
        %sub3A_436 = arith.subi %add3A_434, %sub3A_435 : i32
        %get3A_437 = arith.index_cast %add3A_432 : i32 to index
        %get3A_438 = tpu.vector_load %arg6[%get3A_437] {strides = array<i32>} : memref<16384xi32, #tpu.memory_space<vmem>>, vector<16xi32>,
        %gather3A_439 = tpu.vector_load_idx %arg5[%get3A_438] : memref<100000xf32, #tpu.memory_space<vmem>>[vector<16xi32>], vector<16xf32>,
        %swap3A_440 = arith.constant 0 : i32
        %swap3A_441 = arith.index_cast %swap3A_440 : i32 to index
        %swap3A_442 = arith.index_cast %sub3A_436 : i32 to index
        %swap3A_443 = tpu.vector_load %arg7[%swap3A_441, %swap3A_442] {strides = array<i32>} : memref<2x4096xf32, #tpu.memory_space<vmem>>, vector<16xf32>,
        tpu.vector_store %arg7[%swap3A_441, %swap3A_442], %gather3A_439 {strides = array<i32>} : memref<2x4096xf32, #tpu.memory_space<vmem>>, vector<16xf32>,
        %add3A_444 = arith.constant 336 : i32
        %add3A_445 = arith.addi %add3A_173, %add3A_444 : i32
        %add3A_446 = arith.constant 336 : i32
        %add3A_447 = arith.addi %add3A_173, %add3A_446 : i32
        %sub3A_448 = arith.constant 8192 : i32
        %sub3A_449 = arith.subi %add3A_447, %sub3A_448 : i32
        %get3A_450 = arith.index_cast %add3A_445 : i32 to index
        %get3A_451 = tpu.vector_load %arg6[%get3A_450] {strides = array<i32>} : memref<16384xi32, #tpu.memory_space<vmem>>, vector<16xi32>,
        %gather3A_452 = tpu.vector_load_idx %arg5[%get3A_451] : memref<100000xf32, #tpu.memory_space<vmem>>[vector<16xi32>], vector<16xf32>,
        %swap3A_453 = arith.constant 0 : i32
        %swap3A_454 = arith.index_cast %swap3A_453 : i32 to index
        %swap3A_455 = arith.index_cast %sub3A_449 : i32 to index
        %swap3A_456 = tpu.vector_load %arg7[%swap3A_454, %swap3A_455] {strides = array<i32>} : memref<2x4096xf32, #tpu.memory_space<vmem>>, vector<16xf32>,
        tpu.vector_store %arg7[%swap3A_454, %swap3A_455], %gather3A_452 {strides = array<i32>} : memref<2x4096xf32, #tpu.memory_space<vmem>>, vector<16xf32>,
        %add3A_457 = arith.constant 352 : i32
        %add3A_458 = arith.addi %add3A_173, %add3A_457 : i32
        %add3A_459 = arith.constant 352 : i32
        %add3A_460 = arith.addi %add3A_173, %add3A_459 : i32
        %sub3A_461 = arith.constant 8192 : i32
        %sub3A_462 = arith.subi %add3A_460, %sub3A_461 : i32
        %get3A_463 = arith.index_cast %add3A_458 : i32 to index
        %get3A_464 = tpu.vector_load %arg6[%get3A_463] {strides = array<i32>} : memref<16384xi32, #tpu.memory_space<vmem>>, vector<16xi32>,
        %gather3A_465 = tpu.vector_load_idx %arg5[%get3A_464] : memref<100000xf32, #tpu.memory_space<vmem>>[vector<16xi32>], vector<16xf32>,
        %swap3A_466 = arith.constant 0 : i32
        %swap3A_467 = arith.index_cast %swap3A_466 : i32 to index
        %swap3A_468 = arith.index_cast %sub3A_462 : i32 to index
        %swap3A_469 = tpu.vector_load %arg7[%swap3A_467, %swap3A_468] {strides = array<i32>} : memref<2x4096xf32, #tpu.memory_space<vmem>>, vector<16xf32>,
        tpu.vector_store %arg7[%swap3A_467, %swap3A_468], %gather3A_465 {strides = array<i32>} : memref<2x4096xf32, #tpu.memory_space<vmem>>, vector<16xf32>,
        %add3A_470 = arith.constant 368 : i32
        %add3A_471 = arith.addi %add3A_173, %add3A_470 : i32
        %add3A_472 = arith.constant 368 : i32
        %add3A_473 = arith.addi %add3A_173, %add3A_472 : i32
        %sub3A_474 = arith.constant 8192 : i32
        %sub3A_475 = arith.subi %add3A_473, %sub3A_474 : i32
        %get3A_476 = arith.index_cast %add3A_471 : i32 to index
        %get3A_477 = tpu.vector_load %arg6[%get3A_476] {strides = array<i32>} : memref<16384xi32, #tpu.memory_space<vmem>>, vector<16xi32>,
        %gather3A_478 = tpu.vector_load_idx %arg5[%get3A_477] : memref<100000xf32, #tpu.memory_space<vmem>>[vector<16xi32>], vector<16xf32>,
        %swap3A_479 = arith.constant 0 : i32
        %swap3A_480 = arith.index_cast %swap3A_479 : i32 to index
        %swap3A_481 = arith.index_cast %sub3A_475 : i32 to index
        %swap3A_482 = tpu.vector_load %arg7[%swap3A_480, %swap3A_481] {strides = array<i32>} : memref<2x4096xf32, #tpu.memory_space<vmem>>, vector<16xf32>,
        tpu.vector_store %arg7[%swap3A_480, %swap3A_481], %gather3A_478 {strides = array<i32>} : memref<2x4096xf32, #tpu.memory_space<vmem>>, vector<16xf32>,
        %add3A_483 = arith.constant 384 : i32
        %add3A_484 = arith.addi %add3A_173, %add3A_483 : i32
        %add3A_485 = arith.constant 384 : i32
        %add3A_486 = arith.addi %add3A_173, %add3A_485 : i32
        %sub3A_487 = arith.constant 8192 : i32
        %sub3A_488 = arith.subi %add3A_486, %sub3A_487 : i32
        %get3A_489 = arith.index_cast %add3A_484 : i32 to index
        %get3A_490 = tpu.vector_load %arg6[%get3A_489] {strides = array<i32>} : memref<16384xi32, #tpu.memory_space<vmem>>, vector<16xi32>,
        %gather3A_491 = tpu.vector_load_idx %arg5[%get3A_490] : memref<100000xf32, #tpu.memory_space<vmem>>[vector<16xi32>], vector<16xf32>,
        %swap3A_492 = arith.constant 0 : i32
        %swap3A_493 = arith.index_cast %swap3A_492 : i32 to index
        %swap3A_494 = arith.index_cast %sub3A_488 : i32 to index
        %swap3A_495 = tpu.vector_load %arg7[%swap3A_493, %swap3A_494] {strides = array<i32>} : memref<2x4096xf32, #tpu.memory_space<vmem>>, vector<16xf32>,
        tpu.vector_store %arg7[%swap3A_493, %swap3A_494], %gather3A_491 {strides = array<i32>} : memref<2x4096xf32, #tpu.memory_space<vmem>>, vector<16xf32>,
        %add3A_496 = arith.constant 400 : i32
        %add3A_497 = arith.addi %add3A_173, %add3A_496 : i32
        %add3A_498 = arith.constant 400 : i32
        %add3A_499 = arith.addi %add3A_173, %add3A_498 : i32
        %sub3A_500 = arith.constant 8192 : i32
        %sub3A_501 = arith.subi %add3A_499, %sub3A_500 : i32
        %get3A_502 = arith.index_cast %add3A_497 : i32 to index
        %get3A_503 = tpu.vector_load %arg6[%get3A_502] {strides = array<i32>} : memref<16384xi32, #tpu.memory_space<vmem>>, vector<16xi32>,
        %gather3A_504 = tpu.vector_load_idx %arg5[%get3A_503] : memref<100000xf32, #tpu.memory_space<vmem>>[vector<16xi32>], vector<16xf32>,
        %swap3A_505 = arith.constant 0 : i32
        %swap3A_506 = arith.index_cast %swap3A_505 : i32 to index
        %swap3A_507 = arith.index_cast %sub3A_501 : i32 to index
        %swap3A_508 = tpu.vector_load %arg7[%swap3A_506, %swap3A_507] {strides = array<i32>} : memref<2x4096xf32, #tpu.memory_space<vmem>>, vector<16xf32>,
        tpu.vector_store %arg7[%swap3A_506, %swap3A_507], %gather3A_504 {strides = array<i32>} : memref<2x4096xf32, #tpu.memory_space<vmem>>, vector<16xf32>,
        %add3A_509 = arith.constant 416 : i32
        %add3A_510 = arith.addi %add3A_173, %add3A_509 : i32
        %add3A_511 = arith.constant 416 : i32
        %add3A_512 = arith.addi %add3A_173, %add3A_511 : i32
        %sub3A_513 = arith.constant 8192 : i32
        %sub3A_514 = arith.subi %add3A_512, %sub3A_513 : i32
        %get3A_515 = arith.index_cast %add3A_510 : i32 to index
        %get3A_516 = tpu.vector_load %arg6[%get3A_515] {strides = array<i32>} : memref<16384xi32, #tpu.memory_space<vmem>>, vector<16xi32>,
        %gather3A_517 = tpu.vector_load_idx %arg5[%get3A_516] : memref<100000xf32, #tpu.memory_space<vmem>>[vector<16xi32>], vector<16xf32>,
        %swap3A_518 = arith.constant 0 : i32
        %swap3A_519 = arith.index_cast %swap3A_518 : i32 to index
        %swap3A_520 = arith.index_cast %sub3A_514 : i32 to index
        %swap3A_521 = tpu.vector_load %arg7[%swap3A_519, %swap3A_520] {strides = array<i32>} : memref<2x4096xf32, #tpu.memory_space<vmem>>, vector<16xf32>,
        tpu.vector_store %arg7[%swap3A_519, %swap3A_520], %gather3A_517 {strides = array<i32>} : memref<2x4096xf32, #tpu.memory_space<vmem>>, vector<16xf32>,
        %add3A_522 = arith.constant 432 : i32
        %add3A_523 = arith.addi %add3A_173, %add3A_522 : i32
        %add3A_524 = arith.constant 432 : i32
        %add3A_525 = arith.addi %add3A_173, %add3A_524 : i32
        %sub3A_526 = arith.constant 8192 : i32
        %sub3A_527 = arith.subi %add3A_525, %sub3A_526 : i32
        %get3A_528 = arith.index_cast %add3A_523 : i32 to index
        %get3A_529 = tpu.vector_load %arg6[%get3A_528] {strides = array<i32>} : memref<16384xi32, #tpu.memory_space<vmem>>, vector<16xi32>,
        %gather3A_530 = tpu.vector_load_idx %arg5[%get3A_529] : memref<100000xf32, #tpu.memory_space<vmem>>[vector<16xi32>], vector<16xf32>,
        %swap3A_531 = arith.constant 0 : i32
        %swap3A_532 = arith.index_cast %swap3A_531 : i32 to index
        %swap3A_533 = arith.index_cast %sub3A_527 : i32 to index
        %swap3A_534 = tpu.vector_load %arg7[%swap3A_532, %swap3A_533] {strides = array<i32>} : memref<2x4096xf32, #tpu.memory_space<vmem>>, vector<16xf32>,
        tpu.vector_store %arg7[%swap3A_532, %swap3A_533], %gather3A_530 {strides = array<i32>} : memref<2x4096xf32, #tpu.memory_space<vmem>>, vector<16xf32>,
        %add3A_535 = arith.constant 448 : i32
        %add3A_536 = arith.addi %add3A_173, %add3A_535 : i32
        %add3A_537 = arith.constant 448 : i32
        %add3A_538 = arith.addi %add3A_173, %add3A_537 : i32
        %sub3A_539 = arith.constant 8192 : i32
        %sub3A_540 = arith.subi %add3A_538, %sub3A_539 : i32
        %get3A_541 = arith.index_cast %add3A_536 : i32 to index
        %get3A_542 = tpu.vector_load %arg6[%get3A_541] {strides = array<i32>} : memref<16384xi32, #tpu.memory_space<vmem>>, vector<16xi32>,
        %gather3A_543 = tpu.vector_load_idx %arg5[%get3A_542] : memref<100000xf32, #tpu.memory_space<vmem>>[vector<16xi32>], vector<16xf32>,
        %swap3A_544 = arith.constant 0 : i32
        %swap3A_545 = arith.index_cast %swap3A_544 : i32 to index
        %swap3A_546 = arith.index_cast %sub3A_540 : i32 to index
        %swap3A_547 = tpu.vector_load %arg7[%swap3A_545, %swap3A_546] {strides = array<i32>} : memref<2x4096xf32, #tpu.memory_space<vmem>>, vector<16xf32>,
        tpu.vector_store %arg7[%swap3A_545, %swap3A_546], %gather3A_543 {strides = array<i32>} : memref<2x4096xf32, #tpu.memory_space<vmem>>, vector<16xf32>,
        %add3A_548 = arith.constant 464 : i32
        %add3A_549 = arith.addi %add3A_173, %add3A_548 : i32
        %add3A_550 = arith.constant 464 : i32
        %add3A_551 = arith.addi %add3A_173, %add3A_550 : i32
        %sub3A_552 = arith.constant 8192 : i32
        %sub3A_553 = arith.subi %add3A_551, %sub3A_552 : i32
        %get3A_554 = arith.index_cast %add3A_549 : i32 to index
        %get3A_555 = tpu.vector_load %arg6[%get3A_554] {strides = array<i32>} : memref<16384xi32, #tpu.memory_space<vmem>>, vector<16xi32>,
        %gather3A_556 = tpu.vector_load_idx %arg5[%get3A_555] : memref<100000xf32, #tpu.memory_space<vmem>>[vector<16xi32>], vector<16xf32>,
        %swap3A_557 = arith.constant 0 : i32
        %swap3A_558 = arith.index_cast %swap3A_557 : i32 to index
        %swap3A_559 = arith.index_cast %sub3A_553 : i32 to index
        %swap3A_560 = tpu.vector_load %arg7[%swap3A_558, %swap3A_559] {strides = array<i32>} : memref<2x4096xf32, #tpu.memory_space<vmem>>, vector<16xf32>,
        tpu.vector_store %arg7[%swap3A_558, %swap3A_559], %gather3A_556 {strides = array<i32>} : memref<2x4096xf32, #tpu.memory_space<vmem>>, vector<16xf32>,
        %add3A_561 = arith.constant 480 : i32
        %add3A_562 = arith.addi %add3A_173, %add3A_561 : i32
        %add3A_563 = arith.constant 480 : i32
        %add3A_564 = arith.addi %add3A_173, %add3A_563 : i32
        %sub3A_565 = arith.constant 8192 : i32
        %sub3A_566 = arith.subi %add3A_564, %sub3A_565 : i32
        %get3A_567 = arith.index_cast %add3A_562 : i32 to index
        %get3A_568 = tpu.vector_load %arg6[%get3A_567] {strides = array<i32>} : memref<16384xi32, #tpu.memory_space<vmem>>, vector<16xi32>,
        %gather3A_569 = tpu.vector_load_idx %arg5[%get3A_568] : memref<100000xf32, #tpu.memory_space<vmem>>[vector<16xi32>], vector<16xf32>,
        %swap3A_570 = arith.constant 0 : i32
        %swap3A_571 = arith.index_cast %swap3A_570 : i32 to index
        %swap3A_572 = arith.index_cast %sub3A_566 : i32 to index
        %swap3A_573 = tpu.vector_load %arg7[%swap3A_571, %swap3A_572] {strides = array<i32>} : memref<2x4096xf32, #tpu.memory_space<vmem>>, vector<16xf32>,
        tpu.vector_store %arg7[%swap3A_571, %swap3A_572], %gather3A_569 {strides = array<i32>} : memref<2x4096xf32, #tpu.memory_space<vmem>>, vector<16xf32>,
        %add3A_574 = arith.constant 496 : i32
        %add3A_575 = arith.addi %add3A_173, %add3A_574 : i32
        %add3A_576 = arith.constant 496 : i32
        %add3A_577 = arith.addi %add3A_173, %add3A_576 : i32
        %sub3A_578 = arith.constant 8192 : i32
        %sub3A_579 = arith.subi %add3A_577, %sub3A_578 : i32
        %get3A_580 = arith.index_cast %add3A_575 : i32 to index
        %get3A_581 = tpu.vector_load %arg6[%get3A_580] {strides = array<i32>} : memref<16384xi32, #tpu.memory_space<vmem>>, vector<16xi32>,
        %gather3A_582 = tpu.vector_load_idx %arg5[%get3A_581] : memref<100000xf32, #tpu.memory_space<vmem>>[vector<16xi32>], vector<16xf32>,
        %swap3A_583 = arith.constant 0 : i32
        %swap3A_584 = arith.index_cast %swap3A_583 : i32 to index
        %swap3A_585 = arith.index_cast %sub3A_579 : i32 to index
        %swap3A_586 = tpu.vector_load %arg7[%swap3A_584, %swap3A_585] {strides = array<i32>} : memref<2x4096xf32, #tpu.memory_space<vmem>>, vector<16xf32>,
        tpu.vector_store %arg7[%swap3A_584, %swap3A_585], %gather3A_582 {strides = array<i32>} : memref<2x4096xf32, #tpu.memory_space<vmem>>, vector<16xf32>,
      }
      %scan3A_123 = arith.constant 8 : i32
      %dma_start3A_124 = arith.constant 0 : i32
      %dma_start3A_125 = arith.constant 0 : i32
      %dma_start3A_126 = tpu.memref_slice %arg7[%dma_start3A_124, %dma_start3A_125] : memref<2x4096xf32, #tpu.memory_space<vmem>> -> memref<1x4096xf32, #tpu.memory_space<vmem>>
      %dma_start3A_127 = tpu.memref_squeeze %dma_start3A_126 : memref<1x4096xf32, #tpu.memory_space<vmem>> -> memref<4096xf32, #tpu.memory_space<vmem>>
      %dma_start3A_128 = arith.constant 8192 : i32
      %dma_start3A_129 = tpu.memref_slice %arg4[%add3A_34, %dma_start3A_128] : memref<416x16384xf32, #tpu.memory_space<hbm>> -> memref<1x4096xf32, #tpu.memory_space<hbm>>
      %dma_start3A_130 = tpu.memref_squeeze %dma_start3A_129 : memref<1x4096xf32, #tpu.memory_space<hbm>> -> memref<4096xf32, #tpu.memory_space<hbm>>
      %dma_start3A_131 = arith.constant 8192 : i32
      %dma_start3A_132 = tpu.memref_slice %arg4[%add3A_34, %dma_start3A_131] : memref<416x16384xf32, #tpu.memory_space<hbm>> -> memref<1x4096xf32, #tpu.memory_space<hbm>>
      %dma_start3A_133 = tpu.memref_squeeze %dma_start3A_132 : memref<1x4096xf32, #tpu.memory_space<hbm>> -> memref<4096xf32, #tpu.memory_space<hbm>>
      %dma_start3A_134 = arith.constant 0 : i32
      %dma_start3A_135 = tpu.memref_slice %arg7[%dma_start3A_124, %dma_start3A_134] : memref<2x4096xf32, #tpu.memory_space<vmem>> -> memref<1x4096xf32, #tpu.memory_space<vmem>>
      %dma_start3A_136 = tpu.memref_squeeze %dma_start3A_135 : memref<1x4096xf32, #tpu.memory_space<vmem>> -> memref<4096xf32, #tpu.memory_space<vmem>>
      tpu.enqueue_dma source(%dma_start3A_136 : memref<4096xf32, #tpu.memory_space<vmem>>) target(%dma_start3A_133 : memref<4096xf32, #tpu.memory_space<hbm>>) target_semaphore(%arg8 : memref<!tpu.dma_semaphore, #tpu.memory_space<semaphore_mem>>)
      %dma_wait3A_137 = arith.constant 1 : i32
      %dma_wait3A_138 = arith.constant 0 : i32
      %dma_wait3A_139 = tpu.memref_slice %arg7[%dma_wait3A_137, %dma_wait3A_138] : memref<2x4096xf32, #tpu.memory_space<vmem>> -> memref<1x4096xf32, #tpu.memory_space<vmem>>
      %dma_wait3A_140 = tpu.memref_squeeze %dma_wait3A_139 : memref<1x4096xf32, #tpu.memory_space<vmem>> -> memref<4096xf32, #tpu.memory_space<vmem>>
      %dma_wait3A_141 = arith.constant 0 : i32
      %dma_wait3A_142 = tpu.memref_slice %arg4[%mul3A_2, %dma_wait3A_141] : memref<416x16384xf32, #tpu.memory_space<hbm>> -> memref<1x4096xf32, #tpu.memory_space<hbm>>
      %dma_wait3A_143 = tpu.memref_squeeze %dma_wait3A_142 : memref<1x4096xf32, #tpu.memory_space<hbm>> -> memref<4096xf32, #tpu.memory_space<hbm>>
      %dma_wait3A_144 = arith.constant 0 : i32
      %dma_wait3A_145 = tpu.memref_slice %arg4[%mul3A_2, %dma_wait3A_144] : memref<416x16384xf32, #tpu.memory_space<hbm>> -> memref<1x4096xf32, #tpu.memory_space<hbm>>
      %dma_wait3A_146 = tpu.memref_squeeze %dma_wait3A_145 : memref<1x4096xf32, #tpu.memory_space<hbm>> -> memref<4096xf32, #tpu.memory_space<hbm>>
      %dma_wait3A_147 = arith.constant 0 : i32
      %dma_wait3A_148 = tpu.memref_slice %arg7[%dma_wait3A_137, %dma_wait3A_147] : memref<2x4096xf32, #tpu.memory_space<vmem>> -> memref<1x4096xf32, #tpu.memory_space<vmem>>
      %dma_wait3A_149 = tpu.memref_squeeze %dma_wait3A_148 : memref<1x4096xf32, #tpu.memory_space<vmem>> -> memref<4096xf32, #tpu.memory_space<vmem>>
      tpu.wait_dma2 semaphore(%arg8 : memref<!tpu.dma_semaphore, #tpu.memory_space<semaphore_mem>>) src(%dma_wait3A_149 : memref<4096xf32, #tpu.memory_space<vmem>>) dst(%dma_wait3A_146 : memref<4096xf32, #tpu.memory_space<hbm>>)
      %scan3A_150 = arith.constant 0 : i32
      %scan3A_151 = arith.constant 0 : i32
      %scan3A_152 = arith.constant 8 : i32
      %scan3A_153 = arith.addi %scan3A_151, %scan3A_152 : i32
      %scan3A_154 = arith.constant 1 : i32
      scf.for %scan3A_169 = %scan3A_151 to %scan3A_153 step %scan3A_154  : i32 {
        %mul3A_170 = arith.constant 512 : i32
        %mul3A_171 = arith.muli %scan3A_169, %mul3A_170 : i32
        %add3A_172 = arith.constant 12288 : i32
        %add3A_173 = arith.addi %add3A_172, %mul3A_171 : i32
        %add3A_174 = arith.constant 0 : i32
        %add3A_175 = arith.addi %add3A_173, %add3A_174 : i32
        %add3A_176 = arith.constant 0 : i32
        %add3A_177 = arith.addi %add3A_173, %add3A_176 : i32
        %sub3A_178 = arith.constant 12288 : i32
        %sub3A_179 = arith.subi %add3A_177, %sub3A_178 : i32
        %get3A = arith.index_cast %add3A_175 : i32 to index
        %get3A_180 = tpu.vector_load %arg6[%get3A] {strides = array<i32>} : memref<16384xi32, #tpu.memory_space<vmem>>, vector<16xi32>,
        %gather3A = tpu.vector_load_idx %arg5[%get3A_180] : memref<100000xf32, #tpu.memory_space<vmem>>[vector<16xi32>], vector<16xf32>,
        %swap3A = arith.constant 1 : i32
        %swap3A_181 = arith.index_cast %swap3A : i32 to index
        %swap3A_182 = arith.index_cast %sub3A_179 : i32 to index
        %swap3A_183 = tpu.vector_load %arg7[%swap3A_181, %swap3A_182] {strides = array<i32>} : memref<2x4096xf32, #tpu.memory_space<vmem>>, vector<16xf32>,
        tpu.vector_store %arg7[%swap3A_181, %swap3A_182], %gather3A {strides = array<i32>} : memref<2x4096xf32, #tpu.memory_space<vmem>>, vector<16xf32>,
        %add3A_184 = arith.constant 16 : i32
        %add3A_185 = arith.addi %add3A_173, %add3A_184 : i32
        %add3A_186 = arith.constant 16 : i32
        %add3A_187 = arith.addi %add3A_173, %add3A_186 : i32
        %sub3A_188 = arith.constant 12288 : i32
        %sub3A_189 = arith.subi %add3A_187, %sub3A_188 : i32
        %get3A_190 = arith.index_cast %add3A_185 : i32 to index
        %get3A_191 = tpu.vector_load %arg6[%get3A_190] {strides = array<i32>} : memref<16384xi32, #tpu.memory_space<vmem>>, vector<16xi32>,
        %gather3A_192 = tpu.vector_load_idx %arg5[%get3A_191] : memref<100000xf32, #tpu.memory_space<vmem>>[vector<16xi32>], vector<16xf32>,
        %swap3A_193 = arith.constant 1 : i32
        %swap3A_194 = arith.index_cast %swap3A_193 : i32 to index
        %swap3A_195 = arith.index_cast %sub3A_189 : i32 to index
        %swap3A_196 = tpu.vector_load %arg7[%swap3A_194, %swap3A_195] {strides = array<i32>} : memref<2x4096xf32, #tpu.memory_space<vmem>>, vector<16xf32>,
        tpu.vector_store %arg7[%swap3A_194, %swap3A_195], %gather3A_192 {strides = array<i32>} : memref<2x4096xf32, #tpu.memory_space<vmem>>, vector<16xf32>,
        %add3A_197 = arith.constant 32 : i32
        %add3A_198 = arith.addi %add3A_173, %add3A_197 : i32
        %add3A_199 = arith.constant 32 : i32
        %add3A_200 = arith.addi %add3A_173, %add3A_199 : i32
        %sub3A_201 = arith.constant 12288 : i32
        %sub3A_202 = arith.subi %add3A_200, %sub3A_201 : i32
        %get3A_203 = arith.index_cast %add3A_198 : i32 to index
        %get3A_204 = tpu.vector_load %arg6[%get3A_203] {strides = array<i32>} : memref<16384xi32, #tpu.memory_space<vmem>>, vector<16xi32>,
        %gather3A_205 = tpu.vector_load_idx %arg5[%get3A_204] : memref<100000xf32, #tpu.memory_space<vmem>>[vector<16xi32>], vector<16xf32>,
        %swap3A_206 = arith.constant 1 : i32
        %swap3A_207 = arith.index_cast %swap3A_206 : i32 to index
        %swap3A_208 = arith.index_cast %sub3A_202 : i32 to index
        %swap3A_209 = tpu.vector_load %arg7[%swap3A_207, %swap3A_208] {strides = array<i32>} : memref<2x4096xf32, #tpu.memory_space<vmem>>, vector<16xf32>,
        tpu.vector_store %arg7[%swap3A_207, %swap3A_208], %gather3A_205 {strides = array<i32>} : memref<2x4096xf32, #tpu.memory_space<vmem>>, vector<16xf32>,
        %add3A_210 = arith.constant 48 : i32
        %add3A_211 = arith.addi %add3A_173, %add3A_210 : i32
        %add3A_212 = arith.constant 48 : i32
        %add3A_213 = arith.addi %add3A_173, %add3A_212 : i32
        %sub3A_214 = arith.constant 12288 : i32
        %sub3A_215 = arith.subi %add3A_213, %sub3A_214 : i32
        %get3A_216 = arith.index_cast %add3A_211 : i32 to index
        %get3A_217 = tpu.vector_load %arg6[%get3A_216] {strides = array<i32>} : memref<16384xi32, #tpu.memory_space<vmem>>, vector<16xi32>,
        %gather3A_218 = tpu.vector_load_idx %arg5[%get3A_217] : memref<100000xf32, #tpu.memory_space<vmem>>[vector<16xi32>], vector<16xf32>,
        %swap3A_219 = arith.constant 1 : i32
        %swap3A_220 = arith.index_cast %swap3A_219 : i32 to index
        %swap3A_221 = arith.index_cast %sub3A_215 : i32 to index
        %swap3A_222 = tpu.vector_load %arg7[%swap3A_220, %swap3A_221] {strides = array<i32>} : memref<2x4096xf32, #tpu.memory_space<vmem>>, vector<16xf32>,
        tpu.vector_store %arg7[%swap3A_220, %swap3A_221], %gather3A_218 {strides = array<i32>} : memref<2x4096xf32, #tpu.memory_space<vmem>>, vector<16xf32>,
        %add3A_223 = arith.constant 64 : i32
        %add3A_224 = arith.addi %add3A_173, %add3A_223 : i32
        %add3A_225 = arith.constant 64 : i32
        %add3A_226 = arith.addi %add3A_173, %add3A_225 : i32
        %sub3A_227 = arith.constant 12288 : i32
        %sub3A_228 = arith.subi %add3A_226, %sub3A_227 : i32
        %get3A_229 = arith.index_cast %add3A_224 : i32 to index
        %get3A_230 = tpu.vector_load %arg6[%get3A_229] {strides = array<i32>} : memref<16384xi32, #tpu.memory_space<vmem>>, vector<16xi32>,
        %gather3A_231 = tpu.vector_load_idx %arg5[%get3A_230] : memref<100000xf32, #tpu.memory_space<vmem>>[vector<16xi32>], vector<16xf32>,
        %swap3A_232 = arith.constant 1 : i32
        %swap3A_233 = arith.index_cast %swap3A_232 : i32 to index
        %swap3A_234 = arith.index_cast %sub3A_228 : i32 to index
        %swap3A_235 = tpu.vector_load %arg7[%swap3A_233, %swap3A_234] {strides = array<i32>} : memref<2x4096xf32, #tpu.memory_space<vmem>>, vector<16xf32>,
        tpu.vector_store %arg7[%swap3A_233, %swap3A_234], %gather3A_231 {strides = array<i32>} : memref<2x4096xf32, #tpu.memory_space<vmem>>, vector<16xf32>,
        %add3A_236 = arith.constant 80 : i32
        %add3A_237 = arith.addi %add3A_173, %add3A_236 : i32
        %add3A_238 = arith.constant 80 : i32
        %add3A_239 = arith.addi %add3A_173, %add3A_238 : i32
        %sub3A_240 = arith.constant 12288 : i32
        %sub3A_241 = arith.subi %add3A_239, %sub3A_240 : i32
        %get3A_242 = arith.index_cast %add3A_237 : i32 to index
        %get3A_243 = tpu.vector_load %arg6[%get3A_242] {strides = array<i32>} : memref<16384xi32, #tpu.memory_space<vmem>>, vector<16xi32>,
        %gather3A_244 = tpu.vector_load_idx %arg5[%get3A_243] : memref<100000xf32, #tpu.memory_space<vmem>>[vector<16xi32>], vector<16xf32>,
        %swap3A_245 = arith.constant 1 : i32
        %swap3A_246 = arith.index_cast %swap3A_245 : i32 to index
        %swap3A_247 = arith.index_cast %sub3A_241 : i32 to index
        %swap3A_248 = tpu.vector_load %arg7[%swap3A_246, %swap3A_247] {strides = array<i32>} : memref<2x4096xf32, #tpu.memory_space<vmem>>, vector<16xf32>,
        tpu.vector_store %arg7[%swap3A_246, %swap3A_247], %gather3A_244 {strides = array<i32>} : memref<2x4096xf32, #tpu.memory_space<vmem>>, vector<16xf32>,
        %add3A_249 = arith.constant 96 : i32
        %add3A_250 = arith.addi %add3A_173, %add3A_249 : i32
        %add3A_251 = arith.constant 96 : i32
        %add3A_252 = arith.addi %add3A_173, %add3A_251 : i32
        %sub3A_253 = arith.constant 12288 : i32
        %sub3A_254 = arith.subi %add3A_252, %sub3A_253 : i32
        %get3A_255 = arith.index_cast %add3A_250 : i32 to index
        %get3A_256 = tpu.vector_load %arg6[%get3A_255] {strides = array<i32>} : memref<16384xi32, #tpu.memory_space<vmem>>, vector<16xi32>,
        %gather3A_257 = tpu.vector_load_idx %arg5[%get3A_256] : memref<100000xf32, #tpu.memory_space<vmem>>[vector<16xi32>], vector<16xf32>,
        %swap3A_258 = arith.constant 1 : i32
        %swap3A_259 = arith.index_cast %swap3A_258 : i32 to index
        %swap3A_260 = arith.index_cast %sub3A_254 : i32 to index
        %swap3A_261 = tpu.vector_load %arg7[%swap3A_259, %swap3A_260] {strides = array<i32>} : memref<2x4096xf32, #tpu.memory_space<vmem>>, vector<16xf32>,
        tpu.vector_store %arg7[%swap3A_259, %swap3A_260], %gather3A_257 {strides = array<i32>} : memref<2x4096xf32, #tpu.memory_space<vmem>>, vector<16xf32>,
        %add3A_262 = arith.constant 112 : i32
        %add3A_263 = arith.addi %add3A_173, %add3A_262 : i32
        %add3A_264 = arith.constant 112 : i32
        %add3A_265 = arith.addi %add3A_173, %add3A_264 : i32
        %sub3A_266 = arith.constant 12288 : i32
        %sub3A_267 = arith.subi %add3A_265, %sub3A_266 : i32
        %get3A_268 = arith.index_cast %add3A_263 : i32 to index
        %get3A_269 = tpu.vector_load %arg6[%get3A_268] {strides = array<i32>} : memref<16384xi32, #tpu.memory_space<vmem>>, vector<16xi32>,
        %gather3A_270 = tpu.vector_load_idx %arg5[%get3A_269] : memref<100000xf32, #tpu.memory_space<vmem>>[vector<16xi32>], vector<16xf32>,
        %swap3A_271 = arith.constant 1 : i32
        %swap3A_272 = arith.index_cast %swap3A_271 : i32 to index
        %swap3A_273 = arith.index_cast %sub3A_267 : i32 to index
        %swap3A_274 = tpu.vector_load %arg7[%swap3A_272, %swap3A_273] {strides = array<i32>} : memref<2x4096xf32, #tpu.memory_space<vmem>>, vector<16xf32>,
        tpu.vector_store %arg7[%swap3A_272, %swap3A_273], %gather3A_270 {strides = array<i32>} : memref<2x4096xf32, #tpu.memory_space<vmem>>, vector<16xf32>,
        %add3A_275 = arith.constant 128 : i32
        %add3A_276 = arith.addi %add3A_173, %add3A_275 : i32
        %add3A_277 = arith.constant 128 : i32
        %add3A_278 = arith.addi %add3A_173, %add3A_277 : i32
        %sub3A_279 = arith.constant 12288 : i32
        %sub3A_280 = arith.subi %add3A_278, %sub3A_279 : i32
        %get3A_281 = arith.index_cast %add3A_276 : i32 to index
        %get3A_282 = tpu.vector_load %arg6[%get3A_281] {strides = array<i32>} : memref<16384xi32, #tpu.memory_space<vmem>>, vector<16xi32>,
        %gather3A_283 = tpu.vector_load_idx %arg5[%get3A_282] : memref<100000xf32, #tpu.memory_space<vmem>>[vector<16xi32>], vector<16xf32>,
        %swap3A_284 = arith.constant 1 : i32
        %swap3A_285 = arith.index_cast %swap3A_284 : i32 to index
        %swap3A_286 = arith.index_cast %sub3A_280 : i32 to index
        %swap3A_287 = tpu.vector_load %arg7[%swap3A_285, %swap3A_286] {strides = array<i32>} : memref<2x4096xf32, #tpu.memory_space<vmem>>, vector<16xf32>,
        tpu.vector_store %arg7[%swap3A_285, %swap3A_286], %gather3A_283 {strides = array<i32>} : memref<2x4096xf32, #tpu.memory_space<vmem>>, vector<16xf32>,
        %add3A_288 = arith.constant 144 : i32
        %add3A_289 = arith.addi %add3A_173, %add3A_288 : i32
        %add3A_290 = arith.constant 144 : i32
        %add3A_291 = arith.addi %add3A_173, %add3A_290 : i32
        %sub3A_292 = arith.constant 12288 : i32
        %sub3A_293 = arith.subi %add3A_291, %sub3A_292 : i32
        %get3A_294 = arith.index_cast %add3A_289 : i32 to index
        %get3A_295 = tpu.vector_load %arg6[%get3A_294] {strides = array<i32>} : memref<16384xi32, #tpu.memory_space<vmem>>, vector<16xi32>,
        %gather3A_296 = tpu.vector_load_idx %arg5[%get3A_295] : memref<100000xf32, #tpu.memory_space<vmem>>[vector<16xi32>], vector<16xf32>,
        %swap3A_297 = arith.constant 1 : i32
        %swap3A_298 = arith.index_cast %swap3A_297 : i32 to index
        %swap3A_299 = arith.index_cast %sub3A_293 : i32 to index
        %swap3A_300 = tpu.vector_load %arg7[%swap3A_298, %swap3A_299] {strides = array<i32>} : memref<2x4096xf32, #tpu.memory_space<vmem>>, vector<16xf32>,
        tpu.vector_store %arg7[%swap3A_298, %swap3A_299], %gather3A_296 {strides = array<i32>} : memref<2x4096xf32, #tpu.memory_space<vmem>>, vector<16xf32>,
        %add3A_301 = arith.constant 160 : i32
        %add3A_302 = arith.addi %add3A_173, %add3A_301 : i32
        %add3A_303 = arith.constant 160 : i32
        %add3A_304 = arith.addi %add3A_173, %add3A_303 : i32
        %sub3A_305 = arith.constant 12288 : i32
        %sub3A_306 = arith.subi %add3A_304, %sub3A_305 : i32
        %get3A_307 = arith.index_cast %add3A_302 : i32 to index
        %get3A_308 = tpu.vector_load %arg6[%get3A_307] {strides = array<i32>} : memref<16384xi32, #tpu.memory_space<vmem>>, vector<16xi32>,
        %gather3A_309 = tpu.vector_load_idx %arg5[%get3A_308] : memref<100000xf32, #tpu.memory_space<vmem>>[vector<16xi32>], vector<16xf32>,
        %swap3A_310 = arith.constant 1 : i32
        %swap3A_311 = arith.index_cast %swap3A_310 : i32 to index
        %swap3A_312 = arith.index_cast %sub3A_306 : i32 to index
        %swap3A_313 = tpu.vector_load %arg7[%swap3A_311, %swap3A_312] {strides = array<i32>} : memref<2x4096xf32, #tpu.memory_space<vmem>>, vector<16xf32>,
        tpu.vector_store %arg7[%swap3A_311, %swap3A_312], %gather3A_309 {strides = array<i32>} : memref<2x4096xf32, #tpu.memory_space<vmem>>, vector<16xf32>,
        %add3A_314 = arith.constant 176 : i32
        %add3A_315 = arith.addi %add3A_173, %add3A_314 : i32
        %add3A_316 = arith.constant 176 : i32
        %add3A_317 = arith.addi %add3A_173, %add3A_316 : i32
        %sub3A_318 = arith.constant 12288 : i32
        %sub3A_319 = arith.subi %add3A_317, %sub3A_318 : i32
        %get3A_320 = arith.index_cast %add3A_315 : i32 to index
        %get3A_321 = tpu.vector_load %arg6[%get3A_320] {strides = array<i32>} : memref<16384xi32, #tpu.memory_space<vmem>>, vector<16xi32>,
        %gather3A_322 = tpu.vector_load_idx %arg5[%get3A_321] : memref<100000xf32, #tpu.memory_space<vmem>>[vector<16xi32>], vector<16xf32>,
        %swap3A_323 = arith.constant 1 : i32
        %swap3A_324 = arith.index_cast %swap3A_323 : i32 to index
        %swap3A_325 = arith.index_cast %sub3A_319 : i32 to index
        %swap3A_326 = tpu.vector_load %arg7[%swap3A_324, %swap3A_325] {strides = array<i32>} : memref<2x4096xf32, #tpu.memory_space<vmem>>, vector<16xf32>,
        tpu.vector_store %arg7[%swap3A_324, %swap3A_325], %gather3A_322 {strides = array<i32>} : memref<2x4096xf32, #tpu.memory_space<vmem>>, vector<16xf32>,
        %add3A_327 = arith.constant 192 : i32
        %add3A_328 = arith.addi %add3A_173, %add3A_327 : i32
        %add3A_329 = arith.constant 192 : i32
        %add3A_330 = arith.addi %add3A_173, %add3A_329 : i32
        %sub3A_331 = arith.constant 12288 : i32
        %sub3A_332 = arith.subi %add3A_330, %sub3A_331 : i32
        %get3A_333 = arith.index_cast %add3A_328 : i32 to index
        %get3A_334 = tpu.vector_load %arg6[%get3A_333] {strides = array<i32>} : memref<16384xi32, #tpu.memory_space<vmem>>, vector<16xi32>,
        %gather3A_335 = tpu.vector_load_idx %arg5[%get3A_334] : memref<100000xf32, #tpu.memory_space<vmem>>[vector<16xi32>], vector<16xf32>,
        %swap3A_336 = arith.constant 1 : i32
        %swap3A_337 = arith.index_cast %swap3A_336 : i32 to index
        %swap3A_338 = arith.index_cast %sub3A_332 : i32 to index
        %swap3A_339 = tpu.vector_load %arg7[%swap3A_337, %swap3A_338] {strides = array<i32>} : memref<2x4096xf32, #tpu.memory_space<vmem>>, vector<16xf32>,
        tpu.vector_store %arg7[%swap3A_337, %swap3A_338], %gather3A_335 {strides = array<i32>} : memref<2x4096xf32, #tpu.memory_space<vmem>>, vector<16xf32>,
        %add3A_340 = arith.constant 208 : i32
        %add3A_341 = arith.addi %add3A_173, %add3A_340 : i32
        %add3A_342 = arith.constant 208 : i32
        %add3A_343 = arith.addi %add3A_173, %add3A_342 : i32
        %sub3A_344 = arith.constant 12288 : i32
        %sub3A_345 = arith.subi %add3A_343, %sub3A_344 : i32
        %get3A_346 = arith.index_cast %add3A_341 : i32 to index
        %get3A_347 = tpu.vector_load %arg6[%get3A_346] {strides = array<i32>} : memref<16384xi32, #tpu.memory_space<vmem>>, vector<16xi32>,
        %gather3A_348 = tpu.vector_load_idx %arg5[%get3A_347] : memref<100000xf32, #tpu.memory_space<vmem>>[vector<16xi32>], vector<16xf32>,
        %swap3A_349 = arith.constant 1 : i32
        %swap3A_350 = arith.index_cast %swap3A_349 : i32 to index
        %swap3A_351 = arith.index_cast %sub3A_345 : i32 to index
        %swap3A_352 = tpu.vector_load %arg7[%swap3A_350, %swap3A_351] {strides = array<i32>} : memref<2x4096xf32, #tpu.memory_space<vmem>>, vector<16xf32>,
        tpu.vector_store %arg7[%swap3A_350, %swap3A_351], %gather3A_348 {strides = array<i32>} : memref<2x4096xf32, #tpu.memory_space<vmem>>, vector<16xf32>,
        %add3A_353 = arith.constant 224 : i32
        %add3A_354 = arith.addi %add3A_173, %add3A_353 : i32
        %add3A_355 = arith.constant 224 : i32
        %add3A_356 = arith.addi %add3A_173, %add3A_355 : i32
        %sub3A_357 = arith.constant 12288 : i32
        %sub3A_358 = arith.subi %add3A_356, %sub3A_357 : i32
        %get3A_359 = arith.index_cast %add3A_354 : i32 to index
        %get3A_360 = tpu.vector_load %arg6[%get3A_359] {strides = array<i32>} : memref<16384xi32, #tpu.memory_space<vmem>>, vector<16xi32>,
        %gather3A_361 = tpu.vector_load_idx %arg5[%get3A_360] : memref<100000xf32, #tpu.memory_space<vmem>>[vector<16xi32>], vector<16xf32>,
        %swap3A_362 = arith.constant 1 : i32
        %swap3A_363 = arith.index_cast %swap3A_362 : i32 to index
        %swap3A_364 = arith.index_cast %sub3A_358 : i32 to index
        %swap3A_365 = tpu.vector_load %arg7[%swap3A_363, %swap3A_364] {strides = array<i32>} : memref<2x4096xf32, #tpu.memory_space<vmem>>, vector<16xf32>,
        tpu.vector_store %arg7[%swap3A_363, %swap3A_364], %gather3A_361 {strides = array<i32>} : memref<2x4096xf32, #tpu.memory_space<vmem>>, vector<16xf32>,
        %add3A_366 = arith.constant 240 : i32
        %add3A_367 = arith.addi %add3A_173, %add3A_366 : i32
        %add3A_368 = arith.constant 240 : i32
        %add3A_369 = arith.addi %add3A_173, %add3A_368 : i32
        %sub3A_370 = arith.constant 12288 : i32
        %sub3A_371 = arith.subi %add3A_369, %sub3A_370 : i32
        %get3A_372 = arith.index_cast %add3A_367 : i32 to index
        %get3A_373 = tpu.vector_load %arg6[%get3A_372] {strides = array<i32>} : memref<16384xi32, #tpu.memory_space<vmem>>, vector<16xi32>,
        %gather3A_374 = tpu.vector_load_idx %arg5[%get3A_373] : memref<100000xf32, #tpu.memory_space<vmem>>[vector<16xi32>], vector<16xf32>,
        %swap3A_375 = arith.constant 1 : i32
        %swap3A_376 = arith.index_cast %swap3A_375 : i32 to index
        %swap3A_377 = arith.index_cast %sub3A_371 : i32 to index
        %swap3A_378 = tpu.vector_load %arg7[%swap3A_376, %swap3A_377] {strides = array<i32>} : memref<2x4096xf32, #tpu.memory_space<vmem>>, vector<16xf32>,
        tpu.vector_store %arg7[%swap3A_376, %swap3A_377], %gather3A_374 {strides = array<i32>} : memref<2x4096xf32, #tpu.memory_space<vmem>>, vector<16xf32>,
        %add3A_379 = arith.constant 256 : i32
        %add3A_380 = arith.addi %add3A_173, %add3A_379 : i32
        %add3A_381 = arith.constant 256 : i32
        %add3A_382 = arith.addi %add3A_173, %add3A_381 : i32
        %sub3A_383 = arith.constant 12288 : i32
        %sub3A_384 = arith.subi %add3A_382, %sub3A_383 : i32
        %get3A_385 = arith.index_cast %add3A_380 : i32 to index
        %get3A_386 = tpu.vector_load %arg6[%get3A_385] {strides = array<i32>} : memref<16384xi32, #tpu.memory_space<vmem>>, vector<16xi32>,
        %gather3A_387 = tpu.vector_load_idx %arg5[%get3A_386] : memref<100000xf32, #tpu.memory_space<vmem>>[vector<16xi32>], vector<16xf32>,
        %swap3A_388 = arith.constant 1 : i32
        %swap3A_389 = arith.index_cast %swap3A_388 : i32 to index
        %swap3A_390 = arith.index_cast %sub3A_384 : i32 to index
        %swap3A_391 = tpu.vector_load %arg7[%swap3A_389, %swap3A_390] {strides = array<i32>} : memref<2x4096xf32, #tpu.memory_space<vmem>>, vector<16xf32>,
        tpu.vector_store %arg7[%swap3A_389, %swap3A_390], %gather3A_387 {strides = array<i32>} : memref<2x4096xf32, #tpu.memory_space<vmem>>, vector<16xf32>,
        %add3A_392 = arith.constant 272 : i32
        %add3A_393 = arith.addi %add3A_173, %add3A_392 : i32
        %add3A_394 = arith.constant 272 : i32
        %add3A_395 = arith.addi %add3A_173, %add3A_394 : i32
        %sub3A_396 = arith.constant 12288 : i32
        %sub3A_397 = arith.subi %add3A_395, %sub3A_396 : i32
        %get3A_398 = arith.index_cast %add3A_393 : i32 to index
        %get3A_399 = tpu.vector_load %arg6[%get3A_398] {strides = array<i32>} : memref<16384xi32, #tpu.memory_space<vmem>>, vector<16xi32>,
        %gather3A_400 = tpu.vector_load_idx %arg5[%get3A_399] : memref<100000xf32, #tpu.memory_space<vmem>>[vector<16xi32>], vector<16xf32>,
        %swap3A_401 = arith.constant 1 : i32
        %swap3A_402 = arith.index_cast %swap3A_401 : i32 to index
        %swap3A_403 = arith.index_cast %sub3A_397 : i32 to index
        %swap3A_404 = tpu.vector_load %arg7[%swap3A_402, %swap3A_403] {strides = array<i32>} : memref<2x4096xf32, #tpu.memory_space<vmem>>, vector<16xf32>,
        tpu.vector_store %arg7[%swap3A_402, %swap3A_403], %gather3A_400 {strides = array<i32>} : memref<2x4096xf32, #tpu.memory_space<vmem>>, vector<16xf32>,
        %add3A_405 = arith.constant 288 : i32
        %add3A_406 = arith.addi %add3A_173, %add3A_405 : i32
        %add3A_407 = arith.constant 288 : i32
        %add3A_408 = arith.addi %add3A_173, %add3A_407 : i32
        %sub3A_409 = arith.constant 12288 : i32
        %sub3A_410 = arith.subi %add3A_408, %sub3A_409 : i32
        %get3A_411 = arith.index_cast %add3A_406 : i32 to index
        %get3A_412 = tpu.vector_load %arg6[%get3A_411] {strides = array<i32>} : memref<16384xi32, #tpu.memory_space<vmem>>, vector<16xi32>,
        %gather3A_413 = tpu.vector_load_idx %arg5[%get3A_412] : memref<100000xf32, #tpu.memory_space<vmem>>[vector<16xi32>], vector<16xf32>,
        %swap3A_414 = arith.constant 1 : i32
        %swap3A_415 = arith.index_cast %swap3A_414 : i32 to index
        %swap3A_416 = arith.index_cast %sub3A_410 : i32 to index
        %swap3A_417 = tpu.vector_load %arg7[%swap3A_415, %swap3A_416] {strides = array<i32>} : memref<2x4096xf32, #tpu.memory_space<vmem>>, vector<16xf32>,
        tpu.vector_store %arg7[%swap3A_415, %swap3A_416], %gather3A_413 {strides = array<i32>} : memref<2x4096xf32, #tpu.memory_space<vmem>>, vector<16xf32>,
        %add3A_418 = arith.constant 304 : i32
        %add3A_419 = arith.addi %add3A_173, %add3A_418 : i32
        %add3A_420 = arith.constant 304 : i32
        %add3A_421 = arith.addi %add3A_173, %add3A_420 : i32
        %sub3A_422 = arith.constant 12288 : i32
        %sub3A_423 = arith.subi %add3A_421, %sub3A_422 : i32
        %get3A_424 = arith.index_cast %add3A_419 : i32 to index
        %get3A_425 = tpu.vector_load %arg6[%get3A_424] {strides = array<i32>} : memref<16384xi32, #tpu.memory_space<vmem>>, vector<16xi32>,
        %gather3A_426 = tpu.vector_load_idx %arg5[%get3A_425] : memref<100000xf32, #tpu.memory_space<vmem>>[vector<16xi32>], vector<16xf32>,
        %swap3A_427 = arith.constant 1 : i32
        %swap3A_428 = arith.index_cast %swap3A_427 : i32 to index
        %swap3A_429 = arith.index_cast %sub3A_423 : i32 to index
        %swap3A_430 = tpu.vector_load %arg7[%swap3A_428, %swap3A_429] {strides = array<i32>} : memref<2x4096xf32, #tpu.memory_space<vmem>>, vector<16xf32>,
        tpu.vector_store %arg7[%swap3A_428, %swap3A_429], %gather3A_426 {strides = array<i32>} : memref<2x4096xf32, #tpu.memory_space<vmem>>, vector<16xf32>,
        %add3A_431 = arith.constant 320 : i32
        %add3A_432 = arith.addi %add3A_173, %add3A_431 : i32
        %add3A_433 = arith.constant 320 : i32
        %add3A_434 = arith.addi %add3A_173, %add3A_433 : i32
        %sub3A_435 = arith.constant 12288 : i32
        %sub3A_436 = arith.subi %add3A_434, %sub3A_435 : i32
        %get3A_437 = arith.index_cast %add3A_432 : i32 to index
        %get3A_438 = tpu.vector_load %arg6[%get3A_437] {strides = array<i32>} : memref<16384xi32, #tpu.memory_space<vmem>>, vector<16xi32>,
        %gather3A_439 = tpu.vector_load_idx %arg5[%get3A_438] : memref<100000xf32, #tpu.memory_space<vmem>>[vector<16xi32>], vector<16xf32>,
        %swap3A_440 = arith.constant 1 : i32
        %swap3A_441 = arith.index_cast %swap3A_440 : i32 to index
        %swap3A_442 = arith.index_cast %sub3A_436 : i32 to index
        %swap3A_443 = tpu.vector_load %arg7[%swap3A_441, %swap3A_442] {strides = array<i32>} : memref<2x4096xf32, #tpu.memory_space<vmem>>, vector<16xf32>,
        tpu.vector_store %arg7[%swap3A_441, %swap3A_442], %gather3A_439 {strides = array<i32>} : memref<2x4096xf32, #tpu.memory_space<vmem>>, vector<16xf32>,
        %add3A_444 = arith.constant 336 : i32
        %add3A_445 = arith.addi %add3A_173, %add3A_444 : i32
        %add3A_446 = arith.constant 336 : i32
        %add3A_447 = arith.addi %add3A_173, %add3A_446 : i32
        %sub3A_448 = arith.constant 12288 : i32
        %sub3A_449 = arith.subi %add3A_447, %sub3A_448 : i32
        %get3A_450 = arith.index_cast %add3A_445 : i32 to index
        %get3A_451 = tpu.vector_load %arg6[%get3A_450] {strides = array<i32>} : memref<16384xi32, #tpu.memory_space<vmem>>, vector<16xi32>,
        %gather3A_452 = tpu.vector_load_idx %arg5[%get3A_451] : memref<100000xf32, #tpu.memory_space<vmem>>[vector<16xi32>], vector<16xf32>,
        %swap3A_453 = arith.constant 1 : i32
        %swap3A_454 = arith.index_cast %swap3A_453 : i32 to index
        %swap3A_455 = arith.index_cast %sub3A_449 : i32 to index
        %swap3A_456 = tpu.vector_load %arg7[%swap3A_454, %swap3A_455] {strides = array<i32>} : memref<2x4096xf32, #tpu.memory_space<vmem>>, vector<16xf32>,
        tpu.vector_store %arg7[%swap3A_454, %swap3A_455], %gather3A_452 {strides = array<i32>} : memref<2x4096xf32, #tpu.memory_space<vmem>>, vector<16xf32>,
        %add3A_457 = arith.constant 352 : i32
        %add3A_458 = arith.addi %add3A_173, %add3A_457 : i32
        %add3A_459 = arith.constant 352 : i32
        %add3A_460 = arith.addi %add3A_173, %add3A_459 : i32
        %sub3A_461 = arith.constant 12288 : i32
        %sub3A_462 = arith.subi %add3A_460, %sub3A_461 : i32
        %get3A_463 = arith.index_cast %add3A_458 : i32 to index
        %get3A_464 = tpu.vector_load %arg6[%get3A_463] {strides = array<i32>} : memref<16384xi32, #tpu.memory_space<vmem>>, vector<16xi32>,
        %gather3A_465 = tpu.vector_load_idx %arg5[%get3A_464] : memref<100000xf32, #tpu.memory_space<vmem>>[vector<16xi32>], vector<16xf32>,
        %swap3A_466 = arith.constant 1 : i32
        %swap3A_467 = arith.index_cast %swap3A_466 : i32 to index
        %swap3A_468 = arith.index_cast %sub3A_462 : i32 to index
        %swap3A_469 = tpu.vector_load %arg7[%swap3A_467, %swap3A_468] {strides = array<i32>} : memref<2x4096xf32, #tpu.memory_space<vmem>>, vector<16xf32>,
        tpu.vector_store %arg7[%swap3A_467, %swap3A_468], %gather3A_465 {strides = array<i32>} : memref<2x4096xf32, #tpu.memory_space<vmem>>, vector<16xf32>,
        %add3A_470 = arith.constant 368 : i32
        %add3A_471 = arith.addi %add3A_173, %add3A_470 : i32
        %add3A_472 = arith.constant 368 : i32
        %add3A_473 = arith.addi %add3A_173, %add3A_472 : i32
        %sub3A_474 = arith.constant 12288 : i32
        %sub3A_475 = arith.subi %add3A_473, %sub3A_474 : i32
        %get3A_476 = arith.index_cast %add3A_471 : i32 to index
        %get3A_477 = tpu.vector_load %arg6[%get3A_476] {strides = array<i32>} : memref<16384xi32, #tpu.memory_space<vmem>>, vector<16xi32>,
        %gather3A_478 = tpu.vector_load_idx %arg5[%get3A_477] : memref<100000xf32, #tpu.memory_space<vmem>>[vector<16xi32>], vector<16xf32>,
        %swap3A_479 = arith.constant 1 : i32
        %swap3A_480 = arith.index_cast %swap3A_479 : i32 to index
        %swap3A_481 = arith.index_cast %sub3A_475 : i32 to index
        %swap3A_482 = tpu.vector_load %arg7[%swap3A_480, %swap3A_481] {strides = array<i32>} : memref<2x4096xf32, #tpu.memory_space<vmem>>, vector<16xf32>,
        tpu.vector_store %arg7[%swap3A_480, %swap3A_481], %gather3A_478 {strides = array<i32>} : memref<2x4096xf32, #tpu.memory_space<vmem>>, vector<16xf32>,
        %add3A_483 = arith.constant 384 : i32
        %add3A_484 = arith.addi %add3A_173, %add3A_483 : i32
        %add3A_485 = arith.constant 384 : i32
        %add3A_486 = arith.addi %add3A_173, %add3A_485 : i32
        %sub3A_487 = arith.constant 12288 : i32
        %sub3A_488 = arith.subi %add3A_486, %sub3A_487 : i32
        %get3A_489 = arith.index_cast %add3A_484 : i32 to index
        %get3A_490 = tpu.vector_load %arg6[%get3A_489] {strides = array<i32>} : memref<16384xi32, #tpu.memory_space<vmem>>, vector<16xi32>,
        %gather3A_491 = tpu.vector_load_idx %arg5[%get3A_490] : memref<100000xf32, #tpu.memory_space<vmem>>[vector<16xi32>], vector<16xf32>,
        %swap3A_492 = arith.constant 1 : i32
        %swap3A_493 = arith.index_cast %swap3A_492 : i32 to index
        %swap3A_494 = arith.index_cast %sub3A_488 : i32 to index
        %swap3A_495 = tpu.vector_load %arg7[%swap3A_493, %swap3A_494] {strides = array<i32>} : memref<2x4096xf32, #tpu.memory_space<vmem>>, vector<16xf32>,
        tpu.vector_store %arg7[%swap3A_493, %swap3A_494], %gather3A_491 {strides = array<i32>} : memref<2x4096xf32, #tpu.memory_space<vmem>>, vector<16xf32>,
        %add3A_496 = arith.constant 400 : i32
        %add3A_497 = arith.addi %add3A_173, %add3A_496 : i32
        %add3A_498 = arith.constant 400 : i32
        %add3A_499 = arith.addi %add3A_173, %add3A_498 : i32
        %sub3A_500 = arith.constant 12288 : i32
        %sub3A_501 = arith.subi %add3A_499, %sub3A_500 : i32
        %get3A_502 = arith.index_cast %add3A_497 : i32 to index
        %get3A_503 = tpu.vector_load %arg6[%get3A_502] {strides = array<i32>} : memref<16384xi32, #tpu.memory_space<vmem>>, vector<16xi32>,
        %gather3A_504 = tpu.vector_load_idx %arg5[%get3A_503] : memref<100000xf32, #tpu.memory_space<vmem>>[vector<16xi32>], vector<16xf32>,
        %swap3A_505 = arith.constant 1 : i32
        %swap3A_506 = arith.index_cast %swap3A_505 : i32 to index
        %swap3A_507 = arith.index_cast %sub3A_501 : i32 to index
        %swap3A_508 = tpu.vector_load %arg7[%swap3A_506, %swap3A_507] {strides = array<i32>} : memref<2x4096xf32, #tpu.memory_space<vmem>>, vector<16xf32>,
        tpu.vector_store %arg7[%swap3A_506, %swap3A_507], %gather3A_504 {strides = array<i32>} : memref<2x4096xf32, #tpu.memory_space<vmem>>, vector<16xf32>,
        %add3A_509 = arith.constant 416 : i32
        %add3A_510 = arith.addi %add3A_173, %add3A_509 : i32
        %add3A_511 = arith.constant 416 : i32
        %add3A_512 = arith.addi %add3A_173, %add3A_511 : i32
        %sub3A_513 = arith.constant 12288 : i32
        %sub3A_514 = arith.subi %add3A_512, %sub3A_513 : i32
        %get3A_515 = arith.index_cast %add3A_510 : i32 to index
        %get3A_516 = tpu.vector_load %arg6[%get3A_515] {strides = array<i32>} : memref<16384xi32, #tpu.memory_space<vmem>>, vector<16xi32>,
        %gather3A_517 = tpu.vector_load_idx %arg5[%get3A_516] : memref<100000xf32, #tpu.memory_space<vmem>>[vector<16xi32>], vector<16xf32>,
        %swap3A_518 = arith.constant 1 : i32
        %swap3A_519 = arith.index_cast %swap3A_518 : i32 to index
        %swap3A_520 = arith.index_cast %sub3A_514 : i32 to index
        %swap3A_521 = tpu.vector_load %arg7[%swap3A_519, %swap3A_520] {strides = array<i32>} : memref<2x4096xf32, #tpu.memory_space<vmem>>, vector<16xf32>,
        tpu.vector_store %arg7[%swap3A_519, %swap3A_520], %gather3A_517 {strides = array<i32>} : memref<2x4096xf32, #tpu.memory_space<vmem>>, vector<16xf32>,
        %add3A_522 = arith.constant 432 : i32
        %add3A_523 = arith.addi %add3A_173, %add3A_522 : i32
        %add3A_524 = arith.constant 432 : i32
        %add3A_525 = arith.addi %add3A_173, %add3A_524 : i32
        %sub3A_526 = arith.constant 12288 : i32
        %sub3A_527 = arith.subi %add3A_525, %sub3A_526 : i32
        %get3A_528 = arith.index_cast %add3A_523 : i32 to index
        %get3A_529 = tpu.vector_load %arg6[%get3A_528] {strides = array<i32>} : memref<16384xi32, #tpu.memory_space<vmem>>, vector<16xi32>,
        %gather3A_530 = tpu.vector_load_idx %arg5[%get3A_529] : memref<100000xf32, #tpu.memory_space<vmem>>[vector<16xi32>], vector<16xf32>,
        %swap3A_531 = arith.constant 1 : i32
        %swap3A_532 = arith.index_cast %swap3A_531 : i32 to index
        %swap3A_533 = arith.index_cast %sub3A_527 : i32 to index
        %swap3A_534 = tpu.vector_load %arg7[%swap3A_532, %swap3A_533] {strides = array<i32>} : memref<2x4096xf32, #tpu.memory_space<vmem>>, vector<16xf32>,
        tpu.vector_store %arg7[%swap3A_532, %swap3A_533], %gather3A_530 {strides = array<i32>} : memref<2x4096xf32, #tpu.memory_space<vmem>>, vector<16xf32>,
        %add3A_535 = arith.constant 448 : i32
        %add3A_536 = arith.addi %add3A_173, %add3A_535 : i32
        %add3A_537 = arith.constant 448 : i32
        %add3A_538 = arith.addi %add3A_173, %add3A_537 : i32
        %sub3A_539 = arith.constant 12288 : i32
        %sub3A_540 = arith.subi %add3A_538, %sub3A_539 : i32
        %get3A_541 = arith.index_cast %add3A_536 : i32 to index
        %get3A_542 = tpu.vector_load %arg6[%get3A_541] {strides = array<i32>} : memref<16384xi32, #tpu.memory_space<vmem>>, vector<16xi32>,
        %gather3A_543 = tpu.vector_load_idx %arg5[%get3A_542] : memref<100000xf32, #tpu.memory_space<vmem>>[vector<16xi32>], vector<16xf32>,
        %swap3A_544 = arith.constant 1 : i32
        %swap3A_545 = arith.index_cast %swap3A_544 : i32 to index
        %swap3A_546 = arith.index_cast %sub3A_540 : i32 to index
        %swap3A_547 = tpu.vector_load %arg7[%swap3A_545, %swap3A_546] {strides = array<i32>} : memref<2x4096xf32, #tpu.memory_space<vmem>>, vector<16xf32>,
        tpu.vector_store %arg7[%swap3A_545, %swap3A_546], %gather3A_543 {strides = array<i32>} : memref<2x4096xf32, #tpu.memory_space<vmem>>, vector<16xf32>,
        %add3A_548 = arith.constant 464 : i32
        %add3A_549 = arith.addi %add3A_173, %add3A_548 : i32
        %add3A_550 = arith.constant 464 : i32
        %add3A_551 = arith.addi %add3A_173, %add3A_550 : i32
        %sub3A_552 = arith.constant 12288 : i32
        %sub3A_553 = arith.subi %add3A_551, %sub3A_552 : i32
        %get3A_554 = arith.index_cast %add3A_549 : i32 to index
        %get3A_555 = tpu.vector_load %arg6[%get3A_554] {strides = array<i32>} : memref<16384xi32, #tpu.memory_space<vmem>>, vector<16xi32>,
        %gather3A_556 = tpu.vector_load_idx %arg5[%get3A_555] : memref<100000xf32, #tpu.memory_space<vmem>>[vector<16xi32>], vector<16xf32>,
        %swap3A_557 = arith.constant 1 : i32
        %swap3A_558 = arith.index_cast %swap3A_557 : i32 to index
        %swap3A_559 = arith.index_cast %sub3A_553 : i32 to index
        %swap3A_560 = tpu.vector_load %arg7[%swap3A_558, %swap3A_559] {strides = array<i32>} : memref<2x4096xf32, #tpu.memory_space<vmem>>, vector<16xf32>,
        tpu.vector_store %arg7[%swap3A_558, %swap3A_559], %gather3A_556 {strides = array<i32>} : memref<2x4096xf32, #tpu.memory_space<vmem>>, vector<16xf32>,
        %add3A_561 = arith.constant 480 : i32
        %add3A_562 = arith.addi %add3A_173, %add3A_561 : i32
        %add3A_563 = arith.constant 480 : i32
        %add3A_564 = arith.addi %add3A_173, %add3A_563 : i32
        %sub3A_565 = arith.constant 12288 : i32
        %sub3A_566 = arith.subi %add3A_564, %sub3A_565 : i32
        %get3A_567 = arith.index_cast %add3A_562 : i32 to index
        %get3A_568 = tpu.vector_load %arg6[%get3A_567] {strides = array<i32>} : memref<16384xi32, #tpu.memory_space<vmem>>, vector<16xi32>,
        %gather3A_569 = tpu.vector_load_idx %arg5[%get3A_568] : memref<100000xf32, #tpu.memory_space<vmem>>[vector<16xi32>], vector<16xf32>,
        %swap3A_570 = arith.constant 1 : i32
        %swap3A_571 = arith.index_cast %swap3A_570 : i32 to index
        %swap3A_572 = arith.index_cast %sub3A_566 : i32 to index
        %swap3A_573 = tpu.vector_load %arg7[%swap3A_571, %swap3A_572] {strides = array<i32>} : memref<2x4096xf32, #tpu.memory_space<vmem>>, vector<16xf32>,
        tpu.vector_store %arg7[%swap3A_571, %swap3A_572], %gather3A_569 {strides = array<i32>} : memref<2x4096xf32, #tpu.memory_space<vmem>>, vector<16xf32>,
        %add3A_574 = arith.constant 496 : i32
        %add3A_575 = arith.addi %add3A_173, %add3A_574 : i32
        %add3A_576 = arith.constant 496 : i32
        %add3A_577 = arith.addi %add3A_173, %add3A_576 : i32
        %sub3A_578 = arith.constant 12288 : i32
        %sub3A_579 = arith.subi %add3A_577, %sub3A_578 : i32
        %get3A_580 = arith.index_cast %add3A_575 : i32 to index
        %get3A_581 = tpu.vector_load %arg6[%get3A_580] {strides = array<i32>} : memref<16384xi32, #tpu.memory_space<vmem>>, vector<16xi32>,
        %gather3A_582 = tpu.vector_load_idx %arg5[%get3A_581] : memref<100000xf32, #tpu.memory_space<vmem>>[vector<16xi32>], vector<16xf32>,
        %swap3A_583 = arith.constant 1 : i32
        %swap3A_584 = arith.index_cast %swap3A_583 : i32 to index
        %swap3A_585 = arith.index_cast %sub3A_579 : i32 to index
        %swap3A_586 = tpu.vector_load %arg7[%swap3A_584, %swap3A_585] {strides = array<i32>} : memref<2x4096xf32, #tpu.memory_space<vmem>>, vector<16xf32>,
        tpu.vector_store %arg7[%swap3A_584, %swap3A_585], %gather3A_582 {strides = array<i32>} : memref<2x4096xf32, #tpu.memory_space<vmem>>, vector<16xf32>,
      }
      %scan3A_155 = arith.constant 8 : i32
      %dma_start3A_156 = arith.constant 1 : i32
      %dma_start3A_157 = arith.constant 0 : i32
      %dma_start3A_158 = tpu.memref_slice %arg7[%dma_start3A_156, %dma_start3A_157] : memref<2x4096xf32, #tpu.memory_space<vmem>> -> memref<1x4096xf32, #tpu.memory_space<vmem>>
      %dma_start3A_159 = tpu.memref_squeeze %dma_start3A_158 : memref<1x4096xf32, #tpu.memory_space<vmem>> -> memref<4096xf32, #tpu.memory_space<vmem>>
      %dma_start3A_160 = arith.constant 12288 : i32
      %dma_start3A_161 = tpu.memref_slice %arg4[%add3A_34, %dma_start3A_160] : memref<416x16384xf32, #tpu.memory_space<hbm>> -> memref<1x4096xf32, #tpu.memory_space<hbm>>
      %dma_start3A_162 = tpu.memref_squeeze %dma_start3A_161 : memref<1x4096xf32, #tpu.memory_space<hbm>> -> memref<4096xf32, #tpu.memory_space<hbm>>
      %dma_start3A_163 = arith.constant 12288 : i32
      %dma_start3A_164 = tpu.memref_slice %arg4[%add3A_34, %dma_start3A_163] : memref<416x16384xf32, #tpu.memory_space<hbm>> -> memref<1x4096xf32, #tpu.memory_space<hbm>>
      %dma_start3A_165 = tpu.memref_squeeze %dma_start3A_164 : memref<1x4096xf32, #tpu.memory_space<hbm>> -> memref<4096xf32, #tpu.memory_space<hbm>>
      %dma_start3A_166 = arith.constant 0 : i32
      %dma_start3A_167 = tpu.memref_slice %arg7[%dma_start3A_156, %dma_start3A_166] : memref<2x4096xf32, #tpu.memory_space<vmem>> -> memref<1x4096xf32, #tpu.memory_space<vmem>>
      %dma_start3A_168 = tpu.memref_squeeze %dma_start3A_167 : memref<1x4096xf32, #tpu.memory_space<vmem>> -> memref<4096xf32, #tpu.memory_space<vmem>>
      tpu.enqueue_dma source(%dma_start3A_168 : memref<4096xf32, #tpu.memory_space<vmem>>) target(%dma_start3A_165 : memref<4096xf32, #tpu.memory_space<hbm>>) target_semaphore(%arg8 : memref<!tpu.dma_semaphore, #tpu.memory_space<semaphore_mem>>)
    }
    %scan3A_7 = arith.constant 13 : i32
    %dma_wait3A = arith.constant 0 : i32
    %dma_wait3A_8 = arith.constant 0 : i32
    %dma_wait3A_9 = tpu.memref_slice %arg7[%dma_wait3A, %dma_wait3A_8] : memref<2x4096xf32, #tpu.memory_space<vmem>> -> memref<1x4096xf32, #tpu.memory_space<vmem>>
    %dma_wait3A_10 = tpu.memref_squeeze %dma_wait3A_9 : memref<1x4096xf32, #tpu.memory_space<vmem>> -> memref<4096xf32, #tpu.memory_space<vmem>>
    %dma_wait3A_11 = arith.constant 0 : i32
    %dma_wait3A_12 = tpu.memref_slice %arg4[%mul3A_2, %dma_wait3A_11] : memref<416x16384xf32, #tpu.memory_space<hbm>> -> memref<1x4096xf32, #tpu.memory_space<hbm>>
    %dma_wait3A_13 = tpu.memref_squeeze %dma_wait3A_12 : memref<1x4096xf32, #tpu.memory_space<hbm>> -> memref<4096xf32, #tpu.memory_space<hbm>>
    %dma_wait3A_14 = arith.constant 0 : i32
    %dma_wait3A_15 = tpu.memref_slice %arg4[%mul3A_2, %dma_wait3A_14] : memref<416x16384xf32, #tpu.memory_space<hbm>> -> memref<1x4096xf32, #tpu.memory_space<hbm>>
    %dma_wait3A_16 = tpu.memref_squeeze %dma_wait3A_15 : memref<1x4096xf32, #tpu.memory_space<hbm>> -> memref<4096xf32, #tpu.memory_space<hbm>>
    %dma_wait3A_17 = arith.constant 0 : i32
    %dma_wait3A_18 = tpu.memref_slice %arg7[%dma_wait3A, %dma_wait3A_17] : memref<2x4096xf32, #tpu.memory_space<vmem>> -> memref<1x4096xf32, #tpu.memory_space<vmem>>
    %dma_wait3A_19 = tpu.memref_squeeze %dma_wait3A_18 : memref<1x4096xf32, #tpu.memory_space<vmem>> -> memref<4096xf32, #tpu.memory_space<vmem>>
    tpu.wait_dma2 semaphore(%arg8 : memref<!tpu.dma_semaphore, #tpu.memory_space<semaphore_mem>>) src(%dma_wait3A_19 : memref<4096xf32, #tpu.memory_space<vmem>>) dst(%dma_wait3A_16 : memref<4096xf32, #tpu.memory_space<hbm>>)
    %dma_wait3A_20 = arith.constant 0 : i32
    %dma_wait3A_21 = arith.constant 0 : i32
    %dma_wait3A_22 = tpu.memref_slice %arg7[%dma_wait3A_20, %dma_wait3A_21] : memref<2x4096xf32, #tpu.memory_space<vmem>> -> memref<1x4096xf32, #tpu.memory_space<vmem>>
    %dma_wait3A_23 = tpu.memref_squeeze %dma_wait3A_22 : memref<1x4096xf32, #tpu.memory_space<vmem>> -> memref<4096xf32, #tpu.memory_space<vmem>>
    %dma_wait3A_24 = arith.constant 0 : i32
    %dma_wait3A_25 = tpu.memref_slice %arg4[%mul3A_2, %dma_wait3A_24] : memref<416x16384xf32, #tpu.memory_space<hbm>> -> memref<1x4096xf32, #tpu.memory_space<hbm>>
    %dma_wait3A_26 = tpu.memref_squeeze %dma_wait3A_25 : memref<1x4096xf32, #tpu.memory_space<hbm>> -> memref<4096xf32, #tpu.memory_space<hbm>>
    %dma_wait3A_27 = arith.constant 0 : i32
    %dma_wait3A_28 = tpu.memref_slice %arg4[%mul3A_2, %dma_wait3A_27] : memref<416x16384xf32, #tpu.memory_space<hbm>> -> memref<1x4096xf32, #tpu.memory_space<hbm>>
    %dma_wait3A_29 = tpu.memref_squeeze %dma_wait3A_28 : memref<1x4096xf32, #tpu.memory_space<hbm>> -> memref<4096xf32, #tpu.memory_space<hbm>>
    %dma_wait3A_30 = arith.constant 0 : i32
    %dma_wait3A_31 = tpu.memref_slice %arg7[%dma_wait3A_20, %dma_wait3A_30] : memref<2x4096xf32, #tpu.memory_space<vmem>> -> memref<1x4096xf32, #tpu.memory_space<vmem>>
    %dma_wait3A_32 = tpu.memref_squeeze %dma_wait3A_31 : memref<1x4096xf32, #tpu.memory_space<vmem>> -> memref<4096xf32, #tpu.memory_space<vmem>>
    tpu.wait_dma2 semaphore(%arg8 : memref<!tpu.dma_semaphore, #tpu.memory_space<semaphore_mem>>) src(%dma_wait3A_32 : memref<4096xf32, #tpu.memory_space<vmem>>) dst(%dma_wait3A_29 : memref<4096xf32, #tpu.memory_space<hbm>>)
    return
  }
}

</mosaic_0001>

<sc_bundles>
// kernel: kernel.3.cloned.1.call-start
scs
__scs_entry_jumppad:
0x0: {  	(pc) =	sbr.rel $0x88, $3  }
0x1: {  	(tag) =	ssettag $0x0;
	lr =	simm.s32 $0x1  }
0x2: {  	[smem:$0x3F9F] =	sst lr;
	_ =	strace $0xD0000000  }
0x3: {  	_ = 	snop  }
0x4: {  	_ = 	snop  }
0x5: {  	_ = 	snop  }
0x6: {  	_ = 	snop  }
0x7: {  	_ = 	snop  }
__scs_overlays_trampoline_lowered:
0x8: {  	[smem:$0x3FAE] =	sst s0  }
0x9: {  	[smem:$0x3FAF] =	sst s1  }
0xa: {  	[smem:$0x3FB0] =	sst s2  }
0xb: {  	[smem:$0x3FB1] =	sst s3  }
0xc: {  	[smem:$0x3FB2] =	sst s4  }
0xd: {  	[smem:$0x3FB3] =	sst s5  }
0xe: {  	[smem:$0x3FB4] =	sst s6  }
0xf: {  	[smem:$0x3FB5] =	sst s7  }
0x10: {  	[smem:$0x3FB6] =	sst s8  }
0x11: {  	[smem:$0x3FB7] =	sst s9;
	s0 =	simm.s32 @!p0 $0x0  }
0x12: {  	s1 =	sld [smem:$0x3F9D];
	s0 =	simm.s32 @p0 $0x1  }
0x13: {  	[smem:$0x3FB8] =	sst s0;
	s0 =	simm.s32 @!p1 $0x0  }
0x14: {  	s2 =	sld [smem:$0x3F9C];
	s0 =	simm.s32 @p1 $0x1  }
0x15: {  	[smem:$0x3FB9] =	sst s0;
	s0 =	simm.s32 @!p2 $0x0  }
0x16: {  	s3 =	sld [smem:$0x3FDB];
	s0 =	simm.s32 @p2 $0x1  }
0x17: {  	s4 =	simm.s32 $0x1BF5;
	[smem:$0x3FBB] =	sst s0  }
0x18: {  	s0 =	sld [smem:$0x3F9E];
	_ =	swait.ge [sflag:s4], $0x0  }
0x19: {  	s7 =	sld [smem:$0x3F9F]  }
0x1a: {  	s8 =	sadd.s32 $0xFFFFE003, lr  }
0x1b: {  	s9 =	sadd.s32 $0xFFFFFEF7, lr;
	s5 =	simm.s32 $0xFFFFFFFF;
	p2 =	slt.u32 s8, $0xFFFFF086  }
0x1c: {  	p1 =	slt.u32 s9, $0xF7A;
	s5 =	simm.s32 @!p2 $0x0  }
0x1d: {  	s5 =	simm.s32 @p1 $0x1;
	p0 =	seq.s32 s7, s2  }
0x1e: {  	s7 =	smul.u32 @!p0 $0xF7A, s2;
	p2 =	seq.s32 @!p0 s5, $0x0  }
0x1f: {  	s9 =	smul.u32 $0xF7A, s1;
	s8 =	simm.s32 @!p0 $0x1BF5;
	p2 =	por !p2, p0  }
0x20: {  	[sflag:s8] =	ssyncset.s32 @!p0 $0xFFFFF086;
	s6 =	sadd.s32 @!p0 s3, s7;
	s7 =	simm.s32 @!p0 $0x108  }
0x21: {  	s3 =	sadd.s32 s3, s9;
	s6 =	sadd.s32 @!p0 $0x88, s6;
	s7 =	simm.s32 @p2 $0x1082  }
0x22: {  	[simem:s7], [sflag:s8] =	dma.local @!p0 [hbm:s6], $0xF7A  }
0x23: {  	s9 =	sor.u32 $0xD0000000, s2;
	s6 =	simm.s32 $0x108;
	_ =	swait.ge @!p0 [sflag:s8], $0x0  }
0x24: {  	s3 =	sadd.s32 $0x88, s3;
	s6 =	simm.s32 @!p1 $0x1082;
	[sflag:s4] =	ssyncset.s32 $0xFFFFF086  }
0x25: {  	[simem:s6], [sflag:s4] =	dma.local [hbm:s3], $0xF7A  }
0x26: {  	[smem:$0x3F9F] =	sst s1;
	(tag) =	ssettag s2;
	_ =	strace s9  }
0x27: {  	s1 =	sld [smem:$0x3FAF]  }
0x28: {  	s2 =	sld [smem:$0x3FB0]  }
0x29: {  	s4 =	sld [smem:$0x3FB2]  }
0x2a: {  	p0 =	seq.s32 s5, $0x0;
	s5 =	sld [smem:$0x3FB3]  }
0x2b: {  	s6 =	sld [smem:$0x3FB4]  }
0x2c: {  	s7 =	sld [smem:$0x3FB5]  }
0x2d: {  	s3 =	simm.s32 $0x108;
	s8 =	sld [smem:$0x3FB6]  }
0x2e: {  	s3 =	simm.s32 @!p0 $0x1082;
	s9 =	sld [smem:$0x3FB7]  }
0x2f: {  	lr =	sadd.s32 s0, s3;
	s0 =	sld [smem:$0x3FAE]  }
0x30: {  	s3 =	sld [smem:$0x3FB1]  }
0x31: {  	[smem:$0x3FBA] =	sst s10  }
0x32: {  	s10 =	sld [smem:$0x3FB8];
	_ =	sdelay $0x3  }
0x33: {  	p0 =	seq.s32 s10, $0x1;
	s10 =	sld [smem:$0x3FBA];
	_ =	sdelay $0x3  }
0x34: {  	[smem:$0x3FBA] =	sst s10  }
0x35: {  	s10 =	sld [smem:$0x3FB9];
	_ =	sdelay $0x3  }
0x36: {  	p1 =	seq.s32 s10, $0x1;
	s10 =	sld [smem:$0x3FBA];
	_ =	sdelay $0x3  }
0x37: {  	[smem:$0x3FBA] =	sst s10  }
0x38: {  	s10 =	sld [smem:$0x3FBB]  }
0x39: {  	_ = 	snop;
	(pc) =	sbr.ind lr, $3  }
0x3a: {  	_ = 	snop  }
0x3b: {  	_ = 	snop  }
0x3c: {  	p2 =	seq.s32 s10, $0x1;
	s10 =	sld [smem:$0x3FBA]  }
0x3d: {  	_ =	shalt  }
0x3e: {  	_ =	shalt  }
0x3f: {  	_ =	shalt  }
0x40: {  	_ =	shalt  }
0x41: {  	_ =	shalt  }
0x42: {  	_ =	shalt  }
0x43: {  	_ =	shalt  }
0x44: {  	_ =	shalt  }
0x45: {  	_ =	shalt  }
0x46: {  	_ =	shalt  }
0x47: {  	_ =	shalt  }
0x48: {  	_ =	shalt  }
0x49: {  	_ =	shalt  }
0x4a: {  	_ =	shalt  }
0x4b: {  	_ =	shalt  }
0x4c: {  	_ =	shalt  }
0x4d: {  	_ =	shalt  }
0x4e: {  	_ =	shalt  }
0x4f: {  	_ =	shalt  }
0x50: {  	_ =	shalt  }
0x51: {  	_ =	shalt  }
0x52: {  	_ =	shalt  }
0x53: {  	_ =	shalt  }
0x54: {  	_ =	shalt  }
0x55: {  	_ =	shalt  }
0x56: {  	_ =	shalt  }
0x57: {  	_ =	shalt  }
0x58: {  	_ =	shalt  }
0x59: {  	_ =	shalt  }
0x5a: {  	_ =	shalt  }
0x5b: {  	_ =	shalt  }
0x5c: {  	_ =	shalt  }
0x5d: {  	_ =	shalt  }
0x5e: {  	_ =	shalt  }
0x5f: {  	_ =	shalt  }
0x60: {  	_ =	shalt  }
0x61: {  	_ =	shalt  }
0x62: {  	_ =	shalt  }
0x63: {  	_ =	shalt  }
0x64: {  	_ =	shalt  }
0x65: {  	_ =	shalt  }
0x66: {  	_ =	shalt  }
0x67: {  	_ =	shalt  }
0x68: {  	_ =	shalt  }
0x69: {  	_ =	shalt  }
0x6a: {  	_ =	shalt  }
0x6b: {  	_ =	shalt  }
0x6c: {  	_ =	shalt  }
0x6d: {  	_ =	shalt  }
0x6e: {  	_ =	shalt  }
0x6f: {  	_ =	shalt  }
0x70: {  	_ =	shalt  }
0x71: {  	_ =	shalt  }
0x72: {  	_ =	shalt  }
0x73: {  	_ =	shalt  }
0x74: {  	_ =	shalt  }
0x75: {  	_ =	shalt  }
0x76: {  	_ =	shalt  }
0x77: {  	_ =	shalt  }
0x78: {  	_ =	shalt  }
0x79: {  	_ =	shalt  }
0x7a: {  	_ =	shalt  }
0x7b: {  	_ =	shalt  }
0x7c: {  	_ =	shalt  }
0x7d: {  	_ =	shalt  }
0x7e: {  	_ =	shalt  }
0x7f: {  	_ =	shalt  }
0x80: {  	_ =	shalt  }
0x81: {  	_ =	shalt  }
0x82: {  	_ =	shalt  }
0x83: {  	_ =	shalt  }
0x84: {  	_ =	shalt  }
0x85: {  	_ =	shalt  }
0x86: {  	_ =	shalt  }
0x87: {  	_ =	shalt  }
.Lfunc_end0:
.L_simem_size_0:
called_computation_lowered:
.L_overlay_start_0:
0x88: {  	s2 =	sld [smem:$0x3FD9]  }
0x89: {  	s3 =	sld [smem:$0x3FFE];
	_ =	sdelay $0x1  }
0x8a: {  	s1 =	srdreg.scid  }
0x8b: {  	s0 =	sand.u32 $0x1, s1  }
0x8c: {  	s18 =	sshll.u32 s0, $0xA;
	s2 =	sadd.s32 s3, s2  }
0x8d: {  	s2 =	sadd.s32 s2, s18  }
0x8e: {  	[smem:$0x3FC6] =	sst s2  }
0x8f: {  	_ = 	snop  }
0x90: {  	s2 =	sld [smem:$0x3FC9]  }
0x91: {  	s19 =	sld [smem:$0x3FC8]  }
0x92: {  	s4 =	sld [smem:$0x3FD0];
	(tm) =	ssettm $0x1  }
0x93: {  	s5 =	sld [smem:$0x3FFB];
	_ =	sdelay $0x3  }
0x94: {  	_ =	strace s5  }
0x95: {  	s5 =	sld [smem:$0x3FFC];
	_ =	sdelay $0x3  }
0x96: {  	_ =	strace s5  }
0x97: {  	s5 =	sld [smem:$0x3FFD];
	_ =	sdelay $0x3  }
0x98: {  	_ =	strace s5  }
0x99: {  	_ =	strace $0x8FFFFFFF  }
0x9a: {  	s20 =	sld [smem:$0x3FDB];
	_ =	sdelay $0x1  }
0x9b: {  	s6 =	simm.s32 $_scs_section_size  }
0x9c: {  	s7 =	simm.s32 $_size__tile_overlayer_lowered;
	s8 =	simm.s32 $_tile_overlayer_lowered  }
0x9d: {  	s23 =	simm.s32 $0x1BFF;
	s22 =	sshll.u32 s8, $0x1;
	s5 =	sadd.s32 s6, s20  }
0x9e: {  	s9 =	simm.s32 $0x0;
	s21 =	sshll.u32 s7, $0x1;
	s7 =	sadd.s32 s22, s5  }
0x9f: {  	[timem:s9], [sflag:s23] =	dma.local [hbm:s7], s21  }
0xa0: {  	_ =	swait.ge [sflag:s23], s21  }
0xa1: {  	s6 =	ssub.s32 $0x0, s21;
	[sflag:s23] =	ssyncset.done $0x0  }
0xa2: {  	[sflag:s23] =	ssyncadd.s32 s6;
	_ =	sdelay $0x1  }
0xa3: {  	s24 =	simm.s32 $0x1B8B  }
0xa4: {  	_ =	swait.ge [sflag:s24], $0x1  }
0xa5: {  	[sflag:s24] =	ssyncset.done $0x0  }
0xa6: {  	s25 =	simm.s32 $0x1B8E;
	[sflag:s24] =	ssyncadd.s32 $0xFFFFFFFF  }
0xa7: {  	s26 =	simm.s32 $execute0_lowered;
	[smem:$0x3FD2] =	sst s25  }
0xa8: {  	s6 =	sshll.u32 s26, $0x1;
	_ =	strace $0x80000046;
	[dreg:$0x1] =	wrdreg $0xFFFFFFFF  }
0xa9: {  	s28 =	simm.s32 $_size_execute0_lowered;
	s5 =	sadd.s32 s5, s6;
	[dreg:$0x0] =	wrdreg $0x0  }
0xaa: {  	s6 =	sshll.u32 s28, $0x1;
	[dreg:$0x2] =	wrdreg s5  }
0xab: {  	[dreg:$0x3] =	wrdreg s6  }
0xac: {  	[dreg:$0x4] =	wrdreg $0xC0  }
0xad: {  	_ =	task [dreg:s9], $0x5FFFF  }
0xae: {  	[dreg:$0x1] =	wrdreg $0xFFFFFFFF  }
0xaf: {  	[dreg:$0x0] =	wrdreg $0x60  }
0xb0: {  	[dreg:$0x2] =	wrdreg s2  }
0xb1: {  	[dreg:$0x3] =	wrdreg s19  }
0xb2: {  	[dreg:$0x4] =	wrdreg s4  }
0xb3: {  	[dreg:$0x5] =	wrdreg $0x9  }
0xb4: {  	_ =	task.clear_ibuf [dreg:s9], $0x6FFFF;
	_ =	strace $0x90000046  }
0xb5: {  	s29 =	simm.s32 $0x9;
	_ =	strace $0x80000048  }
0xb6: {  	_ =	swait.ge [sflag:s29], $0x1  }
0xb7: {  	[sflag:s29] =	ssyncadd.s32 $0xFFFFFFFF  }
0xb8: {  	_ =	strace $0x90000048  }
0xb9: {  	_ =	sfence  }
0xba: {  	s30 =	sld [smem:$0x0];
	_ =	sdelay $0x2  }
0xbb: {  	s31 =	sshll.u32 s1, $0xD;
	s1 =	sshrl.u32 s1, $0x2  }
0xbc: {  	s3 =	sand.u32 $0x4000, s31;
	s1 =	sadd.s32 s1, s30  }
0xbd: {  	s0 =	sor.u32 s3, s0;
	s1 =	sshll.u32 s1, $0x11  }
0xbe: {  	s0 =	sor.u32 s1, s0  }
0xbf: {  	s0 =	sadd.s32 $0x8F2B, s0  }
0xc0: {  	[sflag:s0] =	ssyncadd.remote.s32 $0x1  }
0xc1: {  	_ =	sfence.sel $0xFFFF  }
0xc2: {  	[dreg:$0x0] =	wrdreg $0xFFFFFFFF;
	(pc) =	sbr.abs _section_cstart, $3  }
0xc3: {  	[dreg:$0x1] =	wrdreg $0xFFFFFFFF  }
0xc4: {  	_ =	task.clear_ibuf [dreg:s9], $0x2FFFF;
	_ =	strace $0x9FFFFFFF  }
0xc5: {  	(tm) =	ssettm $0x7FFFFFFF  }
tec
execute0_lowered:
.L_overlay_start_1:
0x0: {  	(tag) =	ssettag $0x1  }
0x1: {  	s1 =	rddreg [dreg:$0x0]  }
0x2: {  	s3 =	rddreg [dreg:$0x1]  }
0x3: {  	s4 =	rddreg [dreg:$0x2];
	s5 =	srdreg.scid  }
0x4: {  	s0 =	rddreg [dreg:$0x3];
	s2 =	stileid.u32;
	s11 =	simm.s32 $0x80  }
0x5: {  	s12 =	simm.s32 $0x400;
	s13 =	simm.s32 $0x2;
	s14 =	simm.s32 $0x1  }
0x6: {  	s15 =	simm.s32 $0x0;
	s6 =	sand.u32 $0x1, s5;
	s5 =	simm.s32 $0x0  }
0x7: {  	s8 =	sshll.u32 s2, $0x1;
	s7 =	ssub.s32 $0x2, s6;
	[smem:$0x7FF] =	sst s5  }
0x8: {  	s6 =	sor.u32 s6, s8;
	s8 =	sadd.s32 $0x2000, s4;
	s9 =	sshrl.u32 s7, $0x1  }
0x9: {  	_ =	strace $0x80000047;
	s6 =	smul.u32 $0xD, s6;
	s10 =	ssub.s32 s7, s9  }
0xa: {  	s7 =	sadd.s32 $0x1000, s4;
	s9 =	sadd.s32 $0x3000, s4;
	s10 =	smax.u32 s10, $0x1  }
.LBB2_1:
0xb: {  	s16 =	simm.s32 $0x0  }
.LBB2_2:
0xc: {  	s17 =	sadd.s32 s6, s16  }
0xd: {  	s19 =	sshrl.u32 s17, $0x4;
	s18 =	sshll.u32 s17, $0x1C  }
0xe: {  	s20 =	smul.u32 $0x187000, s19;
	s18 =	sshra.s32 s18, $0x1F  }
0xf: {  	s21 =	sshll.u32 s17, $0x7;
	s18 =	sand.u32 $0xC3800, s18  }
0x10: {  	s20 =	sadd.s32 s20, s18;
	s18 =	sand.u32 $0x380, s21  }
0x11: {  	s20 =	sor.u32 s18, s20  }
0x12: {  	s20 =	sshrl.u32 s20, $0x3  }
0x13: {  	s20 =	sadd.s32 s3, s20  }
0x14: {  	[tilespmem:s5], [sflag:$0x2] =	stream.strided.gather [hbm4b:s20+s11], $0x18700, s12, s11, $0x38;
	[tilespmem:$0x1E700] =	vst v63  }
0x15: {  	p0 =	seq.s32 s16, $0x0;
	s20 =	sand.u32 $0xF, s17  }
0x16: {  	p1 =	sne.s32 @!p0 s20, $0x0;
	_ =	swait.ge [sflag:s13], $0x18700  }
0x17: {  	p1 =	por p0, !p1;
	[sflag:s13] =	ssyncset.done $0x0  }
0x18: {  	s19 =	sshll.u32 @p1 s19, $0xB;
	s20 =	sand.u32 @p1 $0x70, s17;
	[sflag:s13] =	ssyncadd.s32 $0xFFFE7900  }
0x19: {  	s21 =	simm.s32 @p1 $0x400;
	s19 =	sand.u32 @p1 $0xFFFC000, s19;
	s20 =	sadd.s32 @p1 s1, s20  }
0x1a: {  	s22 =	simm.s32 @p1 $0x18700;
	s19 =	sadd.s32 @p1 s19, s20;
	s20 =	simm.s32 @p1 $0x80  }
0x1b: {  	[tilespmem:s22], [sflag:$0x2] =	stream.strided.gather @p1 [hbm4b:s19+s20], $0x4000, s21, s20, $0x38;
	[tilespmem:$0x1E700] =	vst v63  }
0x1c: {  	s19 =	simm.s32 @p1 $0x2  }
0x1d: {  	_ =	swait.ge @p1 [sflag:s19], $0x4000  }
0x1e: {  	p2 =	seq.s32 @p1 s16, $0x0;
	[sflag:s19] =	ssyncset.done @p1 $0x0  }
0x1f: {  	p2 =	por !p1, !p2;
	[sflag:s19] =	ssyncadd.s32 @p1 $0xFFFFC000  }
0x20: {  	_ =	swait.ge @p2 [sflag:s14], $0x1000  }
0x21: {  	[sflag:s14] =	ssyncset.done @p2 $0x0  }
0x22: {  	s20 =	simm.s32 $0x18800;
	s19 =	simm.s32 $0x0;
	[sflag:s14] =	ssyncadd.s32 @p2 $0xFFFFF000  }
.LBB2_3:
0x23: {  	v0 =	vld [tilespmem:s20+$0xFFFFFF00];
	_ =	sdelay $0x7  }
0x24: {  	v0 =	vld.idx.msk [tilespmem:v0+s5+$0x0], $0xffff;
	_ =	sdelay $0x3  }
0x25: {  	s21 =	sshra.s32 s19, $0x2  }
0x26: {  	[tilespmem:s21+$0x1C700] =	vst v0  }
0x27: {  	v0 =	vld [tilespmem:s20+$0xFFFFFF10];
	_ =	sdelay $0x7  }
0x28: {  	v0 =	vld.idx.msk [tilespmem:v0+s5+$0x0], $0xffff;
	_ =	sdelay $0x4  }
0x29: {  	[tilespmem:s21+$0x1C710] =	vst v0  }
0x2a: {  	v0 =	vld [tilespmem:s20+$0xFFFFFF20];
	_ =	sdelay $0x7  }
0x2b: {  	v0 =	vld.idx.msk [tilespmem:v0+s5+$0x0], $0xffff;
	_ =	sdelay $0x4  }
0x2c: {  	[tilespmem:s21+$0x1C720] =	vst v0  }
0x2d: {  	v0 =	vld [tilespmem:s20+$0xFFFFFF30];
	_ =	sdelay $0x7  }
0x2e: {  	v0 =	vld.idx.msk [tilespmem:v0+s5+$0x0], $0xffff;
	_ =	sdelay $0x4  }
0x2f: {  	[tilespmem:s21+$0x1C730] =	vst v0  }
0x30: {  	v0 =	vld [tilespmem:s20+$0xFFFFFF40];
	_ =	sdelay $0x7  }
0x31: {  	v0 =	vld.idx.msk [tilespmem:v0+s5+$0x0], $0xffff;
	_ =	sdelay $0x4  }
0x32: {  	[tilespmem:s21+$0x1C740] =	vst v0  }
0x33: {  	v0 =	vld [tilespmem:s20+$0xFFFFFF50];
	_ =	sdelay $0x7  }
0x34: {  	v0 =	vld.idx.msk [tilespmem:v0+s5+$0x0], $0xffff;
	_ =	sdelay $0x4  }
0x35: {  	[tilespmem:s21+$0x1C750] =	vst v0  }
0x36: {  	v0 =	vld [tilespmem:s20+$0xFFFFFF60];
	_ =	sdelay $0x7  }
0x37: {  	v0 =	vld.idx.msk [tilespmem:v0+s5+$0x0], $0xffff;
	_ =	sdelay $0x4  }
0x38: {  	[tilespmem:s21+$0x1C760] =	vst v0  }
0x39: {  	v0 =	vld [tilespmem:s20+$0xFFFFFF70];
	_ =	sdelay $0x7  }
0x3a: {  	v0 =	vld.idx.msk [tilespmem:v0+s5+$0x0], $0xffff;
	_ =	sdelay $0x4  }
0x3b: {  	[tilespmem:s21+$0x1C770] =	vst v0  }
0x3c: {  	v0 =	vld [tilespmem:s20+$0xFFFFFF80];
	_ =	sdelay $0x7  }
0x3d: {  	v0 =	vld.idx.msk [tilespmem:v0+s5+$0x0], $0xffff;
	_ =	sdelay $0x4  }
0x3e: {  	[tilespmem:s21+$0x1C800] =	vst v0  }
0x3f: {  	v0 =	vld [tilespmem:s20+$0xFFFFFF90];
	_ =	sdelay $0x7  }
0x40: {  	v0 =	vld.idx.msk [tilespmem:v0+s5+$0x0], $0xffff;
	_ =	sdelay $0x4  }
0x41: {  	[tilespmem:s21+$0x1C810] =	vst v0  }
0x42: {  	v0 =	vld [tilespmem:s20+$0xFFFFFFA0];
	_ =	sdelay $0x7  }
0x43: {  	v0 =	vld.idx.msk [tilespmem:v0+s5+$0x0], $0xffff;
	_ =	sdelay $0x4  }
0x44: {  	[tilespmem:s21+$0x1C820] =	vst v0  }
0x45: {  	v0 =	vld [tilespmem:s20+$0xFFFFFFB0];
	_ =	sdelay $0x7  }
0x46: {  	v0 =	vld.idx.msk [tilespmem:v0+s5+$0x0], $0xffff;
	_ =	sdelay $0x4  }
0x47: {  	[tilespmem:s21+$0x1C830] =	vst v0  }
0x48: {  	v0 =	vld [tilespmem:s20+$0xFFFFFFC0];
	_ =	sdelay $0x7  }
0x49: {  	v0 =	vld.idx.msk [tilespmem:v0+s5+$0x0], $0xffff;
	_ =	sdelay $0x4  }
0x4a: {  	[tilespmem:s21+$0x1C840] =	vst v0  }
0x4b: {  	v0 =	vld [tilespmem:s20+$0xFFFFFFD0];
	_ =	sdelay $0x7  }
0x4c: {  	v0 =	vld.idx.msk [tilespmem:v0+s5+$0x0], $0xffff;
	_ =	sdelay $0x4  }
0x4d: {  	[tilespmem:s21+$0x1C850] =	vst v0  }
0x4e: {  	v0 =	vld [tilespmem:s20+$0xFFFFFFE0];
	_ =	sdelay $0x7  }
0x4f: {  	v0 =	vld.idx.msk [tilespmem:v0+s5+$0x0], $0xffff;
	_ =	sdelay $0x4  }
0x50: {  	[tilespmem:s21+$0x1C860] =	vst v0  }
0x51: {  	v0 =	vld [tilespmem:s20+$0xFFFFFFF0];
	_ =	sdelay $0x7  }
0x52: {  	v0 =	vld.idx.msk [tilespmem:v0+s5+$0x0], $0xffff;
	_ =	sdelay $0x4  }
0x53: {  	[tilespmem:s21+$0x1C870] =	vst v0  }
0x54: {  	v0 =	vld [tilespmem:s20+$0x0];
	_ =	sdelay $0x7  }
0x55: {  	v0 =	vld.idx.msk [tilespmem:v0+s5+$0x0], $0xffff;
	_ =	sdelay $0x4  }
0x56: {  	[tilespmem:s21+$0x1C900] =	vst v0  }
0x57: {  	v0 =	vld [tilespmem:s20+$0x10];
	_ =	sdelay $0x7  }
0x58: {  	v0 =	vld.idx.msk [tilespmem:v0+s5+$0x0], $0xffff;
	_ =	sdelay $0x4  }
0x59: {  	[tilespmem:s21+$0x1C910] =	vst v0  }
0x5a: {  	v0 =	vld [tilespmem:s20+$0x20];
	_ =	sdelay $0x7  }
0x5b: {  	v0 =	vld.idx.msk [tilespmem:v0+s5+$0x0], $0xffff;
	_ =	sdelay $0x4  }
0x5c: {  	[tilespmem:s21+$0x1C920] =	vst v0  }
0x5d: {  	v0 =	vld [tilespmem:s20+$0x30];
	_ =	sdelay $0x7  }
0x5e: {  	v0 =	vld.idx.msk [tilespmem:v0+s5+$0x0], $0xffff;
	_ =	sdelay $0x4  }
0x5f: {  	[tilespmem:s21+$0x1C930] =	vst v0  }
0x60: {  	v0 =	vld [tilespmem:s20+$0x40];
	_ =	sdelay $0x7  }
0x61: {  	v0 =	vld.idx.msk [tilespmem:v0+s5+$0x0], $0xffff;
	_ =	sdelay $0x4  }
0x62: {  	[tilespmem:s21+$0x1C940] =	vst v0  }
0x63: {  	v0 =	vld [tilespmem:s20+$0x50];
	_ =	sdelay $0x7  }
0x64: {  	v0 =	vld.idx.msk [tilespmem:v0+s5+$0x0], $0xffff;
	_ =	sdelay $0x4  }
0x65: {  	[tilespmem:s21+$0x1C950] =	vst v0  }
0x66: {  	v0 =	vld [tilespmem:s20+$0x60];
	_ =	sdelay $0x7  }
0x67: {  	v0 =	vld.idx.msk [tilespmem:v0+s5+$0x0], $0xffff;
	_ =	sdelay $0x4  }
0x68: {  	[tilespmem:s21+$0x1C960] =	vst v0  }
0x69: {  	v0 =	vld [tilespmem:s20+$0x70];
	_ =	sdelay $0x7  }
0x6a: {  	v0 =	vld.idx.msk [tilespmem:v0+s5+$0x0], $0xffff;
	_ =	sdelay $0x4  }
0x6b: {  	[tilespmem:s21+$0x1C970] =	vst v0  }
0x6c: {  	v0 =	vld [tilespmem:s20+$0x80];
	_ =	sdelay $0x7  }
0x6d: {  	v0 =	vld.idx.msk [tilespmem:v0+s5+$0x0], $0xffff;
	_ =	sdelay $0x4  }
0x6e: {  	[tilespmem:s21+$0x1CA00] =	vst v0  }
0x6f: {  	v0 =	vld [tilespmem:s20+$0x90];
	_ =	sdelay $0x7  }
0x70: {  	v0 =	vld.idx.msk [tilespmem:v0+s5+$0x0], $0xffff;
	_ =	sdelay $0x4  }
0x71: {  	[tilespmem:s21+$0x1CA10] =	vst v0  }
0x72: {  	v0 =	vld [tilespmem:s20+$0xA0];
	_ =	sdelay $0x7  }
0x73: {  	v0 =	vld.idx.msk [tilespmem:v0+s5+$0x0], $0xffff;
	_ =	sdelay $0x4  }
0x74: {  	[tilespmem:s21+$0x1CA20] =	vst v0  }
0x75: {  	v0 =	vld [tilespmem:s20+$0xB0];
	_ =	sdelay $0x7  }
0x76: {  	v0 =	vld.idx.msk [tilespmem:v0+s5+$0x0], $0xffff;
	_ =	sdelay $0x4  }
0x77: {  	[tilespmem:s21+$0x1CA30] =	vst v0  }
0x78: {  	v0 =	vld [tilespmem:s20+$0xC0];
	_ =	sdelay $0x7  }
0x79: {  	v0 =	vld.idx.msk [tilespmem:v0+s5+$0x0], $0xffff;
	_ =	sdelay $0x4  }
0x7a: {  	[tilespmem:s21+$0x1CA40] =	vst v0  }
0x7b: {  	v0 =	vld [tilespmem:s20+$0xD0];
	_ =	sdelay $0x7  }
0x7c: {  	v0 =	vld.idx.msk [tilespmem:v0+s5+$0x0], $0xffff;
	_ =	sdelay $0x4  }
0x7d: {  	[tilespmem:s21+$0x1CA50] =	vst v0  }
0x7e: {  	v0 =	vld [tilespmem:s20+$0xE0];
	_ =	sdelay $0x7  }
0x7f: {  	v0 =	vld.idx.msk [tilespmem:v0+s5+$0x0], $0xffff;
	_ =	sdelay $0x4  }
0x80: {  	[tilespmem:s21+$0x1CA60] =	vst v0  }
0x81: {  	v0 =	vld [tilespmem:s20+$0xF0];
	_ =	sdelay $0x7  }
0x82: {  	p1 =	sne.s32 s19, $0x7000;
	v0 =	vld.idx.msk [tilespmem:v0+s5+$0x0], $0xffff  }
.Ltmp0:
0x83: {  	_ = 	snop;
	(pc) =	sbr.rel @p1 .LBB2_3-.Ltmp0, $2  }
0x84: {  	_ =	sdelay $0x2  }
0x85: {  	s19 =	sadd.s32 $0x1000, s19;
	s20 =	sadd.s32 $0x200, s20;
	[tilespmem:s21+$0x1CA70] =	vst v0  }
0x86: {  	s17 =	sshll.u32 s17, $0xE  }
0x87: {  	s17 =	sand.u32 $0x7FFE0000, s17  }
0x88: {  	s17 =	sor.u32 s18, s17  }
0x89: {  	s17 =	sshrl.u32 s17, $0x3  }
0x8a: {  	s19 =	simm.s32 $0x1C700;
	s18 =	sadd.s32 s4, s17  }
0x8b: {  	s20 =	simm.s32 $0x80;
	s21 =	simm.s32 $0x1C800;
	s22 =	sadd.s32 $0x0, s18  }
.LBB2_5:
0x8c: {  	[hbm4b:s22+s5] =	stream.linear.scatter [tilespmem:s19], [sflag:$0x1], $0x80, $0x38;
	[tilespmem:$0x1E700] =	vst v63  }
0x8d: {  	s22 =	smov.u32 s20;
	s19 =	smov.u32 s21;
	p1 =	sne.s32 s20, $0xF80  }
.Ltmp1:
0x8e: {  	s20 =	sadd.s32 $0x80, s20;
	(pc) =	sbr.rel @p1 .LBB2_5-.Ltmp1, $2  }
0x8f: {  	_ =	sdelay $0x2  }
0x90: {  	s21 =	sadd.s32 $0x100, s21;
	s22 =	sadd.s32 s22, s18  }
0x91: {  	[hbm4b:s22+s5] =	stream.linear.scatter [tilespmem:s19], [sflag:$0x1], $0x80, $0x38;
	[tilespmem:$0x1E700] =	vst v63  }
0x92: {  	s18 =	simm.s32 @!p0 $0x1  }
0x93: {  	_ =	swait.ge @!p0 [sflag:s18], $0x1000  }
0x94: {  	[sflag:s18] =	ssyncset.done @!p0 $0x0  }
0x95: {  	s19 =	simm.s32 $0x198F0;
	[sflag:s18] =	ssyncadd.s32 @!p0 $0xFFFFF000;
	s18 =	simm.s32 $0x0  }
.LBB2_7:
0x96: {  	v0 =	vld [tilespmem:s19+$0xFFFFFE10];
	_ =	sdelay $0x7  }
0x97: {  	v0 =	vld.idx.msk [tilespmem:v0+s5+$0x0], $0xffff;
	_ =	sdelay $0x3  }
0x98: {  	s20 =	sshra.s32 s18, $0x2  }
0x99: {  	[tilespmem:s20+$0x1C780] =	vst v0  }
0x9a: {  	v0 =	vld [tilespmem:s19+$0xFFFFFE20];
	_ =	sdelay $0x7  }
0x9b: {  	v0 =	vld.idx.msk [tilespmem:v0+s5+$0x0], $0xffff;
	_ =	sdelay $0x4  }
0x9c: {  	[tilespmem:s20+$0x1C790] =	vst v0  }
0x9d: {  	v0 =	vld [tilespmem:s19+$0xFFFFFE30];
	_ =	sdelay $0x7  }
0x9e: {  	v0 =	vld.idx.msk [tilespmem:v0+s5+$0x0], $0xffff;
	_ =	sdelay $0x4  }
0x9f: {  	[tilespmem:s20+$0x1C7A0] =	vst v0  }
0xa0: {  	v0 =	vld [tilespmem:s19+$0xFFFFFE40];
	_ =	sdelay $0x7  }
0xa1: {  	v0 =	vld.idx.msk [tilespmem:v0+s5+$0x0], $0xffff;
	_ =	sdelay $0x4  }
0xa2: {  	[tilespmem:s20+$0x1C7B0] =	vst v0  }
0xa3: {  	v0 =	vld [tilespmem:s19+$0xFFFFFE50];
	_ =	sdelay $0x7  }
0xa4: {  	v0 =	vld.idx.msk [tilespmem:v0+s5+$0x0], $0xffff;
	_ =	sdelay $0x4  }
0xa5: {  	[tilespmem:s20+$0x1C7C0] =	vst v0  }
0xa6: {  	v0 =	vld [tilespmem:s19+$0xFFFFFE60];
	_ =	sdelay $0x7  }
0xa7: {  	v0 =	vld.idx.msk [tilespmem:v0+s5+$0x0], $0xffff;
	_ =	sdelay $0x4  }
0xa8: {  	[tilespmem:s20+$0x1C7D0] =	vst v0  }
0xa9: {  	v0 =	vld [tilespmem:s19+$0xFFFFFE70];
	_ =	sdelay $0x7  }
0xaa: {  	v0 =	vld.idx.msk [tilespmem:v0+s5+$0x0], $0xffff;
	_ =	sdelay $0x4  }
0xab: {  	[tilespmem:s20+$0x1C7E0] =	vst v0  }
0xac: {  	v0 =	vld [tilespmem:s19+$0xFFFFFE80];
	_ =	sdelay $0x7  }
0xad: {  	v0 =	vld.idx.msk [tilespmem:v0+s5+$0x0], $0xffff;
	_ =	sdelay $0x4  }
0xae: {  	[tilespmem:s20+$0x1C7F0] =	vst v0  }
0xaf: {  	v0 =	vld [tilespmem:s19+$0xFFFFFE90];
	_ =	sdelay $0x7  }
0xb0: {  	v0 =	vld.idx.msk [tilespmem:v0+s5+$0x0], $0xffff;
	_ =	sdelay $0x4  }
0xb1: {  	[tilespmem:s20+$0x1C880] =	vst v0  }
0xb2: {  	v0 =	vld [tilespmem:s19+$0xFFFFFEA0];
	_ =	sdelay $0x7  }
0xb3: {  	v0 =	vld.idx.msk [tilespmem:v0+s5+$0x0], $0xffff;
	_ =	sdelay $0x4  }
0xb4: {  	[tilespmem:s20+$0x1C890] =	vst v0  }
0xb5: {  	v0 =	vld [tilespmem:s19+$0xFFFFFEB0];
	_ =	sdelay $0x7  }
0xb6: {  	v0 =	vld.idx.msk [tilespmem:v0+s5+$0x0], $0xffff;
	_ =	sdelay $0x4  }
0xb7: {  	[tilespmem:s20+$0x1C8A0] =	vst v0  }
0xb8: {  	v0 =	vld [tilespmem:s19+$0xFFFFFEC0];
	_ =	sdelay $0x7  }
0xb9: {  	v0 =	vld.idx.msk [tilespmem:v0+s5+$0x0], $0xffff;
	_ =	sdelay $0x4  }
0xba: {  	[tilespmem:s20+$0x1C8B0] =	vst v0  }
0xbb: {  	v0 =	vld [tilespmem:s19+$0xFFFFFED0];
	_ =	sdelay $0x7  }
0xbc: {  	v0 =	vld.idx.msk [tilespmem:v0+s5+$0x0], $0xffff;
	_ =	sdelay $0x4  }
0xbd: {  	[tilespmem:s20+$0x1C8C0] =	vst v0  }
0xbe: {  	v0 =	vld [tilespmem:s19+$0xFFFFFEE0];
	_ =	sdelay $0x7  }
0xbf: {  	v0 =	vld.idx.msk [tilespmem:v0+s5+$0x0], $0xffff;
	_ =	sdelay $0x4  }
0xc0: {  	[tilespmem:s20+$0x1C8D0] =	vst v0  }
0xc1: {  	v0 =	vld [tilespmem:s19+$0xFFFFFEF0];
	_ =	sdelay $0x7  }
0xc2: {  	v0 =	vld.idx.msk [tilespmem:v0+s5+$0x0], $0xffff;
	_ =	sdelay $0x4  }
0xc3: {  	[tilespmem:s20+$0x1C8E0] =	vst v0  }
0xc4: {  	v0 =	vld [tilespmem:s19+$0xFFFFFF00];
	_ =	sdelay $0x7  }
0xc5: {  	v0 =	vld.idx.msk [tilespmem:v0+s5+$0x0], $0xffff;
	_ =	sdelay $0x4  }
0xc6: {  	[tilespmem:s20+$0x1C8F0] =	vst v0  }
0xc7: {  	v0 =	vld [tilespmem:s19+$0xFFFFFF10];
	_ =	sdelay $0x7  }
0xc8: {  	v0 =	vld.idx.msk [tilespmem:v0+s5+$0x0], $0xffff;
	_ =	sdelay $0x4  }
0xc9: {  	[tilespmem:s20+$0x1C980] =	vst v0  }
0xca: {  	v0 =	vld [tilespmem:s19+$0xFFFFFF20];
	_ =	sdelay $0x7  }
0xcb: {  	v0 =	vld.idx.msk [tilespmem:v0+s5+$0x0], $0xffff;
	_ =	sdelay $0x4  }
0xcc: {  	[tilespmem:s20+$0x1C990] =	vst v0  }
0xcd: {  	v0 =	vld [tilespmem:s19+$0xFFFFFF30];
	_ =	sdelay $0x7  }
0xce: {  	v0 =	vld.idx.msk [tilespmem:v0+s5+$0x0], $0xffff;
	_ =	sdelay $0x4  }
0xcf: {  	[tilespmem:s20+$0x1C9A0] =	vst v0  }
0xd0: {  	v0 =	vld [tilespmem:s19+$0xFFFFFF40];
	_ =	sdelay $0x7  }
0xd1: {  	v0 =	vld.idx.msk [tilespmem:v0+s5+$0x0], $0xffff;
	_ =	sdelay $0x4  }
0xd2: {  	[tilespmem:s20+$0x1C9B0] =	vst v0  }
0xd3: {  	v0 =	vld [tilespmem:s19+$0xFFFFFF50];
	_ =	sdelay $0x7  }
0xd4: {  	v0 =	vld.idx.msk [tilespmem:v0+s5+$0x0], $0xffff;
	_ =	sdelay $0x4  }
0xd5: {  	[tilespmem:s20+$0x1C9C0] =	vst v0  }
0xd6: {  	v0 =	vld [tilespmem:s19+$0xFFFFFF60];
	_ =	sdelay $0x7  }
0xd7: {  	v0 =	vld.idx.msk [tilespmem:v0+s5+$0x0], $0xffff;
	_ =	sdelay $0x4  }
0xd8: {  	[tilespmem:s20+$0x1C9D0] =	vst v0  }
0xd9: {  	v0 =	vld [tilespmem:s19+$0xFFFFFF70];
	_ =	sdelay $0x7  }
0xda: {  	v0 =	vld.idx.msk [tilespmem:v0+s5+$0x0], $0xffff;
	_ =	sdelay $0x4  }
0xdb: {  	[tilespmem:s20+$0x1C9E0] =	vst v0  }
0xdc: {  	v0 =	vld [tilespmem:s19+$0xFFFFFF80];
	_ =	sdelay $0x7  }
0xdd: {  	v0 =	vld.idx.msk [tilespmem:v0+s5+$0x0], $0xffff;
	_ =	sdelay $0x4  }
0xde: {  	[tilespmem:s20+$0x1C9F0] =	vst v0  }
0xdf: {  	v0 =	vld [tilespmem:s19+$0xFFFFFF90];
	_ =	sdelay $0x7  }
0xe0: {  	v0 =	vld.idx.msk [tilespmem:v0+s5+$0x0], $0xffff;
	_ =	sdelay $0x4  }
0xe1: {  	[tilespmem:s20+$0x1CA80] =	vst v0  }
0xe2: {  	v0 =	vld [tilespmem:s19+$0xFFFFFFA0];
	_ =	sdelay $0x7  }
0xe3: {  	v0 =	vld.idx.msk [tilespmem:v0+s5+$0x0], $0xffff;
	_ =	sdelay $0x4  }
0xe4: {  	[tilespmem:s20+$0x1CA90] =	vst v0  }
0xe5: {  	v0 =	vld [tilespmem:s19+$0xFFFFFFB0];
	_ =	sdelay $0x7  }
0xe6: {  	v0 =	vld.idx.msk [tilespmem:v0+s5+$0x0], $0xffff;
	_ =	sdelay $0x4  }
0xe7: {  	[tilespmem:s20+$0x1CAA0] =	vst v0  }
0xe8: {  	v0 =	vld [tilespmem:s19+$0xFFFFFFC0];
	_ =	sdelay $0x7  }
0xe9: {  	v0 =	vld.idx.msk [tilespmem:v0+s5+$0x0], $0xffff;
	_ =	sdelay $0x4  }
0xea: {  	[tilespmem:s20+$0x1CAB0] =	vst v0  }
0xeb: {  	v0 =	vld [tilespmem:s19+$0xFFFFFFD0];
	_ =	sdelay $0x7  }
0xec: {  	v0 =	vld.idx.msk [tilespmem:v0+s5+$0x0], $0xffff;
	_ =	sdelay $0x4  }
0xed: {  	[tilespmem:s20+$0x1CAC0] =	vst v0  }
0xee: {  	v0 =	vld [tilespmem:s19+$0xFFFFFFE0];
	_ =	sdelay $0x7  }
0xef: {  	v0 =	vld.idx.msk [tilespmem:v0+s5+$0x0], $0xffff;
	_ =	sdelay $0x4  }
0xf0: {  	[tilespmem:s20+$0x1CAD0] =	vst v0  }
0xf1: {  	v0 =	vld [tilespmem:s19+$0xFFFFFFF0];
	_ =	sdelay $0x7  }
0xf2: {  	v0 =	vld.idx.msk [tilespmem:v0+s5+$0x0], $0xffff;
	_ =	sdelay $0x4  }
0xf3: {  	[tilespmem:s20+$0x1CAE0] =	vst v0  }
0xf4: {  	v0 =	vld [tilespmem:s19+$0x0];
	_ =	sdelay $0x7  }
0xf5: {  	p0 =	sne.s32 s18, $0x7000;
	v0 =	vld.idx.msk [tilespmem:v0+s5+$0x0], $0xffff  }
.Ltmp2:
0xf6: {  	_ = 	snop;
	(pc) =	sbr.rel @p0 .LBB2_7-.Ltmp2, $2  }
0xf7: {  	_ =	sdelay $0x2  }
0xf8: {  	s18 =	sadd.s32 $0x1000, s18;
	s19 =	sadd.s32 $0x200, s19;
	[tilespmem:s20+$0x1CAF0] =	vst v0  }
0xf9: {  	s18 =	sadd.s32 s17, s7;
	s19 =	simm.s32 $0x1C780  }
0xfa: {  	s20 =	simm.s32 $0x80;
	s21 =	simm.s32 $0x1C880;
	s22 =	sadd.s32 $0x0, s18  }
.LBB2_9:
0xfb: {  	[hbm4b:s22+s5] =	stream.linear.scatter [tilespmem:s19], [sflag:$0x1], $0x80, $0x38;
	[tilespmem:$0x1E700] =	vst v63  }
0xfc: {  	s22 =	smov.u32 s20;
	s19 =	smov.u32 s21;
	p0 =	sne.s32 s20, $0xF80  }
.Ltmp3:
0xfd: {  	s20 =	sadd.s32 $0x80, s20;
	(pc) =	sbr.rel @p0 .LBB2_9-.Ltmp3, $2  }
0xfe: {  	_ =	sdelay $0x2  }
0xff: {  	s21 =	sadd.s32 $0x100, s21;
	s22 =	sadd.s32 s22, s18  }
0x100: {  	[hbm4b:s22+s5] =	stream.linear.scatter [tilespmem:s19], [sflag:$0x1], $0x80, $0x38;
	[tilespmem:$0x1E700] =	vst v63  }
0x101: {  	_ =	swait.ge [sflag:s14], $0x1000  }
0x102: {  	[sflag:s14] =	ssyncset.done $0x0  }
0x103: {  	s18 =	simm.s32 $0x0;
	s19 =	simm.s32 $0x1A8F0;
	[sflag:s14] =	ssyncadd.s32 $0xFFFFF000  }
.LBB2_11:
0x104: {  	v0 =	vld [tilespmem:s19+$0xFFFFFE10];
	_ =	sdelay $0x7  }
0x105: {  	v0 =	vld.idx.msk [tilespmem:v0+s5+$0x0], $0xffff;
	_ =	sdelay $0x3  }
0x106: {  	s20 =	sshra.s32 s18, $0x2  }
0x107: {  	[tilespmem:s20+$0x1C700] =	vst v0  }
0x108: {  	v0 =	vld [tilespmem:s19+$0xFFFFFE20];
	_ =	sdelay $0x7  }
0x109: {  	v0 =	vld.idx.msk [tilespmem:v0+s5+$0x0], $0xffff;
	_ =	sdelay $0x4  }
0x10a: {  	[tilespmem:s20+$0x1C710] =	vst v0  }
0x10b: {  	v0 =	vld [tilespmem:s19+$0xFFFFFE30];
	_ =	sdelay $0x7  }
0x10c: {  	v0 =	vld.idx.msk [tilespmem:v0+s5+$0x0], $0xffff;
	_ =	sdelay $0x4  }
0x10d: {  	[tilespmem:s20+$0x1C720] =	vst v0  }
0x10e: {  	v0 =	vld [tilespmem:s19+$0xFFFFFE40];
	_ =	sdelay $0x7  }
0x10f: {  	v0 =	vld.idx.msk [tilespmem:v0+s5+$0x0], $0xffff;
	_ =	sdelay $0x4  }
0x110: {  	[tilespmem:s20+$0x1C730] =	vst v0  }
0x111: {  	v0 =	vld [tilespmem:s19+$0xFFFFFE50];
	_ =	sdelay $0x7  }
0x112: {  	v0 =	vld.idx.msk [tilespmem:v0+s5+$0x0], $0xffff;
	_ =	sdelay $0x4  }
0x113: {  	[tilespmem:s20+$0x1C740] =	vst v0  }
0x114: {  	v0 =	vld [tilespmem:s19+$0xFFFFFE60];
	_ =	sdelay $0x7  }
0x115: {  	v0 =	vld.idx.msk [tilespmem:v0+s5+$0x0], $0xffff;
	_ =	sdelay $0x4  }
0x116: {  	[tilespmem:s20+$0x1C750] =	vst v0  }
0x117: {  	v0 =	vld [tilespmem:s19+$0xFFFFFE70];
	_ =	sdelay $0x7  }
0x118: {  	v0 =	vld.idx.msk [tilespmem:v0+s5+$0x0], $0xffff;
	_ =	sdelay $0x4  }
0x119: {  	[tilespmem:s20+$0x1C760] =	vst v0  }
0x11a: {  	v0 =	vld [tilespmem:s19+$0xFFFFFE80];
	_ =	sdelay $0x7  }
0x11b: {  	v0 =	vld.idx.msk [tilespmem:v0+s5+$0x0], $0xffff;
	_ =	sdelay $0x4  }
0x11c: {  	[tilespmem:s20+$0x1C770] =	vst v0  }
0x11d: {  	v0 =	vld [tilespmem:s19+$0xFFFFFE90];
	_ =	sdelay $0x7  }
0x11e: {  	v0 =	vld.idx.msk [tilespmem:v0+s5+$0x0], $0xffff;
	_ =	sdelay $0x4  }
0x11f: {  	[tilespmem:s20+$0x1C800] =	vst v0  }
0x120: {  	v0 =	vld [tilespmem:s19+$0xFFFFFEA0];
	_ =	sdelay $0x7  }
0x121: {  	v0 =	vld.idx.msk [tilespmem:v0+s5+$0x0], $0xffff;
	_ =	sdelay $0x4  }
0x122: {  	[tilespmem:s20+$0x1C810] =	vst v0  }
0x123: {  	v0 =	vld [tilespmem:s19+$0xFFFFFEB0];
	_ =	sdelay $0x7  }
0x124: {  	v0 =	vld.idx.msk [tilespmem:v0+s5+$0x0], $0xffff;
	_ =	sdelay $0x4  }
0x125: {  	[tilespmem:s20+$0x1C820] =	vst v0  }
0x126: {  	v0 =	vld [tilespmem:s19+$0xFFFFFEC0];
	_ =	sdelay $0x7  }
0x127: {  	v0 =	vld.idx.msk [tilespmem:v0+s5+$0x0], $0xffff;
	_ =	sdelay $0x4  }
0x128: {  	[tilespmem:s20+$0x1C830] =	vst v0  }
0x129: {  	v0 =	vld [tilespmem:s19+$0xFFFFFED0];
	_ =	sdelay $0x7  }
0x12a: {  	v0 =	vld.idx.msk [tilespmem:v0+s5+$0x0], $0xffff;
	_ =	sdelay $0x4  }
0x12b: {  	[tilespmem:s20+$0x1C840] =	vst v0  }
0x12c: {  	v0 =	vld [tilespmem:s19+$0xFFFFFEE0];
	_ =	sdelay $0x7  }
0x12d: {  	v0 =	vld.idx.msk [tilespmem:v0+s5+$0x0], $0xffff;
	_ =	sdelay $0x4  }
0x12e: {  	[tilespmem:s20+$0x1C850] =	vst v0  }
0x12f: {  	v0 =	vld [tilespmem:s19+$0xFFFFFEF0];
	_ =	sdelay $0x7  }
0x130: {  	v0 =	vld.idx.msk [tilespmem:v0+s5+$0x0], $0xffff;
	_ =	sdelay $0x4  }
0x131: {  	[tilespmem:s20+$0x1C860] =	vst v0  }
0x132: {  	v0 =	vld [tilespmem:s19+$0xFFFFFF00];
	_ =	sdelay $0x7  }
0x133: {  	v0 =	vld.idx.msk [tilespmem:v0+s5+$0x0], $0xffff;
	_ =	sdelay $0x4  }
0x134: {  	[tilespmem:s20+$0x1C870] =	vst v0  }
0x135: {  	v0 =	vld [tilespmem:s19+$0xFFFFFF10];
	_ =	sdelay $0x7  }
0x136: {  	v0 =	vld.idx.msk [tilespmem:v0+s5+$0x0], $0xffff;
	_ =	sdelay $0x4  }
0x137: {  	[tilespmem:s20+$0x1C900] =	vst v0  }
0x138: {  	v0 =	vld [tilespmem:s19+$0xFFFFFF20];
	_ =	sdelay $0x7  }
0x139: {  	v0 =	vld.idx.msk [tilespmem:v0+s5+$0x0], $0xffff;
	_ =	sdelay $0x4  }
0x13a: {  	[tilespmem:s20+$0x1C910] =	vst v0  }
0x13b: {  	v0 =	vld [tilespmem:s19+$0xFFFFFF30];
	_ =	sdelay $0x7  }
0x13c: {  	v0 =	vld.idx.msk [tilespmem:v0+s5+$0x0], $0xffff;
	_ =	sdelay $0x4  }
0x13d: {  	[tilespmem:s20+$0x1C920] =	vst v0  }
0x13e: {  	v0 =	vld [tilespmem:s19+$0xFFFFFF40];
	_ =	sdelay $0x7  }
0x13f: {  	v0 =	vld.idx.msk [tilespmem:v0+s5+$0x0], $0xffff;
	_ =	sdelay $0x4  }
0x140: {  	[tilespmem:s20+$0x1C930] =	vst v0  }
0x141: {  	v0 =	vld [tilespmem:s19+$0xFFFFFF50];
	_ =	sdelay $0x7  }
0x142: {  	v0 =	vld.idx.msk [tilespmem:v0+s5+$0x0], $0xffff;
	_ =	sdelay $0x4  }
0x143: {  	[tilespmem:s20+$0x1C940] =	vst v0  }
0x144: {  	v0 =	vld [tilespmem:s19+$0xFFFFFF60];
	_ =	sdelay $0x7  }
0x145: {  	v0 =	vld.idx.msk [tilespmem:v0+s5+$0x0], $0xffff;
	_ =	sdelay $0x4  }
0x146: {  	[tilespmem:s20+$0x1C950] =	vst v0  }
0x147: {  	v0 =	vld [tilespmem:s19+$0xFFFFFF70];
	_ =	sdelay $0x7  }
0x148: {  	v0 =	vld.idx.msk [tilespmem:v0+s5+$0x0], $0xffff;
	_ =	sdelay $0x4  }
0x149: {  	[tilespmem:s20+$0x1C960] =	vst v0  }
0x14a: {  	v0 =	vld [tilespmem:s19+$0xFFFFFF80];
	_ =	sdelay $0x7  }
0x14b: {  	v0 =	vld.idx.msk [tilespmem:v0+s5+$0x0], $0xffff;
	_ =	sdelay $0x4  }
0x14c: {  	[tilespmem:s20+$0x1C970] =	vst v0  }
0x14d: {  	v0 =	vld [tilespmem:s19+$0xFFFFFF90];
	_ =	sdelay $0x7  }
0x14e: {  	v0 =	vld.idx.msk [tilespmem:v0+s5+$0x0], $0xffff;
	_ =	sdelay $0x4  }
0x14f: {  	[tilespmem:s20+$0x1CA00] =	vst v0  }
0x150: {  	v0 =	vld [tilespmem:s19+$0xFFFFFFA0];
	_ =	sdelay $0x7  }
0x151: {  	v0 =	vld.idx.msk [tilespmem:v0+s5+$0x0], $0xffff;
	_ =	sdelay $0x4  }
0x152: {  	[tilespmem:s20+$0x1CA10] =	vst v0  }
0x153: {  	v0 =	vld [tilespmem:s19+$0xFFFFFFB0];
	_ =	sdelay $0x7  }
0x154: {  	v0 =	vld.idx.msk [tilespmem:v0+s5+$0x0], $0xffff;
	_ =	sdelay $0x4  }
0x155: {  	[tilespmem:s20+$0x1CA20] =	vst v0  }
0x156: {  	v0 =	vld [tilespmem:s19+$0xFFFFFFC0];
	_ =	sdelay $0x7  }
0x157: {  	v0 =	vld.idx.msk [tilespmem:v0+s5+$0x0], $0xffff;
	_ =	sdelay $0x4  }
0x158: {  	[tilespmem:s20+$0x1CA30] =	vst v0  }
0x159: {  	v0 =	vld [tilespmem:s19+$0xFFFFFFD0];
	_ =	sdelay $0x7  }
0x15a: {  	v0 =	vld.idx.msk [tilespmem:v0+s5+$0x0], $0xffff;
	_ =	sdelay $0x4  }
0x15b: {  	[tilespmem:s20+$0x1CA40] =	vst v0  }
0x15c: {  	v0 =	vld [tilespmem:s19+$0xFFFFFFE0];
	_ =	sdelay $0x7  }
0x15d: {  	v0 =	vld.idx.msk [tilespmem:v0+s5+$0x0], $0xffff;
	_ =	sdelay $0x4  }
0x15e: {  	[tilespmem:s20+$0x1CA50] =	vst v0  }
0x15f: {  	v0 =	vld [tilespmem:s19+$0xFFFFFFF0];
	_ =	sdelay $0x7  }
0x160: {  	v0 =	vld.idx.msk [tilespmem:v0+s5+$0x0], $0xffff;
	_ =	sdelay $0x4  }
0x161: {  	[tilespmem:s20+$0x1CA60] =	vst v0  }
0x162: {  	v0 =	vld [tilespmem:s19+$0x0];
	_ =	sdelay $0x7  }
0x163: {  	p0 =	sne.s32 s18, $0x7000;
	v0 =	vld.idx.msk [tilespmem:v0+s5+$0x0], $0xffff  }
.Ltmp4:
0x164: {  	_ = 	snop;
	(pc) =	sbr.rel @p0 .LBB2_11-.Ltmp4, $2  }
0x165: {  	_ =	sdelay $0x2  }
0x166: {  	s18 =	sadd.s32 $0x1000, s18;
	s19 =	sadd.s32 $0x200, s19;
	[tilespmem:s20+$0x1CA70] =	vst v0  }
0x167: {  	s18 =	sadd.s32 s17, s8;
	s19 =	simm.s32 $0x1C700  }
0x168: {  	s20 =	simm.s32 $0x80;
	s21 =	simm.s32 $0x1C800;
	s22 =	sadd.s32 $0x0, s18  }
.LBB2_13:
0x169: {  	[hbm4b:s22+s5] =	stream.linear.scatter [tilespmem:s19], [sflag:$0x1], $0x80, $0x38;
	[tilespmem:$0x1E700] =	vst v63  }
0x16a: {  	s22 =	smov.u32 s20;
	s19 =	smov.u32 s21;
	p0 =	sne.s32 s20, $0xF80  }
.Ltmp5:
0x16b: {  	s20 =	sadd.s32 $0x80, s20;
	(pc) =	sbr.rel @p0 .LBB2_13-.Ltmp5, $2  }
0x16c: {  	_ =	sdelay $0x2  }
0x16d: {  	s21 =	sadd.s32 $0x100, s21;
	s22 =	sadd.s32 s22, s18  }
0x16e: {  	[hbm4b:s22+s5] =	stream.linear.scatter [tilespmem:s19], [sflag:$0x1], $0x80, $0x38;
	[tilespmem:$0x1E700] =	vst v63  }
0x16f: {  	_ =	swait.ge [sflag:s14], $0x1000  }
0x170: {  	[sflag:s14] =	ssyncset.done $0x0  }
0x171: {  	s18 =	simm.s32 $0x0;
	s19 =	simm.s32 $0x1B8F0;
	[sflag:s14] =	ssyncadd.s32 $0xFFFFF000  }
.LBB2_15:
0x172: {  	v0 =	vld [tilespmem:s19+$0xFFFFFE10];
	_ =	sdelay $0x7  }
0x173: {  	v0 =	vld.idx.msk [tilespmem:v0+s5+$0x0], $0xffff;
	_ =	sdelay $0x3  }
0x174: {  	s20 =	sshra.s32 s18, $0x2  }
0x175: {  	[tilespmem:s20+$0x1C780] =	vst v0  }
0x176: {  	v0 =	vld [tilespmem:s19+$0xFFFFFE20];
	_ =	sdelay $0x7  }
0x177: {  	v0 =	vld.idx.msk [tilespmem:v0+s5+$0x0], $0xffff;
	_ =	sdelay $0x4  }
0x178: {  	[tilespmem:s20+$0x1C790] =	vst v0  }
0x179: {  	v0 =	vld [tilespmem:s19+$0xFFFFFE30];
	_ =	sdelay $0x7  }
0x17a: {  	v0 =	vld.idx.msk [tilespmem:v0+s5+$0x0], $0xffff;
	_ =	sdelay $0x4  }
0x17b: {  	[tilespmem:s20+$0x1C7A0] =	vst v0  }
0x17c: {  	v0 =	vld [tilespmem:s19+$0xFFFFFE40];
	_ =	sdelay $0x7  }
0x17d: {  	v0 =	vld.idx.msk [tilespmem:v0+s5+$0x0], $0xffff;
	_ =	sdelay $0x4  }
0x17e: {  	[tilespmem:s20+$0x1C7B0] =	vst v0  }
0x17f: {  	v0 =	vld [tilespmem:s19+$0xFFFFFE50];
	_ =	sdelay $0x7  }
0x180: {  	v0 =	vld.idx.msk [tilespmem:v0+s5+$0x0], $0xffff;
	_ =	sdelay $0x4  }
0x181: {  	[tilespmem:s20+$0x1C7C0] =	vst v0  }
0x182: {  	v0 =	vld [tilespmem:s19+$0xFFFFFE60];
	_ =	sdelay $0x7  }
0x183: {  	v0 =	vld.idx.msk [tilespmem:v0+s5+$0x0], $0xffff;
	_ =	sdelay $0x4  }
0x184: {  	[tilespmem:s20+$0x1C7D0] =	vst v0  }
0x185: {  	v0 =	vld [tilespmem:s19+$0xFFFFFE70];
	_ =	sdelay $0x7  }
0x186: {  	v0 =	vld.idx.msk [tilespmem:v0+s5+$0x0], $0xffff;
	_ =	sdelay $0x4  }
0x187: {  	[tilespmem:s20+$0x1C7E0] =	vst v0  }
0x188: {  	v0 =	vld [tilespmem:s19+$0xFFFFFE80];
	_ =	sdelay $0x7  }
0x189: {  	v0 =	vld.idx.msk [tilespmem:v0+s5+$0x0], $0xffff;
	_ =	sdelay $0x4  }
0x18a: {  	[tilespmem:s20+$0x1C7F0] =	vst v0  }
0x18b: {  	v0 =	vld [tilespmem:s19+$0xFFFFFE90];
	_ =	sdelay $0x7  }
0x18c: {  	v0 =	vld.idx.msk [tilespmem:v0+s5+$0x0], $0xffff;
	_ =	sdelay $0x4  }
0x18d: {  	[tilespmem:s20+$0x1C880] =	vst v0  }
0x18e: {  	v0 =	vld [tilespmem:s19+$0xFFFFFEA0];
	_ =	sdelay $0x7  }
0x18f: {  	v0 =	vld.idx.msk [tilespmem:v0+s5+$0x0], $0xffff;
	_ =	sdelay $0x4  }
0x190: {  	[tilespmem:s20+$0x1C890] =	vst v0  }
0x191: {  	v0 =	vld [tilespmem:s19+$0xFFFFFEB0];
	_ =	sdelay $0x7  }
0x192: {  	v0 =	vld.idx.msk [tilespmem:v0+s5+$0x0], $0xffff;
	_ =	sdelay $0x4  }
0x193: {  	[tilespmem:s20+$0x1C8A0] =	vst v0  }
0x194: {  	v0 =	vld [tilespmem:s19+$0xFFFFFEC0];
	_ =	sdelay $0x7  }
0x195: {  	v0 =	vld.idx.msk [tilespmem:v0+s5+$0x0], $0xffff;
	_ =	sdelay $0x4  }
0x196: {  	[tilespmem:s20+$0x1C8B0] =	vst v0  }
0x197: {  	v0 =	vld [tilespmem:s19+$0xFFFFFED0];
	_ =	sdelay $0x7  }
0x198: {  	v0 =	vld.idx.msk [tilespmem:v0+s5+$0x0], $0xffff;
	_ =	sdelay $0x4  }
0x199: {  	[tilespmem:s20+$0x1C8C0] =	vst v0  }
0x19a: {  	v0 =	vld [tilespmem:s19+$0xFFFFFEE0];
	_ =	sdelay $0x7  }
0x19b: {  	v0 =	vld.idx.msk [tilespmem:v0+s5+$0x0], $0xffff;
	_ =	sdelay $0x4  }
0x19c: {  	[tilespmem:s20+$0x1C8D0] =	vst v0  }
0x19d: {  	v0 =	vld [tilespmem:s19+$0xFFFFFEF0];
	_ =	sdelay $0x7  }
0x19e: {  	v0 =	vld.idx.msk [tilespmem:v0+s5+$0x0], $0xffff;
	_ =	sdelay $0x4  }
0x19f: {  	[tilespmem:s20+$0x1C8E0] =	vst v0  }
0x1a0: {  	v0 =	vld [tilespmem:s19+$0xFFFFFF00];
	_ =	sdelay $0x7  }
0x1a1: {  	v0 =	vld.idx.msk [tilespmem:v0+s5+$0x0], $0xffff;
	_ =	sdelay $0x4  }
0x1a2: {  	[tilespmem:s20+$0x1C8F0] =	vst v0  }
0x1a3: {  	v0 =	vld [tilespmem:s19+$0xFFFFFF10];
	_ =	sdelay $0x7  }
0x1a4: {  	v0 =	vld.idx.msk [tilespmem:v0+s5+$0x0], $0xffff;
	_ =	sdelay $0x4  }
0x1a5: {  	[tilespmem:s20+$0x1C980] =	vst v0  }
0x1a6: {  	v0 =	vld [tilespmem:s19+$0xFFFFFF20];
	_ =	sdelay $0x7  }
0x1a7: {  	v0 =	vld.idx.msk [tilespmem:v0+s5+$0x0], $0xffff;
	_ =	sdelay $0x4  }
0x1a8: {  	[tilespmem:s20+$0x1C990] =	vst v0  }
0x1a9: {  	v0 =	vld [tilespmem:s19+$0xFFFFFF30];
	_ =	sdelay $0x7  }
0x1aa: {  	v0 =	vld.idx.msk [tilespmem:v0+s5+$0x0], $0xffff;
	_ =	sdelay $0x4  }
0x1ab: {  	[tilespmem:s20+$0x1C9A0] =	vst v0  }
0x1ac: {  	v0 =	vld [tilespmem:s19+$0xFFFFFF40];
	_ =	sdelay $0x7  }
0x1ad: {  	v0 =	vld.idx.msk [tilespmem:v0+s5+$0x0], $0xffff;
	_ =	sdelay $0x4  }
0x1ae: {  	[tilespmem:s20+$0x1C9B0] =	vst v0  }
0x1af: {  	v0 =	vld [tilespmem:s19+$0xFFFFFF50];
	_ =	sdelay $0x7  }
0x1b0: {  	v0 =	vld.idx.msk [tilespmem:v0+s5+$0x0], $0xffff;
	_ =	sdelay $0x4  }
0x1b1: {  	[tilespmem:s20+$0x1C9C0] =	vst v0  }
0x1b2: {  	v0 =	vld [tilespmem:s19+$0xFFFFFF60];
	_ =	sdelay $0x7  }
0x1b3: {  	v0 =	vld.idx.msk [tilespmem:v0+s5+$0x0], $0xffff;
	_ =	sdelay $0x4  }
0x1b4: {  	[tilespmem:s20+$0x1C9D0] =	vst v0  }
0x1b5: {  	v0 =	vld [tilespmem:s19+$0xFFFFFF70];
	_ =	sdelay $0x7  }
0x1b6: {  	v0 =	vld.idx.msk [tilespmem:v0+s5+$0x0], $0xffff;
	_ =	sdelay $0x4  }
0x1b7: {  	[tilespmem:s20+$0x1C9E0] =	vst v0  }
0x1b8: {  	v0 =	vld [tilespmem:s19+$0xFFFFFF80];
	_ =	sdelay $0x7  }
0x1b9: {  	v0 =	vld.idx.msk [tilespmem:v0+s5+$0x0], $0xffff;
	_ =	sdelay $0x4  }
0x1ba: {  	[tilespmem:s20+$0x1C9F0] =	vst v0  }
0x1bb: {  	v0 =	vld [tilespmem:s19+$0xFFFFFF90];
	_ =	sdelay $0x7  }
0x1bc: {  	v0 =	vld.idx.msk [tilespmem:v0+s5+$0x0], $0xffff;
	_ =	sdelay $0x4  }
0x1bd: {  	[tilespmem:s20+$0x1CA80] =	vst v0  }
0x1be: {  	v0 =	vld [tilespmem:s19+$0xFFFFFFA0];
	_ =	sdelay $0x7  }
0x1bf: {  	v0 =	vld.idx.msk [tilespmem:v0+s5+$0x0], $0xffff;
	_ =	sdelay $0x4  }
0x1c0: {  	[tilespmem:s20+$0x1CA90] =	vst v0  }
0x1c1: {  	v0 =	vld [tilespmem:s19+$0xFFFFFFB0];
	_ =	sdelay $0x7  }
0x1c2: {  	v0 =	vld.idx.msk [tilespmem:v0+s5+$0x0], $0xffff;
	_ =	sdelay $0x4  }
0x1c3: {  	[tilespmem:s20+$0x1CAA0] =	vst v0  }
0x1c4: {  	v0 =	vld [tilespmem:s19+$0xFFFFFFC0];
	_ =	sdelay $0x7  }
0x1c5: {  	v0 =	vld.idx.msk [tilespmem:v0+s5+$0x0], $0xffff;
	_ =	sdelay $0x4  }
0x1c6: {  	[tilespmem:s20+$0x1CAB0] =	vst v0  }
0x1c7: {  	v0 =	vld [tilespmem:s19+$0xFFFFFFD0];
	_ =	sdelay $0x7  }
0x1c8: {  	v0 =	vld.idx.msk [tilespmem:v0+s5+$0x0], $0xffff;
	_ =	sdelay $0x4  }
0x1c9: {  	[tilespmem:s20+$0x1CAC0] =	vst v0  }
0x1ca: {  	v0 =	vld [tilespmem:s19+$0xFFFFFFE0];
	_ =	sdelay $0x7  }
0x1cb: {  	v0 =	vld.idx.msk [tilespmem:v0+s5+$0x0], $0xffff;
	_ =	sdelay $0x4  }
0x1cc: {  	[tilespmem:s20+$0x1CAD0] =	vst v0  }
0x1cd: {  	v0 =	vld [tilespmem:s19+$0xFFFFFFF0];
	_ =	sdelay $0x7  }
0x1ce: {  	v0 =	vld.idx.msk [tilespmem:v0+s5+$0x0], $0xffff;
	_ =	sdelay $0x4  }
0x1cf: {  	[tilespmem:s20+$0x1CAE0] =	vst v0  }
0x1d0: {  	v0 =	vld [tilespmem:s19+$0x0];
	_ =	sdelay $0x7  }
0x1d1: {  	p0 =	sne.s32 s18, $0x7000;
	v0 =	vld.idx.msk [tilespmem:v0+s5+$0x0], $0xffff  }
.Ltmp6:
0x1d2: {  	_ = 	snop;
	(pc) =	sbr.rel @p0 .LBB2_15-.Ltmp6, $2  }
0x1d3: {  	_ =	sdelay $0x2  }
0x1d4: {  	s18 =	sadd.s32 $0x1000, s18;
	s19 =	sadd.s32 $0x200, s19;
	[tilespmem:s20+$0x1CAF0] =	vst v0  }
0x1d5: {  	s17 =	sadd.s32 s17, s9;
	s18 =	simm.s32 $0x1C780  }
0x1d6: {  	s19 =	simm.s32 $0x80;
	s20 =	simm.s32 $0x1C880;
	s21 =	sadd.s32 $0x0, s17  }
.LBB2_17:
0x1d7: {  	[hbm4b:s21+s5] =	stream.linear.scatter [tilespmem:s18], [sflag:$0x1], $0x80, $0x38;
	[tilespmem:$0x1E700] =	vst v63  }
0x1d8: {  	s21 =	smov.u32 s19;
	s18 =	smov.u32 s20;
	p0 =	sne.s32 s19, $0xF80  }
.Ltmp7:
0x1d9: {  	s19 =	sadd.s32 $0x80, s19;
	(pc) =	sbr.rel @p0 .LBB2_17-.Ltmp7, $2  }
0x1da: {  	_ =	sdelay $0x2  }
0x1db: {  	s20 =	sadd.s32 $0x100, s20;
	s21 =	sadd.s32 s21, s17  }
0x1dc: {  	s16 =	sadd.s32 $0x1, s16  }
0x1dd: {  	p0 =	sne.s32 s16, $0xD  }
.Ltmp8:
0x1de: {  	_ = 	snop;
	(pc) =	sbr.rel @p0 .LBB2_2-.Ltmp8, $2  }
0x1df: {  	_ =	sdelay $0x2  }
0x1e0: {  	[hbm4b:s21+s5] =	stream.linear.scatter [tilespmem:s18], [sflag:$0x1], $0x80, $0x38;
	[tilespmem:$0x1E700] =	vst v63  }
0x1e1: {  	s15 =	sadd.s32 $0x1, s15  }
0x1e2: {  	_ =	swait.ge [sflag:s14], $0x1000;
	p0 =	sne.s32 s15, s10  }
.Ltmp9:
0x1e3: {  	[sflag:s14] =	ssyncset.done $0x0;
	(pc) =	sbr.rel @p0 .LBB2_1-.Ltmp9, $4  }
0x1e4: {  	[sflag:s14] =	ssyncadd.s32 $0xFFFFF000  }
0x1e5: {  	_ =	swait.ge [sflag:s14], $0x1000  }
0x1e6: {  	[sflag:s14] =	ssyncset.done $0x0  }
0x1e7: {  	[sflag:s14] =	ssyncadd.s32 $0xFFFFF000  }
0x1e8: {  	_ =	sfence.sel $0x180000  }
0x1e9: {  	[bflag:$0x0] =	sbarrier.arrive $0xFFFF  }
0x1ea: {  	p0 =	sne.s32 s2, $0x0;
	_ =	strace $0x90000047  }
0x1eb: {  	s0 =	sadd.s32 @!p0 $0x100000, s0;
	[bflag:$0x2] =	sbarrier.arrive $0xFFFF  }
0x1ec: {  	[sflag:s0] =	ssyncadd.tile.s32 @!p0 $0x1;
	_ =	shalt  }
.Lfunc_end2:
_tile_overlayer_lowered:
.L_overlay_start_2:
0x1ed: {  	(tag) =	ssettag $0x2  }
0x1ee: {  	s0 =	rddreg [dreg:$0x0];
	s2 =	stileid.u32  }
0x1ef: {  	s1 =	rddreg [dreg:$0x1];
	p0 =	sne.s32 s2, $0x0  }
0x1f0: {  	s3 =	rddreg [dreg:$0x2];
	[bflag:$0x3] =	sbarrier.arrive $0xFFFF;
	s2 =	simm.s32 @!p0 $0x1C02  }
0x1f1: {  	[timem:s3], [sflag:s2] =	dma.local @!p0 [hbm:s0], s1  }
0x1f2: {  	s0 =	simm.s32 @!p0 $0x2  }
0x1f3: {  	_ =	swait.ge @!p0 [sflag:s0], s1  }
0x1f4: {  	s1 =	ssub.s32 @!p0 $0x0, s1;
	[sflag:s0] =	ssyncset.done @!p0 $0x0  }
0x1f5: {  	[sflag:s0] =	ssyncadd.s32 @!p0 s1  }
0x1f6: {  	[bflag:$0x3] =	sbarrier.arrive $0xFFFF  }
0x1f7: {  	_ =	shalt  }

</sc_bundles>
